<compile_context>
chip_gen: v7x
topology: tpu7x:2x2x1
jax: 0.10.2.dev20260603
libtpu: 0.0.44.dev20260713+nightly
codegen_flags: <defaults>
</compile_context>

<pallas_src>
import functools

import jax
import jax.numpy as jnp
from jax import lax
from jax.experimental import pallas as pl
from jax.experimental.pallas import tpu as pltpu
from jax.experimental.pallas import tpu_sc as plsc

N = 100000
W = 128
MAXD = 4
L = 16
NC = 2
NS = 16
NW = NC * NS
CHUNK = 160
NBUF = 4
NCHUNKS = N // CHUNK
ITERS = -(-NCHUNKS // NW)

_mesh = plsc.VectorSubcoreMesh(core_axis_name="c", subcore_axis_name="s")


@functools.partial(
    pl.kernel,
    out_type=jax.ShapeDtypeStruct((N, W), jnp.float32),
    mesh=_mesh,
    scratch_types=[
        pltpu.VMEM((MAXD, W), jnp.float32),
        pltpu.VMEM((NBUF * CHUNK, W), jnp.float32),
        pltpu.VMEM((NBUF * CHUNK,), jnp.int32),
        pltpu.SemaphoreType.DMA((NBUF,)),
        pltpu.SemaphoreType.DMA((NBUF,)),
    ],
)
def _scale_degree(x_hbm, d_hbm, scale_hbm, out_hbm, wtab, xball, dball, sin, sout):
    wid = lax.axis_index("s") * NC + lax.axis_index("c")

    def valid(it):
        return (it * NW + wid) < NCHUNKS

    def in_descrs(it, bb):
        base = (it * NW + wid) * CHUNK
        voff = bb * CHUNK
        return (
            pltpu.make_async_copy(x_hbm.at[pl.ds(base, CHUNK)],
                                  xball.at[pl.ds(voff, CHUNK)], sin.at[bb]),
            pltpu.make_async_copy(d_hbm.at[pl.ds(base, CHUNK)],
                                  dball.at[pl.ds(voff, CHUNK)], sin.at[bb]),
        )

    def out_descr(it, bb):
        base = (it * NW + wid) * CHUNK
        voff = bb * CHUNK
        return pltpu.make_async_copy(xball.at[pl.ds(voff, CHUNK)],
                                     out_hbm.at[pl.ds(base, CHUNK)], sout.at[bb])

    def start_in(it, bb):
        @pl.when(valid(it))
        def _():
            cx, cd = in_descrs(it, bb)
            cx.start()
            cd.start()

    start_in(0, 0)
    start_in(1, 1)

    pltpu.sync_copy(scale_hbm, wtab)
    wrows = [[jnp.exp(wtab[r, pl.ds(j * L, L)]) for j in range(W // L)]
             for r in range(MAXD)]

    def step(it, _):
        bb = it & (NBUF - 1)
        bb2 = (it + 2) & (NBUF - 1)

        @pl.when((it >= 2) & valid(it - 2))
        def _():
            out_descr(it - 2, bb2).wait()
        start_in(it + 2, bb2)

        @pl.when(valid(it))
        def _():
            cx, cd = in_descrs(it, bb)
            cx.wait()
            cd.wait()
            voff = bb * CHUNK

            def group_body(g, _):
                dvec = dball[pl.ds(voff + g * L, L)]
                for k in range(L):
                    dr = dvec[k]
                    row = voff + g * L + k
                    for j in range(W // L):
                        sl = pl.ds(j * L, L)
                        w = jnp.where(
                            dr == 0, wrows[0][j],
                            jnp.where(dr == 1, wrows[1][j],
                                      jnp.where(dr == 2, wrows[2][j], wrows[3][j])))
                        xball[row, sl] = xball[row, sl] * w
                return 0

            lax.fori_loop(0, CHUNK // L, group_body, 0)
            out_descr(it, bb).start()
        return 0

    lax.fori_loop(0, ITERS, step, 0)

    for it in (ITERS - 2, ITERS - 1):
        @pl.when(valid(it))
        def _(it=it, bb=it % NBUF):
            out_descr(it, bb).wait()


def kernel(x, d, scale):
    return _scale_degree(x, d.astype(jnp.int32), scale)

# --- scband reference (transcript-rebuilt; emitter-appended) ---
"""Pipeline reference for scband-scale-degree-layer-7232724927096 (READ-ONLY COPY).

The authoritative reference and input builder live on the scoring server;
editing this copy changes nothing except your own understanding.
"""

import jax, jax.numpy as jnp
import numpy as np

MAX_DEGREE = 4
WIDTH = 128
N = 100000

def setup_inputs(seed: int = 0) -> dict:
    key = jax.random.key(seed)
    k1, k2 = jax.random.split(key)
    x = jax.random.normal(k1, (N, WIDTH), dtype=jnp.float32)
    d = jax.random.randint(k2, (N,), 0, MAX_DEGREE, dtype=jnp.int64 if jax.config.read('jax_enable_x64') else jnp.int32).astype(jnp.int32)
    # learned parameter: scale = zeros(MAX_DEGREE, width) + log(scale_init), scale_init=1.0 -> log(1.0)=0
    scale = jnp.zeros((MAX_DEGREE, WIDTH), dtype=jnp.float32) + np.log(1.0)
    return {"x": x, "d": d, "scale": scale}

def reference(x, d, scale):
    # torch: pt.exp(self.scale)[d] * x  -> gather rows of exp(scale) by degree index, elementwise multiply
    gathered = jnp.take(jnp.exp(scale), d, axis=0)  # [N, width]
    return gathered * x

if __name__ == "__main__":
    import jax
    _d = setup_inputs()
    print(jax.jit(kernel)(*tuple(_d.values())))

</pallas_src>

<mosaic_0001>
#map = affine_map<(d0, d1) -> (0, 0)>
#map1 = affine_map<(d0, d1) -> (0)>
module attributes {stable_mosaic.version = 14 : i64} {
  func.func @_scale_degree(%arg0: i32, %arg1: i32, %arg2: memref<100000x128xf32, #tpu.memory_space<hbm>>, %arg3: memref<100000xi32, #tpu.memory_space<hbm>>, %arg4: memref<4x128xf32, #tpu.memory_space<hbm>>, %arg5: memref<100000x128xf32, #tpu.memory_space<hbm>>, %arg6: memref<4x128xf32, #tpu.memory_space<vmem>>, %arg7: memref<640x128xf32, #tpu.memory_space<vmem>>, %arg8: memref<640xi32, #tpu.memory_space<vmem>>, %arg9: memref<4x!tpu.dma_semaphore, #tpu.memory_space<semaphore_mem>>, %arg10: memref<4x!tpu.dma_semaphore, #tpu.memory_space<semaphore_mem>>) attributes {dimension_semantics = [#tpu.dimension_semantics<core_parallel>, #tpu.dimension_semantics<subcore_parallel>], iteration_bounds = array<i64: 2, 16>, scalar_prefetch = 0 : i64, scratch_operands = 5 : i64, tpu.core_type = #tpu.core_type<sc_vector_subcore>, window_params = [{transform_indices = #map}, {transform_indices = #map1}, {transform_indices = #map}, {transform_indices = #map}]} {
    %mul3A = arith.constant 2 : i32
    %mul3A_0 = arith.muli %arg1, %mul3A : i32
    %add3A = arith.addi %mul3A_0, %arg0 : i32
    %add3A_1 = arith.constant 0 : i32
    %add3A_2 = arith.addi %add3A_1, %add3A : i32
    %lt3A = arith.constant 625 : i32
    %lt3A_3 = arith.cmpi slt, %add3A_2, %lt3A : i32
    %convert_element_type3A = arith.extui %lt3A_3 : i1 to i32
    %cond3A = arith.constant 0 : i32
    %cond3A_4 = arith.cmpi ne, %convert_element_type3A, %cond3A : i32
    scf.if %cond3A_4 {
      %add3A_222 = arith.constant 0 : i32
      %add3A_223 = arith.addi %add3A_222, %add3A : i32
      %mul3A_224 = arith.constant 160 : i32
      %mul3A_225 = arith.muli %add3A_223, %mul3A_224 : i32
      %dma_start3A = arith.constant 0 : i32
      %dma_start3A_226 = arith.constant 0 : i32
      %dma_start3A_227 = arith.constant 0 : i32
      %dma_start3A_228 = tpu.memref_slice %arg7[%dma_start3A_226, %dma_start3A_227] : memref<640x128xf32, #tpu.memory_space<vmem>> -> memref<160x128xf32, #tpu.memory_space<vmem>>
      %dma_start3A_229 = arith.constant 0 : i32
      %dma_start3A_230 = tpu.memref_slice %arg2[%mul3A_225, %dma_start3A_229] : memref<100000x128xf32, #tpu.memory_space<hbm>> -> memref<160x128xf32, #tpu.memory_space<hbm>>
      %dma_start3A_231 = tpu.memref_slice %arg9[%dma_start3A] : memref<4x!tpu.dma_semaphore, #tpu.memory_space<semaphore_mem>> -> memref<1x!tpu.dma_semaphore, #tpu.memory_space<semaphore_mem>>
      %dma_start3A_232 = tpu.memref_squeeze %dma_start3A_231 : memref<1x!tpu.dma_semaphore, #tpu.memory_space<semaphore_mem>> -> memref<!tpu.dma_semaphore, #tpu.memory_space<semaphore_mem>>
      %dma_start3A_233 = arith.constant 0 : i32
      %dma_start3A_234 = arith.constant 0 : i32
      %dma_start3A_235 = tpu.memref_slice %arg7[%dma_start3A_233, %dma_start3A_234] : memref<640x128xf32, #tpu.memory_space<vmem>> -> memref<160x128xf32, #tpu.memory_space<vmem>>
      %dma_start3A_236 = arith.constant 0 : i32
      %dma_start3A_237 = tpu.memref_slice %arg2[%mul3A_225, %dma_start3A_236] : memref<100000x128xf32, #tpu.memory_space<hbm>> -> memref<160x128xf32, #tpu.memory_space<hbm>>
      tpu.enqueue_dma source(%dma_start3A_237 : memref<160x128xf32, #tpu.memory_space<hbm>>) target(%dma_start3A_235 : memref<160x128xf32, #tpu.memory_space<vmem>>) target_semaphore(%dma_start3A_232 : memref<!tpu.dma_semaphore, #tpu.memory_space<semaphore_mem>>)
      %dma_start3A_238 = arith.constant 0 : i32
      %dma_start3A_239 = arith.constant 0 : i32
      %dma_start3A_240 = tpu.memref_slice %arg8[%dma_start3A_239] : memref<640xi32, #tpu.memory_space<vmem>> -> memref<160xi32, #tpu.memory_space<vmem>>
      %dma_start3A_241 = tpu.memref_slice %arg3[%mul3A_225] : memref<100000xi32, #tpu.memory_space<hbm>> -> memref<160xi32, #tpu.memory_space<hbm>>
      %dma_start3A_242 = tpu.memref_slice %arg9[%dma_start3A_238] : memref<4x!tpu.dma_semaphore, #tpu.memory_space<semaphore_mem>> -> memref<1x!tpu.dma_semaphore, #tpu.memory_space<semaphore_mem>>
      %dma_start3A_243 = tpu.memref_squeeze %dma_start3A_242 : memref<1x!tpu.dma_semaphore, #tpu.memory_space<semaphore_mem>> -> memref<!tpu.dma_semaphore, #tpu.memory_space<semaphore_mem>>
      %dma_start3A_244 = arith.constant 0 : i32
      %dma_start3A_245 = tpu.memref_slice %arg8[%dma_start3A_244] : memref<640xi32, #tpu.memory_space<vmem>> -> memref<160xi32, #tpu.memory_space<vmem>>
      %dma_start3A_246 = tpu.memref_slice %arg3[%mul3A_225] : memref<100000xi32, #tpu.memory_space<hbm>> -> memref<160xi32, #tpu.memory_space<hbm>>
      tpu.enqueue_dma source(%dma_start3A_246 : memref<160xi32, #tpu.memory_space<hbm>>) target(%dma_start3A_245 : memref<160xi32, #tpu.memory_space<vmem>>) target_semaphore(%dma_start3A_243 : memref<!tpu.dma_semaphore, #tpu.memory_space<semaphore_mem>>)
    } else {
    }
    %add3A_5 = arith.constant 32 : i32
    %add3A_6 = arith.addi %add3A_5, %add3A : i32
    %lt3A_7 = arith.constant 625 : i32
    %lt3A_8 = arith.cmpi slt, %add3A_6, %lt3A_7 : i32
    %convert_element_type3A_9 = arith.extui %lt3A_8 : i1 to i32
    %cond3A_10 = arith.constant 0 : i32
    %cond3A_11 = arith.cmpi ne, %convert_element_type3A_9, %cond3A_10 : i32
    scf.if %cond3A_11 {
      %add3A_222 = arith.constant 32 : i32
      %add3A_223 = arith.addi %add3A_222, %add3A : i32
      %mul3A_224 = arith.constant 160 : i32
      %mul3A_225 = arith.muli %add3A_223, %mul3A_224 : i32
      %dma_start3A = arith.constant 1 : i32
      %dma_start3A_226 = arith.constant 160 : i32
      %dma_start3A_227 = arith.constant 0 : i32
      %dma_start3A_228 = tpu.memref_slice %arg7[%dma_start3A_226, %dma_start3A_227] : memref<640x128xf32, #tpu.memory_space<vmem>> -> memref<160x128xf32, #tpu.memory_space<vmem>>
      %dma_start3A_229 = arith.constant 0 : i32
      %dma_start3A_230 = tpu.memref_slice %arg2[%mul3A_225, %dma_start3A_229] : memref<100000x128xf32, #tpu.memory_space<hbm>> -> memref<160x128xf32, #tpu.memory_space<hbm>>
      %dma_start3A_231 = tpu.memref_slice %arg9[%dma_start3A] : memref<4x!tpu.dma_semaphore, #tpu.memory_space<semaphore_mem>> -> memref<1x!tpu.dma_semaphore, #tpu.memory_space<semaphore_mem>>
      %dma_start3A_232 = tpu.memref_squeeze %dma_start3A_231 : memref<1x!tpu.dma_semaphore, #tpu.memory_space<semaphore_mem>> -> memref<!tpu.dma_semaphore, #tpu.memory_space<semaphore_mem>>
      %dma_start3A_233 = arith.constant 160 : i32
      %dma_start3A_234 = arith.constant 0 : i32
      %dma_start3A_235 = tpu.memref_slice %arg7[%dma_start3A_233, %dma_start3A_234] : memref<640x128xf32, #tpu.memory_space<vmem>> -> memref<160x128xf32, #tpu.memory_space<vmem>>
      %dma_start3A_236 = arith.constant 0 : i32
      %dma_start3A_237 = tpu.memref_slice %arg2[%mul3A_225, %dma_start3A_236] : memref<100000x128xf32, #tpu.memory_space<hbm>> -> memref<160x128xf32, #tpu.memory_space<hbm>>
      tpu.enqueue_dma source(%dma_start3A_237 : memref<160x128xf32, #tpu.memory_space<hbm>>) target(%dma_start3A_235 : memref<160x128xf32, #tpu.memory_space<vmem>>) target_semaphore(%dma_start3A_232 : memref<!tpu.dma_semaphore, #tpu.memory_space<semaphore_mem>>)
      %dma_start3A_238 = arith.constant 1 : i32
      %dma_start3A_239 = arith.constant 160 : i32
      %dma_start3A_240 = tpu.memref_slice %arg8[%dma_start3A_239] : memref<640xi32, #tpu.memory_space<vmem>> -> memref<160xi32, #tpu.memory_space<vmem>>
      %dma_start3A_241 = tpu.memref_slice %arg3[%mul3A_225] : memref<100000xi32, #tpu.memory_space<hbm>> -> memref<160xi32, #tpu.memory_space<hbm>>
      %dma_start3A_242 = tpu.memref_slice %arg9[%dma_start3A_238] : memref<4x!tpu.dma_semaphore, #tpu.memory_space<semaphore_mem>> -> memref<1x!tpu.dma_semaphore, #tpu.memory_space<semaphore_mem>>
      %dma_start3A_243 = tpu.memref_squeeze %dma_start3A_242 : memref<1x!tpu.dma_semaphore, #tpu.memory_space<semaphore_mem>> -> memref<!tpu.dma_semaphore, #tpu.memory_space<semaphore_mem>>
      %dma_start3A_244 = arith.constant 160 : i32
      %dma_start3A_245 = tpu.memref_slice %arg8[%dma_start3A_244] : memref<640xi32, #tpu.memory_space<vmem>> -> memref<160xi32, #tpu.memory_space<vmem>>
      %dma_start3A_246 = tpu.memref_slice %arg3[%mul3A_225] : memref<100000xi32, #tpu.memory_space<hbm>> -> memref<160xi32, #tpu.memory_space<hbm>>
      tpu.enqueue_dma source(%dma_start3A_246 : memref<160xi32, #tpu.memory_space<hbm>>) target(%dma_start3A_245 : memref<160xi32, #tpu.memory_space<vmem>>) target_semaphore(%dma_start3A_243 : memref<!tpu.dma_semaphore, #tpu.memory_space<semaphore_mem>>)
    } else {
    }
    "tpu.region"() ({
      %run_scoped3A = tpu.sem_alloc : memref<!tpu.dma_semaphore, #tpu.memory_space<semaphore_mem>>
      tpu.enqueue_dma source(%arg4 : memref<4x128xf32, #tpu.memory_space<hbm>>) target(%arg6 : memref<4x128xf32, #tpu.memory_space<vmem>>) target_semaphore(%run_scoped3A : memref<!tpu.dma_semaphore, #tpu.memory_space<semaphore_mem>>)
      tpu.wait_dma2 semaphore(%run_scoped3A : memref<!tpu.dma_semaphore, #tpu.memory_space<semaphore_mem>>) src(%arg4 : memref<4x128xf32, #tpu.memory_space<hbm>>) dst(%arg6 : memref<4x128xf32, #tpu.memory_space<vmem>>)
      tpu.yield
    }) : () -> ()
    %get3A = arith.constant 0 : i32
    %get3A_12 = arith.index_cast %get3A : i32 to index
    %get3A_13 = arith.constant 0 : index
    %get3A_14 = tpu.vector_load %arg6[%get3A_12, %get3A_13] {strides = array<i32>} : memref<4x128xf32, #tpu.memory_space<vmem>>, vector<1x16xf32>,
    %get3A_15 = vector.shape_cast %get3A_14 : vector<1x16xf32> to vector<16xf32>
    %exp3A = math.exp %get3A_15 : vector<16xf32>
    %get3A_16 = arith.constant 0 : i32
    %get3A_17 = arith.index_cast %get3A_16 : i32 to index
    %get3A_18 = arith.constant 16 : index
    %get3A_19 = tpu.vector_load %arg6[%get3A_17, %get3A_18] {strides = array<i32>} : memref<4x128xf32, #tpu.memory_space<vmem>>, vector<1x16xf32>,
    %get3A_20 = vector.shape_cast %get3A_19 : vector<1x16xf32> to vector<16xf32>
    %exp3A_21 = math.exp %get3A_20 : vector<16xf32>
    %get3A_22 = arith.constant 0 : i32
    %get3A_23 = arith.index_cast %get3A_22 : i32 to index
    %get3A_24 = arith.constant 32 : index
    %get3A_25 = tpu.vector_load %arg6[%get3A_23, %get3A_24] {strides = array<i32>} : memref<4x128xf32, #tpu.memory_space<vmem>>, vector<1x16xf32>,
    %get3A_26 = vector.shape_cast %get3A_25 : vector<1x16xf32> to vector<16xf32>
    %exp3A_27 = math.exp %get3A_26 : vector<16xf32>
    %get3A_28 = arith.constant 0 : i32
    %get3A_29 = arith.index_cast %get3A_28 : i32 to index
    %get3A_30 = arith.constant 48 : index
    %get3A_31 = tpu.vector_load %arg6[%get3A_29, %get3A_30] {strides = array<i32>} : memref<4x128xf32, #tpu.memory_space<vmem>>, vector<1x16xf32>,
    %get3A_32 = vector.shape_cast %get3A_31 : vector<1x16xf32> to vector<16xf32>
    %exp3A_33 = math.exp %get3A_32 : vector<16xf32>
    %get3A_34 = arith.constant 0 : i32
    %get3A_35 = arith.index_cast %get3A_34 : i32 to index
    %get3A_36 = arith.constant 64 : index
    %get3A_37 = tpu.vector_load %arg6[%get3A_35, %get3A_36] {strides = array<i32>} : memref<4x128xf32, #tpu.memory_space<vmem>>, vector<1x16xf32>,
    %get3A_38 = vector.shape_cast %get3A_37 : vector<1x16xf32> to vector<16xf32>
    %exp3A_39 = math.exp %get3A_38 : vector<16xf32>
    %get3A_40 = arith.constant 0 : i32
    %get3A_41 = arith.index_cast %get3A_40 : i32 to index
    %get3A_42 = arith.constant 80 : index
    %get3A_43 = tpu.vector_load %arg6[%get3A_41, %get3A_42] {strides = array<i32>} : memref<4x128xf32, #tpu.memory_space<vmem>>, vector<1x16xf32>,
    %get3A_44 = vector.shape_cast %get3A_43 : vector<1x16xf32> to vector<16xf32>
    %exp3A_45 = math.exp %get3A_44 : vector<16xf32>
    %get3A_46 = arith.constant 0 : i32
    %get3A_47 = arith.index_cast %get3A_46 : i32 to index
    %get3A_48 = arith.constant 96 : index
    %get3A_49 = tpu.vector_load %arg6[%get3A_47, %get3A_48] {strides = array<i32>} : memref<4x128xf32, #tpu.memory_space<vmem>>, vector<1x16xf32>,
    %get3A_50 = vector.shape_cast %get3A_49 : vector<1x16xf32> to vector<16xf32>
    %exp3A_51 = math.exp %get3A_50 : vector<16xf32>
    %get3A_52 = arith.constant 0 : i32
    %get3A_53 = arith.index_cast %get3A_52 : i32 to index
    %get3A_54 = arith.constant 112 : index
    %get3A_55 = tpu.vector_load %arg6[%get3A_53, %get3A_54] {strides = array<i32>} : memref<4x128xf32, #tpu.memory_space<vmem>>, vector<1x16xf32>,
    %get3A_56 = vector.shape_cast %get3A_55 : vector<1x16xf32> to vector<16xf32>
    %exp3A_57 = math.exp %get3A_56 : vector<16xf32>
    %get3A_58 = arith.constant 1 : i32
    %get3A_59 = arith.index_cast %get3A_58 : i32 to index
    %get3A_60 = arith.constant 0 : index
    %get3A_61 = tpu.vector_load %arg6[%get3A_59, %get3A_60] {strides = array<i32>} : memref<4x128xf32, #tpu.memory_space<vmem>>, vector<1x16xf32>,
    %get3A_62 = vector.shape_cast %get3A_61 : vector<1x16xf32> to vector<16xf32>
    %exp3A_63 = math.exp %get3A_62 : vector<16xf32>
    %get3A_64 = arith.constant 1 : i32
    %get3A_65 = arith.index_cast %get3A_64 : i32 to index
    %get3A_66 = arith.constant 16 : index
    %get3A_67 = tpu.vector_load %arg6[%get3A_65, %get3A_66] {strides = array<i32>} : memref<4x128xf32, #tpu.memory_space<vmem>>, vector<1x16xf32>,
    %get3A_68 = vector.shape_cast %get3A_67 : vector<1x16xf32> to vector<16xf32>
    %exp3A_69 = math.exp %get3A_68 : vector<16xf32>
    %get3A_70 = arith.constant 1 : i32
    %get3A_71 = arith.index_cast %get3A_70 : i32 to index
    %get3A_72 = arith.constant 32 : index
    %get3A_73 = tpu.vector_load %arg6[%get3A_71, %get3A_72] {strides = array<i32>} : memref<4x128xf32, #tpu.memory_space<vmem>>, vector<1x16xf32>,
    %get3A_74 = vector.shape_cast %get3A_73 : vector<1x16xf32> to vector<16xf32>
    %exp3A_75 = math.exp %get3A_74 : vector<16xf32>
    %get3A_76 = arith.constant 1 : i32
    %get3A_77 = arith.index_cast %get3A_76 : i32 to index
    %get3A_78 = arith.constant 48 : index
    %get3A_79 = tpu.vector_load %arg6[%get3A_77, %get3A_78] {strides = array<i32>} : memref<4x128xf32, #tpu.memory_space<vmem>>, vector<1x16xf32>,
    %get3A_80 = vector.shape_cast %get3A_79 : vector<1x16xf32> to vector<16xf32>
    %exp3A_81 = math.exp %get3A_80 : vector<16xf32>
    %get3A_82 = arith.constant 1 : i32
    %get3A_83 = arith.index_cast %get3A_82 : i32 to index
    %get3A_84 = arith.constant 64 : index
    %get3A_85 = tpu.vector_load %arg6[%get3A_83, %get3A_84] {strides = array<i32>} : memref<4x128xf32, #tpu.memory_space<vmem>>, vector<1x16xf32>,
    %get3A_86 = vector.shape_cast %get3A_85 : vector<1x16xf32> to vector<16xf32>
    %exp3A_87 = math.exp %get3A_86 : vector<16xf32>
    %get3A_88 = arith.constant 1 : i32
    %get3A_89 = arith.index_cast %get3A_88 : i32 to index
    %get3A_90 = arith.constant 80 : index
    %get3A_91 = tpu.vector_load %arg6[%get3A_89, %get3A_90] {strides = array<i32>} : memref<4x128xf32, #tpu.memory_space<vmem>>, vector<1x16xf32>,
    %get3A_92 = vector.shape_cast %get3A_91 : vector<1x16xf32> to vector<16xf32>
    %exp3A_93 = math.exp %get3A_92 : vector<16xf32>
    %get3A_94 = arith.constant 1 : i32
    %get3A_95 = arith.index_cast %get3A_94 : i32 to index
    %get3A_96 = arith.constant 96 : index
    %get3A_97 = tpu.vector_load %arg6[%get3A_95, %get3A_96] {strides = array<i32>} : memref<4x128xf32, #tpu.memory_space<vmem>>, vector<1x16xf32>,
    %get3A_98 = vector.shape_cast %get3A_97 : vector<1x16xf32> to vector<16xf32>
    %exp3A_99 = math.exp %get3A_98 : vector<16xf32>
    %get3A_100 = arith.constant 1 : i32
    %get3A_101 = arith.index_cast %get3A_100 : i32 to index
    %get3A_102 = arith.constant 112 : index
    %get3A_103 = tpu.vector_load %arg6[%get3A_101, %get3A_102] {strides = array<i32>} : memref<4x128xf32, #tpu.memory_space<vmem>>, vector<1x16xf32>,
    %get3A_104 = vector.shape_cast %get3A_103 : vector<1x16xf32> to vector<16xf32>
    %exp3A_105 = math.exp %get3A_104 : vector<16xf32>
    %get3A_106 = arith.constant 2 : i32
    %get3A_107 = arith.index_cast %get3A_106 : i32 to index
    %get3A_108 = arith.constant 0 : index
    %get3A_109 = tpu.vector_load %arg6[%get3A_107, %get3A_108] {strides = array<i32>} : memref<4x128xf32, #tpu.memory_space<vmem>>, vector<1x16xf32>,
    %get3A_110 = vector.shape_cast %get3A_109 : vector<1x16xf32> to vector<16xf32>
    %exp3A_111 = math.exp %get3A_110 : vector<16xf32>
    %get3A_112 = arith.constant 2 : i32
    %get3A_113 = arith.index_cast %get3A_112 : i32 to index
    %get3A_114 = arith.constant 16 : index
    %get3A_115 = tpu.vector_load %arg6[%get3A_113, %get3A_114] {strides = array<i32>} : memref<4x128xf32, #tpu.memory_space<vmem>>, vector<1x16xf32>,
    %get3A_116 = vector.shape_cast %get3A_115 : vector<1x16xf32> to vector<16xf32>
    %exp3A_117 = math.exp %get3A_116 : vector<16xf32>
    %get3A_118 = arith.constant 2 : i32
    %get3A_119 = arith.index_cast %get3A_118 : i32 to index
    %get3A_120 = arith.constant 32 : index
    %get3A_121 = tpu.vector_load %arg6[%get3A_119, %get3A_120] {strides = array<i32>} : memref<4x128xf32, #tpu.memory_space<vmem>>, vector<1x16xf32>,
    %get3A_122 = vector.shape_cast %get3A_121 : vector<1x16xf32> to vector<16xf32>
    %exp3A_123 = math.exp %get3A_122 : vector<16xf32>
    %get3A_124 = arith.constant 2 : i32
    %get3A_125 = arith.index_cast %get3A_124 : i32 to index
    %get3A_126 = arith.constant 48 : index
    %get3A_127 = tpu.vector_load %arg6[%get3A_125, %get3A_126] {strides = array<i32>} : memref<4x128xf32, #tpu.memory_space<vmem>>, vector<1x16xf32>,
    %get3A_128 = vector.shape_cast %get3A_127 : vector<1x16xf32> to vector<16xf32>
    %exp3A_129 = math.exp %get3A_128 : vector<16xf32>
    %get3A_130 = arith.constant 2 : i32
    %get3A_131 = arith.index_cast %get3A_130 : i32 to index
    %get3A_132 = arith.constant 64 : index
    %get3A_133 = tpu.vector_load %arg6[%get3A_131, %get3A_132] {strides = array<i32>} : memref<4x128xf32, #tpu.memory_space<vmem>>, vector<1x16xf32>,
    %get3A_134 = vector.shape_cast %get3A_133 : vector<1x16xf32> to vector<16xf32>
    %exp3A_135 = math.exp %get3A_134 : vector<16xf32>
    %get3A_136 = arith.constant 2 : i32
    %get3A_137 = arith.index_cast %get3A_136 : i32 to index
    %get3A_138 = arith.constant 80 : index
    %get3A_139 = tpu.vector_load %arg6[%get3A_137, %get3A_138] {strides = array<i32>} : memref<4x128xf32, #tpu.memory_space<vmem>>, vector<1x16xf32>,
    %get3A_140 = vector.shape_cast %get3A_139 : vector<1x16xf32> to vector<16xf32>
    %exp3A_141 = math.exp %get3A_140 : vector<16xf32>
    %get3A_142 = arith.constant 2 : i32
    %get3A_143 = arith.index_cast %get3A_142 : i32 to index
    %get3A_144 = arith.constant 96 : index
    %get3A_145 = tpu.vector_load %arg6[%get3A_143, %get3A_144] {strides = array<i32>} : memref<4x128xf32, #tpu.memory_space<vmem>>, vector<1x16xf32>,
    %get3A_146 = vector.shape_cast %get3A_145 : vector<1x16xf32> to vector<16xf32>
    %exp3A_147 = math.exp %get3A_146 : vector<16xf32>
    %get3A_148 = arith.constant 2 : i32
    %get3A_149 = arith.index_cast %get3A_148 : i32 to index
    %get3A_150 = arith.constant 112 : index
    %get3A_151 = tpu.vector_load %arg6[%get3A_149, %get3A_150] {strides = array<i32>} : memref<4x128xf32, #tpu.memory_space<vmem>>, vector<1x16xf32>,
    %get3A_152 = vector.shape_cast %get3A_151 : vector<1x16xf32> to vector<16xf32>
    %exp3A_153 = math.exp %get3A_152 : vector<16xf32>
    %get3A_154 = arith.constant 3 : i32
    %get3A_155 = arith.index_cast %get3A_154 : i32 to index
    %get3A_156 = arith.constant 0 : index
    %get3A_157 = tpu.vector_load %arg6[%get3A_155, %get3A_156] {strides = array<i32>} : memref<4x128xf32, #tpu.memory_space<vmem>>, vector<1x16xf32>,
    %get3A_158 = vector.shape_cast %get3A_157 : vector<1x16xf32> to vector<16xf32>
    %exp3A_159 = math.exp %get3A_158 : vector<16xf32>
    %get3A_160 = arith.constant 3 : i32
    %get3A_161 = arith.index_cast %get3A_160 : i32 to index
    %get3A_162 = arith.constant 16 : index
    %get3A_163 = tpu.vector_load %arg6[%get3A_161, %get3A_162] {strides = array<i32>} : memref<4x128xf32, #tpu.memory_space<vmem>>, vector<1x16xf32>,
    %get3A_164 = vector.shape_cast %get3A_163 : vector<1x16xf32> to vector<16xf32>
    %exp3A_165 = math.exp %get3A_164 : vector<16xf32>
    %get3A_166 = arith.constant 3 : i32
    %get3A_167 = arith.index_cast %get3A_166 : i32 to index
    %get3A_168 = arith.constant 32 : index
    %get3A_169 = tpu.vector_load %arg6[%get3A_167, %get3A_168] {strides = array<i32>} : memref<4x128xf32, #tpu.memory_space<vmem>>, vector<1x16xf32>,
    %get3A_170 = vector.shape_cast %get3A_169 : vector<1x16xf32> to vector<16xf32>
    %exp3A_171 = math.exp %get3A_170 : vector<16xf32>
    %get3A_172 = arith.constant 3 : i32
    %get3A_173 = arith.index_cast %get3A_172 : i32 to index
    %get3A_174 = arith.constant 48 : index
    %get3A_175 = tpu.vector_load %arg6[%get3A_173, %get3A_174] {strides = array<i32>} : memref<4x128xf32, #tpu.memory_space<vmem>>, vector<1x16xf32>,
    %get3A_176 = vector.shape_cast %get3A_175 : vector<1x16xf32> to vector<16xf32>
    %exp3A_177 = math.exp %get3A_176 : vector<16xf32>
    %get3A_178 = arith.constant 3 : i32
    %get3A_179 = arith.index_cast %get3A_178 : i32 to index
    %get3A_180 = arith.constant 64 : index
    %get3A_181 = tpu.vector_load %arg6[%get3A_179, %get3A_180] {strides = array<i32>} : memref<4x128xf32, #tpu.memory_space<vmem>>, vector<1x16xf32>,
    %get3A_182 = vector.shape_cast %get3A_181 : vector<1x16xf32> to vector<16xf32>
    %exp3A_183 = math.exp %get3A_182 : vector<16xf32>
    %get3A_184 = arith.constant 3 : i32
    %get3A_185 = arith.index_cast %get3A_184 : i32 to index
    %get3A_186 = arith.constant 80 : index
    %get3A_187 = tpu.vector_load %arg6[%get3A_185, %get3A_186] {strides = array<i32>} : memref<4x128xf32, #tpu.memory_space<vmem>>, vector<1x16xf32>,
    %get3A_188 = vector.shape_cast %get3A_187 : vector<1x16xf32> to vector<16xf32>
    %exp3A_189 = math.exp %get3A_188 : vector<16xf32>
    %get3A_190 = arith.constant 3 : i32
    %get3A_191 = arith.index_cast %get3A_190 : i32 to index
    %get3A_192 = arith.constant 96 : index
    %get3A_193 = tpu.vector_load %arg6[%get3A_191, %get3A_192] {strides = array<i32>} : memref<4x128xf32, #tpu.memory_space<vmem>>, vector<1x16xf32>,
    %get3A_194 = vector.shape_cast %get3A_193 : vector<1x16xf32> to vector<16xf32>
    %exp3A_195 = math.exp %get3A_194 : vector<16xf32>
    %get3A_196 = arith.constant 3 : i32
    %get3A_197 = arith.index_cast %get3A_196 : i32 to index
    %get3A_198 = arith.constant 112 : index
    %get3A_199 = tpu.vector_load %arg6[%get3A_197, %get3A_198] {strides = array<i32>} : memref<4x128xf32, #tpu.memory_space<vmem>>, vector<1x16xf32>,
    %get3A_200 = vector.shape_cast %get3A_199 : vector<1x16xf32> to vector<16xf32>
    %exp3A_201 = math.exp %get3A_200 : vector<16xf32>
    %scan3A = arith.constant 0 : i32
    %scan3A_202 = arith.constant 0 : i32
    %scan3A_203 = arith.constant 20 : i32
    %scan3A_204 = arith.addi %scan3A_202, %scan3A_203 : i32
    %scan3A_205 = arith.constant 1 : i32
    %scan3A_206 = scf.for %scan3A_222 = %scan3A_202 to %scan3A_204 step %scan3A_205 iter_args(%scan3A_223 = %scan3A) -> (i32)  : i32 {
      %and3A = arith.constant 3 : i32
      %and3A_224 = arith.andi %scan3A_222, %and3A : i32
      %add3A_225 = arith.constant 2 : i32
      %add3A_226 = arith.addi %scan3A_222, %add3A_225 : i32
      %and3A_227 = arith.constant 3 : i32
      %and3A_228 = arith.andi %add3A_226, %and3A_227 : i32
      %ge3A = arith.constant 2 : i32
      %ge3A_229 = arith.cmpi sge, %scan3A_222, %ge3A : i32
      %sub3A = arith.constant 2 : i32
      %sub3A_230 = arith.subi %scan3A_222, %sub3A : i32
      %mul3A_231 = arith.constant 32 : i32
      %mul3A_232 = arith.muli %sub3A_230, %mul3A_231 : i32
      %add3A_233 = arith.addi %mul3A_232, %add3A : i32
      %lt3A_234 = arith.constant 625 : i32
      %lt3A_235 = arith.cmpi slt, %add3A_233, %lt3A_234 : i32
      %and3A_236 = arith.andi %ge3A_229, %lt3A_235 : i1
      %convert_element_type3A_237 = arith.extui %and3A_236 : i1 to i32
      %cond3A_238 = arith.constant 0 : i32
      %cond3A_239 = arith.cmpi ne, %convert_element_type3A_237, %cond3A_238 : i32
      scf.if %cond3A_239 {
        %sub3A_259 = arith.constant 2 : i32
        %sub3A_260 = arith.subi %scan3A_222, %sub3A_259 : i32
        %mul3A_261 = arith.constant 32 : i32
        %mul3A_262 = arith.muli %sub3A_260, %mul3A_261 : i32
        %add3A_263 = arith.addi %mul3A_262, %add3A : i32
        %mul3A_264 = arith.constant 160 : i32
        %mul3A_265 = arith.muli %add3A_263, %mul3A_264 : i32
        %mul3A_266 = arith.constant 160 : i32
        %mul3A_267 = arith.muli %and3A_228, %mul3A_266 : i32
        %dma_wait3A = arith.constant 0 : i32
        %dma_wait3A_268 = tpu.memref_slice %arg7[%mul3A_267, %dma_wait3A] : memref<640x128xf32, #tpu.memory_space<vmem>> -> memref<160x128xf32, #tpu.memory_space<vmem>>
        %dma_wait3A_269 = arith.constant 0 : i32
        %dma_wait3A_270 = tpu.memref_slice %arg5[%mul3A_265, %dma_wait3A_269] : memref<100000x128xf32, #tpu.memory_space<hbm>> -> memref<160x128xf32, #tpu.memory_space<hbm>>
        %dma_wait3A_271 = tpu.memref_slice %arg10[%and3A_228] : memref<4x!tpu.dma_semaphore, #tpu.memory_space<semaphore_mem>> -> memref<1x!tpu.dma_semaphore, #tpu.memory_space<semaphore_mem>>
        %dma_wait3A_272 = tpu.memref_squeeze %dma_wait3A_271 : memref<1x!tpu.dma_semaphore, #tpu.memory_space<semaphore_mem>> -> memref<!tpu.dma_semaphore, #tpu.memory_space<semaphore_mem>>
        %dma_wait3A_273 = arith.constant 0 : i32
        %dma_wait3A_274 = tpu.memref_slice %arg5[%mul3A_265, %dma_wait3A_273] : memref<100000x128xf32, #tpu.memory_space<hbm>> -> memref<160x128xf32, #tpu.memory_space<hbm>>
        %dma_wait3A_275 = arith.constant 0 : i32
        %dma_wait3A_276 = tpu.memref_slice %arg7[%mul3A_267, %dma_wait3A_275] : memref<640x128xf32, #tpu.memory_space<vmem>> -> memref<160x128xf32, #tpu.memory_space<vmem>>
        tpu.wait_dma2 semaphore(%dma_wait3A_272 : memref<!tpu.dma_semaphore, #tpu.memory_space<semaphore_mem>>) src(%dma_wait3A_276 : memref<160x128xf32, #tpu.memory_space<vmem>>) dst(%dma_wait3A_274 : memref<160x128xf32, #tpu.memory_space<hbm>>)
      } else {
      }
      %add3A_240 = arith.constant 2 : i32
      %add3A_241 = arith.addi %scan3A_222, %add3A_240 : i32
      %mul3A_242 = arith.constant 32 : i32
      %mul3A_243 = arith.muli %add3A_241, %mul3A_242 : i32
      %add3A_244 = arith.addi %mul3A_243, %add3A : i32
      %lt3A_245 = arith.constant 625 : i32
      %lt3A_246 = arith.cmpi slt, %add3A_244, %lt3A_245 : i32
      %convert_element_type3A_247 = arith.extui %lt3A_246 : i1 to i32
      %cond3A_248 = arith.constant 0 : i32
      %cond3A_249 = arith.cmpi ne, %convert_element_type3A_247, %cond3A_248 : i32
      scf.if %cond3A_249 {
        %mul3A_259 = arith.constant 32 : i32
        %mul3A_260 = arith.muli %add3A_241, %mul3A_259 : i32
        %add3A_261 = arith.addi %mul3A_260, %add3A : i32
        %mul3A_262 = arith.constant 160 : i32
        %mul3A_263 = arith.muli %add3A_261, %mul3A_262 : i32
        %mul3A_264 = arith.constant 160 : i32
        %mul3A_265 = arith.muli %and3A_228, %mul3A_264 : i32
        %dma_start3A = arith.constant 0 : i32
        %dma_start3A_266 = tpu.memref_slice %arg7[%mul3A_265, %dma_start3A] : memref<640x128xf32, #tpu.memory_space<vmem>> -> memref<160x128xf32, #tpu.memory_space<vmem>>
        %dma_start3A_267 = arith.constant 0 : i32
        %dma_start3A_268 = tpu.memref_slice %arg2[%mul3A_263, %dma_start3A_267] : memref<100000x128xf32, #tpu.memory_space<hbm>> -> memref<160x128xf32, #tpu.memory_space<hbm>>
        %dma_start3A_269 = tpu.memref_slice %arg9[%and3A_228] : memref<4x!tpu.dma_semaphore, #tpu.memory_space<semaphore_mem>> -> memref<1x!tpu.dma_semaphore, #tpu.memory_space<semaphore_mem>>
        %dma_start3A_270 = tpu.memref_squeeze %dma_start3A_269 : memref<1x!tpu.dma_semaphore, #tpu.memory_space<semaphore_mem>> -> memref<!tpu.dma_semaphore, #tpu.memory_space<semaphore_mem>>
        %dma_start3A_271 = arith.constant 0 : i32
        %dma_start3A_272 = tpu.memref_slice %arg7[%mul3A_265, %dma_start3A_271] : memref<640x128xf32, #tpu.memory_space<vmem>> -> memref<160x128xf32, #tpu.memory_space<vmem>>
        %dma_start3A_273 = arith.constant 0 : i32
        %dma_start3A_274 = tpu.memref_slice %arg2[%mul3A_263, %dma_start3A_273] : memref<100000x128xf32, #tpu.memory_space<hbm>> -> memref<160x128xf32, #tpu.memory_space<hbm>>
        tpu.enqueue_dma source(%dma_start3A_274 : memref<160x128xf32, #tpu.memory_space<hbm>>) target(%dma_start3A_272 : memref<160x128xf32, #tpu.memory_space<vmem>>) target_semaphore(%dma_start3A_270 : memref<!tpu.dma_semaphore, #tpu.memory_space<semaphore_mem>>)
        %dma_start3A_275 = tpu.memref_slice %arg8[%mul3A_265] : memref<640xi32, #tpu.memory_space<vmem>> -> memref<160xi32, #tpu.memory_space<vmem>>
        %dma_start3A_276 = tpu.memref_slice %arg3[%mul3A_263] : memref<100000xi32, #tpu.memory_space<hbm>> -> memref<160xi32, #tpu.memory_space<hbm>>
        %dma_start3A_277 = tpu.memref_slice %arg9[%and3A_228] : memref<4x!tpu.dma_semaphore, #tpu.memory_space<semaphore_mem>> -> memref<1x!tpu.dma_semaphore, #tpu.memory_space<semaphore_mem>>
        %dma_start3A_278 = tpu.memref_squeeze %dma_start3A_277 : memref<1x!tpu.dma_semaphore, #tpu.memory_space<semaphore_mem>> -> memref<!tpu.dma_semaphore, #tpu.memory_space<semaphore_mem>>
        %dma_start3A_279 = tpu.memref_slice %arg8[%mul3A_265] : memref<640xi32, #tpu.memory_space<vmem>> -> memref<160xi32, #tpu.memory_space<vmem>>
        %dma_start3A_280 = tpu.memref_slice %arg3[%mul3A_263] : memref<100000xi32, #tpu.memory_space<hbm>> -> memref<160xi32, #tpu.memory_space<hbm>>
        tpu.enqueue_dma source(%dma_start3A_280 : memref<160xi32, #tpu.memory_space<hbm>>) target(%dma_start3A_279 : memref<160xi32, #tpu.memory_space<vmem>>) target_semaphore(%dma_start3A_278 : memref<!tpu.dma_semaphore, #tpu.memory_space<semaphore_mem>>)
      } else {
      }
      %mul3A_250 = arith.constant 32 : i32
      %mul3A_251 = arith.muli %scan3A_222, %mul3A_250 : i32
      %add3A_252 = arith.addi %mul3A_251, %add3A : i32
      %lt3A_253 = arith.constant 625 : i32
      %lt3A_254 = arith.cmpi slt, %add3A_252, %lt3A_253 : i32
      %convert_element_type3A_255 = arith.extui %lt3A_254 : i1 to i32
      %cond3A_256 = arith.constant 0 : i32
      %cond3A_257 = arith.cmpi ne, %convert_element_type3A_255, %cond3A_256 : i32
      scf.if %cond3A_257 {
        %mul3A_259 = arith.constant 32 : i32
        %mul3A_260 = arith.muli %scan3A_222, %mul3A_259 : i32
        %add3A_261 = arith.addi %mul3A_260, %add3A : i32
        %mul3A_262 = arith.constant 160 : i32
        %mul3A_263 = arith.muli %add3A_261, %mul3A_262 : i32
        %mul3A_264 = arith.constant 160 : i32
        %mul3A_265 = arith.muli %and3A_224, %mul3A_264 : i32
        %dma_wait3A = arith.constant 0 : i32
        %dma_wait3A_266 = tpu.memref_slice %arg7[%mul3A_265, %dma_wait3A] : memref<640x128xf32, #tpu.memory_space<vmem>> -> memref<160x128xf32, #tpu.memory_space<vmem>>
        %dma_wait3A_267 = arith.constant 0 : i32
        %dma_wait3A_268 = tpu.memref_slice %arg2[%mul3A_263, %dma_wait3A_267] : memref<100000x128xf32, #tpu.memory_space<hbm>> -> memref<160x128xf32, #tpu.memory_space<hbm>>
        %dma_wait3A_269 = tpu.memref_slice %arg9[%and3A_224] : memref<4x!tpu.dma_semaphore, #tpu.memory_space<semaphore_mem>> -> memref<1x!tpu.dma_semaphore, #tpu.memory_space<semaphore_mem>>
        %dma_wait3A_270 = tpu.memref_squeeze %dma_wait3A_269 : memref<1x!tpu.dma_semaphore, #tpu.memory_space<semaphore_mem>> -> memref<!tpu.dma_semaphore, #tpu.memory_space<semaphore_mem>>
        %dma_wait3A_271 = arith.constant 0 : i32
        %dma_wait3A_272 = tpu.memref_slice %arg7[%mul3A_265, %dma_wait3A_271] : memref<640x128xf32, #tpu.memory_space<vmem>> -> memref<160x128xf32, #tpu.memory_space<vmem>>
        %dma_wait3A_273 = arith.constant 0 : i32
        %dma_wait3A_274 = tpu.memref_slice %arg2[%mul3A_263, %dma_wait3A_273] : memref<100000x128xf32, #tpu.memory_space<hbm>> -> memref<160x128xf32, #tpu.memory_space<hbm>>
        tpu.wait_dma2 semaphore(%dma_wait3A_270 : memref<!tpu.dma_semaphore, #tpu.memory_space<semaphore_mem>>) src(%dma_wait3A_274 : memref<160x128xf32, #tpu.memory_space<hbm>>) dst(%dma_wait3A_272 : memref<160x128xf32, #tpu.memory_space<vmem>>)
        %dma_wait3A_275 = tpu.memref_slice %arg8[%mul3A_265] : memref<640xi32, #tpu.memory_space<vmem>> -> memref<160xi32, #tpu.memory_space<vmem>>
        %dma_wait3A_276 = tpu.memref_slice %arg3[%mul3A_263] : memref<100000xi32, #tpu.memory_space<hbm>> -> memref<160xi32, #tpu.memory_space<hbm>>
        %dma_wait3A_277 = tpu.memref_slice %arg9[%and3A_224] : memref<4x!tpu.dma_semaphore, #tpu.memory_space<semaphore_mem>> -> memref<1x!tpu.dma_semaphore, #tpu.memory_space<semaphore_mem>>
        %dma_wait3A_278 = tpu.memref_squeeze %dma_wait3A_277 : memref<1x!tpu.dma_semaphore, #tpu.memory_space<semaphore_mem>> -> memref<!tpu.dma_semaphore, #tpu.memory_space<semaphore_mem>>
        %dma_wait3A_279 = tpu.memref_slice %arg8[%mul3A_265] : memref<640xi32, #tpu.memory_space<vmem>> -> memref<160xi32, #tpu.memory_space<vmem>>
        %dma_wait3A_280 = tpu.memref_slice %arg3[%mul3A_263] : memref<100000xi32, #tpu.memory_space<hbm>> -> memref<160xi32, #tpu.memory_space<hbm>>
        tpu.wait_dma2 semaphore(%dma_wait3A_278 : memref<!tpu.dma_semaphore, #tpu.memory_space<semaphore_mem>>) src(%dma_wait3A_280 : memref<160xi32, #tpu.memory_space<hbm>>) dst(%dma_wait3A_279 : memref<160xi32, #tpu.memory_space<vmem>>)
        %mul3A_281 = arith.constant 160 : i32
        %mul3A_282 = arith.muli %and3A_224, %mul3A_281 : i32
        %scan3A_283 = arith.constant 0 : i32
        %scan3A_284 = arith.constant 0 : i32
        %scan3A_285 = arith.constant 10 : i32
        %scan3A_286 = arith.addi %scan3A_284, %scan3A_285 : i32
        %scan3A_287 = arith.constant 1 : i32
        %scan3A_288 = scf.for %scan3A_306 = %scan3A_284 to %scan3A_286 step %scan3A_287 iter_args(%scan3A_307 = %scan3A_283) -> (i32)  : i32 {
          %mul3A_308 = arith.constant 16 : i32
          %mul3A_309 = arith.muli %scan3A_306, %mul3A_308 : i32
          %add3A_310 = arith.addi %mul3A_282, %mul3A_309 : i32
          %get3A_311 = arith.index_cast %add3A_310 : i32 to index
          %get3A_312 = tpu.vector_load %arg8[%get3A_311] {strides = array<i32>} : memref<640xi32, #tpu.memory_space<vmem>>, vector<16xi32>,
          %get3A_313 = vector.shape_cast %get3A_312 : vector<16xi32> to vector<16xi32>
          %slice3A = vector.extract_strided_slice %get3A_313 {offsets = [0], sizes = [1], strides = [1]} : vector<16xi32> to vector<1xi32>
          %squeeze3A = vector.extract %slice3A[0] : i32 from vector<1xi32>
          %mul3A_314 = arith.constant 16 : i32
          %mul3A_315 = arith.muli %scan3A_306, %mul3A_314 : i32
          %add3A_316 = arith.addi %mul3A_282, %mul3A_315 : i32
          %add3A_317 = arith.constant 0 : i32
          %add3A_318 = arith.addi %add3A_316, %add3A_317 : i32
          %eq3A = arith.constant 0 : i32
          %eq3A_319 = arith.cmpi eq, %squeeze3A, %eq3A : i32
          %eq3A_320 = arith.constant 1 : i32
          %eq3A_321 = arith.cmpi eq, %squeeze3A, %eq3A_320 : i32
          %eq3A_322 = arith.constant 2 : i32
          %eq3A_323 = arith.cmpi eq, %squeeze3A, %eq3A_322 : i32
          %select_n3A = arith.select %eq3A_323, %exp3A_111, %exp3A_159 : vector<16xf32>
          %select_n3A_324 = arith.select %eq3A_321, %exp3A_63, %select_n3A : vector<16xf32>
          %select_n3A_325 = arith.select %eq3A_319, %exp3A, %select_n3A_324 : vector<16xf32>
          %get3A_326 = arith.index_cast %add3A_318 : i32 to index
          %get3A_327 = arith.constant 0 : index
          %get3A_328 = tpu.vector_load %arg7[%get3A_326, %get3A_327] {strides = array<i32>} : memref<640x128xf32, #tpu.memory_space<vmem>>, vector<1x16xf32>,
          %get3A_329 = vector.shape_cast %get3A_328 : vector<1x16xf32> to vector<16xf32>
          %mul3A_330 = arith.mulf %get3A_329, %select_n3A_325 : vector<16xf32>
          %swap3A = arith.index_cast %add3A_318 : i32 to index
          %swap3A_331 = arith.constant 0 : index
          %swap3A_332 = tpu.vector_load %arg7[%swap3A, %swap3A_331] {strides = array<i32>} : memref<640x128xf32, #tpu.memory_space<vmem>>, vector<1x16xf32>,
          %swap3A_333 = vector.shape_cast %swap3A_332 : vector<1x16xf32> to vector<16xf32>
          %swap3A_334 = vector.shape_cast %mul3A_330 : vector<16xf32> to vector<1x16xf32>
          tpu.vector_store %arg7[%swap3A, %swap3A_331], %swap3A_334 {strides = array<i32>} : memref<640x128xf32, #tpu.memory_space<vmem>>, vector<1x16xf32>,
          %eq3A_335 = arith.constant 0 : i32
          %eq3A_336 = arith.cmpi eq, %squeeze3A, %eq3A_335 : i32
          %eq3A_337 = arith.constant 1 : i32
          %eq3A_338 = arith.cmpi eq, %squeeze3A, %eq3A_337 : i32
          %eq3A_339 = arith.constant 2 : i32
          %eq3A_340 = arith.cmpi eq, %squeeze3A, %eq3A_339 : i32
          %select_n3A_341 = arith.select %eq3A_340, %exp3A_117, %exp3A_165 : vector<16xf32>
          %select_n3A_342 = arith.select %eq3A_338, %exp3A_69, %select_n3A_341 : vector<16xf32>
          %select_n3A_343 = arith.select %eq3A_336, %exp3A_21, %select_n3A_342 : vector<16xf32>
          %get3A_344 = arith.index_cast %add3A_318 : i32 to index
          %get3A_345 = arith.constant 16 : index
          %get3A_346 = tpu.vector_load %arg7[%get3A_344, %get3A_345] {strides = array<i32>} : memref<640x128xf32, #tpu.memory_space<vmem>>, vector<1x16xf32>,
          %get3A_347 = vector.shape_cast %get3A_346 : vector<1x16xf32> to vector<16xf32>
          %mul3A_348 = arith.mulf %get3A_347, %select_n3A_343 : vector<16xf32>
          %swap3A_349 = arith.index_cast %add3A_318 : i32 to index
          %swap3A_350 = arith.constant 16 : index
          %swap3A_351 = tpu.vector_load %arg7[%swap3A_349, %swap3A_350] {strides = array<i32>} : memref<640x128xf32, #tpu.memory_space<vmem>>, vector<1x16xf32>,
          %swap3A_352 = vector.shape_cast %swap3A_351 : vector<1x16xf32> to vector<16xf32>
          %swap3A_353 = vector.shape_cast %mul3A_348 : vector<16xf32> to vector<1x16xf32>
          tpu.vector_store %arg7[%swap3A_349, %swap3A_350], %swap3A_353 {strides = array<i32>} : memref<640x128xf32, #tpu.memory_space<vmem>>, vector<1x16xf32>,
          %eq3A_354 = arith.constant 0 : i32
          %eq3A_355 = arith.cmpi eq, %squeeze3A, %eq3A_354 : i32
          %eq3A_356 = arith.constant 1 : i32
          %eq3A_357 = arith.cmpi eq, %squeeze3A, %eq3A_356 : i32
          %eq3A_358 = arith.constant 2 : i32
          %eq3A_359 = arith.cmpi eq, %squeeze3A, %eq3A_358 : i32
          %select_n3A_360 = arith.select %eq3A_359, %exp3A_123, %exp3A_171 : vector<16xf32>
          %select_n3A_361 = arith.select %eq3A_357, %exp3A_75, %select_n3A_360 : vector<16xf32>
          %select_n3A_362 = arith.select %eq3A_355, %exp3A_27, %select_n3A_361 : vector<16xf32>
          %get3A_363 = arith.index_cast %add3A_318 : i32 to index
          %get3A_364 = arith.constant 32 : index
          %get3A_365 = tpu.vector_load %arg7[%get3A_363, %get3A_364] {strides = array<i32>} : memref<640x128xf32, #tpu.memory_space<vmem>>, vector<1x16xf32>,
          %get3A_366 = vector.shape_cast %get3A_365 : vector<1x16xf32> to vector<16xf32>
          %mul3A_367 = arith.mulf %get3A_366, %select_n3A_362 : vector<16xf32>
          %swap3A_368 = arith.index_cast %add3A_318 : i32 to index
          %swap3A_369 = arith.constant 32 : index
          %swap3A_370 = tpu.vector_load %arg7[%swap3A_368, %swap3A_369] {strides = array<i32>} : memref<640x128xf32, #tpu.memory_space<vmem>>, vector<1x16xf32>,
          %swap3A_371 = vector.shape_cast %swap3A_370 : vector<1x16xf32> to vector<16xf32>
          %swap3A_372 = vector.shape_cast %mul3A_367 : vector<16xf32> to vector<1x16xf32>
          tpu.vector_store %arg7[%swap3A_368, %swap3A_369], %swap3A_372 {strides = array<i32>} : memref<640x128xf32, #tpu.memory_space<vmem>>, vector<1x16xf32>,
          %eq3A_373 = arith.constant 0 : i32
          %eq3A_374 = arith.cmpi eq, %squeeze3A, %eq3A_373 : i32
          %eq3A_375 = arith.constant 1 : i32
          %eq3A_376 = arith.cmpi eq, %squeeze3A, %eq3A_375 : i32
          %eq3A_377 = arith.constant 2 : i32
          %eq3A_378 = arith.cmpi eq, %squeeze3A, %eq3A_377 : i32
          %select_n3A_379 = arith.select %eq3A_378, %exp3A_129, %exp3A_177 : vector<16xf32>
          %select_n3A_380 = arith.select %eq3A_376, %exp3A_81, %select_n3A_379 : vector<16xf32>
          %select_n3A_381 = arith.select %eq3A_374, %exp3A_33, %select_n3A_380 : vector<16xf32>
          %get3A_382 = arith.index_cast %add3A_318 : i32 to index
          %get3A_383 = arith.constant 48 : index
          %get3A_384 = tpu.vector_load %arg7[%get3A_382, %get3A_383] {strides = array<i32>} : memref<640x128xf32, #tpu.memory_space<vmem>>, vector<1x16xf32>,
          %get3A_385 = vector.shape_cast %get3A_384 : vector<1x16xf32> to vector<16xf32>
          %mul3A_386 = arith.mulf %get3A_385, %select_n3A_381 : vector<16xf32>
          %swap3A_387 = arith.index_cast %add3A_318 : i32 to index
          %swap3A_388 = arith.constant 48 : index
          %swap3A_389 = tpu.vector_load %arg7[%swap3A_387, %swap3A_388] {strides = array<i32>} : memref<640x128xf32, #tpu.memory_space<vmem>>, vector<1x16xf32>,
          %swap3A_390 = vector.shape_cast %swap3A_389 : vector<1x16xf32> to vector<16xf32>
          %swap3A_391 = vector.shape_cast %mul3A_386 : vector<16xf32> to vector<1x16xf32>
          tpu.vector_store %arg7[%swap3A_387, %swap3A_388], %swap3A_391 {strides = array<i32>} : memref<640x128xf32, #tpu.memory_space<vmem>>, vector<1x16xf32>,
          %eq3A_392 = arith.constant 0 : i32
          %eq3A_393 = arith.cmpi eq, %squeeze3A, %eq3A_392 : i32
          %eq3A_394 = arith.constant 1 : i32
          %eq3A_395 = arith.cmpi eq, %squeeze3A, %eq3A_394 : i32
          %eq3A_396 = arith.constant 2 : i32
          %eq3A_397 = arith.cmpi eq, %squeeze3A, %eq3A_396 : i32
          %select_n3A_398 = arith.select %eq3A_397, %exp3A_135, %exp3A_183 : vector<16xf32>
          %select_n3A_399 = arith.select %eq3A_395, %exp3A_87, %select_n3A_398 : vector<16xf32>
          %select_n3A_400 = arith.select %eq3A_393, %exp3A_39, %select_n3A_399 : vector<16xf32>
          %get3A_401 = arith.index_cast %add3A_318 : i32 to index
          %get3A_402 = arith.constant 64 : index
          %get3A_403 = tpu.vector_load %arg7[%get3A_401, %get3A_402] {strides = array<i32>} : memref<640x128xf32, #tpu.memory_space<vmem>>, vector<1x16xf32>,
          %get3A_404 = vector.shape_cast %get3A_403 : vector<1x16xf32> to vector<16xf32>
          %mul3A_405 = arith.mulf %get3A_404, %select_n3A_400 : vector<16xf32>
          %swap3A_406 = arith.index_cast %add3A_318 : i32 to index
          %swap3A_407 = arith.constant 64 : index
          %swap3A_408 = tpu.vector_load %arg7[%swap3A_406, %swap3A_407] {strides = array<i32>} : memref<640x128xf32, #tpu.memory_space<vmem>>, vector<1x16xf32>,
          %swap3A_409 = vector.shape_cast %swap3A_408 : vector<1x16xf32> to vector<16xf32>
          %swap3A_410 = vector.shape_cast %mul3A_405 : vector<16xf32> to vector<1x16xf32>
          tpu.vector_store %arg7[%swap3A_406, %swap3A_407], %swap3A_410 {strides = array<i32>} : memref<640x128xf32, #tpu.memory_space<vmem>>, vector<1x16xf32>,
          %eq3A_411 = arith.constant 0 : i32
          %eq3A_412 = arith.cmpi eq, %squeeze3A, %eq3A_411 : i32
          %eq3A_413 = arith.constant 1 : i32
          %eq3A_414 = arith.cmpi eq, %squeeze3A, %eq3A_413 : i32
          %eq3A_415 = arith.constant 2 : i32
          %eq3A_416 = arith.cmpi eq, %squeeze3A, %eq3A_415 : i32
          %select_n3A_417 = arith.select %eq3A_416, %exp3A_141, %exp3A_189 : vector<16xf32>
          %select_n3A_418 = arith.select %eq3A_414, %exp3A_93, %select_n3A_417 : vector<16xf32>
          %select_n3A_419 = arith.select %eq3A_412, %exp3A_45, %select_n3A_418 : vector<16xf32>
          %get3A_420 = arith.index_cast %add3A_318 : i32 to index
          %get3A_421 = arith.constant 80 : index
          %get3A_422 = tpu.vector_load %arg7[%get3A_420, %get3A_421] {strides = array<i32>} : memref<640x128xf32, #tpu.memory_space<vmem>>, vector<1x16xf32>,
          %get3A_423 = vector.shape_cast %get3A_422 : vector<1x16xf32> to vector<16xf32>
          %mul3A_424 = arith.mulf %get3A_423, %select_n3A_419 : vector<16xf32>
          %swap3A_425 = arith.index_cast %add3A_318 : i32 to index
          %swap3A_426 = arith.constant 80 : index
          %swap3A_427 = tpu.vector_load %arg7[%swap3A_425, %swap3A_426] {strides = array<i32>} : memref<640x128xf32, #tpu.memory_space<vmem>>, vector<1x16xf32>,
          %swap3A_428 = vector.shape_cast %swap3A_427 : vector<1x16xf32> to vector<16xf32>
          %swap3A_429 = vector.shape_cast %mul3A_424 : vector<16xf32> to vector<1x16xf32>
          tpu.vector_store %arg7[%swap3A_425, %swap3A_426], %swap3A_429 {strides = array<i32>} : memref<640x128xf32, #tpu.memory_space<vmem>>, vector<1x16xf32>,
          %eq3A_430 = arith.constant 0 : i32
          %eq3A_431 = arith.cmpi eq, %squeeze3A, %eq3A_430 : i32
          %eq3A_432 = arith.constant 1 : i32
          %eq3A_433 = arith.cmpi eq, %squeeze3A, %eq3A_432 : i32
          %eq3A_434 = arith.constant 2 : i32
          %eq3A_435 = arith.cmpi eq, %squeeze3A, %eq3A_434 : i32
          %select_n3A_436 = arith.select %eq3A_435, %exp3A_147, %exp3A_195 : vector<16xf32>
          %select_n3A_437 = arith.select %eq3A_433, %exp3A_99, %select_n3A_436 : vector<16xf32>
          %select_n3A_438 = arith.select %eq3A_431, %exp3A_51, %select_n3A_437 : vector<16xf32>
          %get3A_439 = arith.index_cast %add3A_318 : i32 to index
          %get3A_440 = arith.constant 96 : index
          %get3A_441 = tpu.vector_load %arg7[%get3A_439, %get3A_440] {strides = array<i32>} : memref<640x128xf32, #tpu.memory_space<vmem>>, vector<1x16xf32>,
          %get3A_442 = vector.shape_cast %get3A_441 : vector<1x16xf32> to vector<16xf32>
          %mul3A_443 = arith.mulf %get3A_442, %select_n3A_438 : vector<16xf32>
          %swap3A_444 = arith.index_cast %add3A_318 : i32 to index
          %swap3A_445 = arith.constant 96 : index
          %swap3A_446 = tpu.vector_load %arg7[%swap3A_444, %swap3A_445] {strides = array<i32>} : memref<640x128xf32, #tpu.memory_space<vmem>>, vector<1x16xf32>,
          %swap3A_447 = vector.shape_cast %swap3A_446 : vector<1x16xf32> to vector<16xf32>
          %swap3A_448 = vector.shape_cast %mul3A_443 : vector<16xf32> to vector<1x16xf32>
          tpu.vector_store %arg7[%swap3A_444, %swap3A_445], %swap3A_448 {strides = array<i32>} : memref<640x128xf32, #tpu.memory_space<vmem>>, vector<1x16xf32>,
          %eq3A_449 = arith.constant 0 : i32
          %eq3A_450 = arith.cmpi eq, %squeeze3A, %eq3A_449 : i32
          %eq3A_451 = arith.constant 1 : i32
          %eq3A_452 = arith.cmpi eq, %squeeze3A, %eq3A_451 : i32
          %eq3A_453 = arith.constant 2 : i32
          %eq3A_454 = arith.cmpi eq, %squeeze3A, %eq3A_453 : i32
          %select_n3A_455 = arith.select %eq3A_454, %exp3A_153, %exp3A_201 : vector<16xf32>
          %select_n3A_456 = arith.select %eq3A_452, %exp3A_105, %select_n3A_455 : vector<16xf32>
          %select_n3A_457 = arith.select %eq3A_450, %exp3A_57, %select_n3A_456 : vector<16xf32>
          %get3A_458 = arith.index_cast %add3A_318 : i32 to index
          %get3A_459 = arith.constant 112 : index
          %get3A_460 = tpu.vector_load %arg7[%get3A_458, %get3A_459] {strides = array<i32>} : memref<640x128xf32, #tpu.memory_space<vmem>>, vector<1x16xf32>,
          %get3A_461 = vector.shape_cast %get3A_460 : vector<1x16xf32> to vector<16xf32>
          %mul3A_462 = arith.mulf %get3A_461, %select_n3A_457 : vector<16xf32>
          %swap3A_463 = arith.index_cast %add3A_318 : i32 to index
          %swap3A_464 = arith.constant 112 : index
          %swap3A_465 = tpu.vector_load %arg7[%swap3A_463, %swap3A_464] {strides = array<i32>} : memref<640x128xf32, #tpu.memory_space<vmem>>, vector<1x16xf32>,
          %swap3A_466 = vector.shape_cast %swap3A_465 : vector<1x16xf32> to vector<16xf32>
          %swap3A_467 = vector.shape_cast %mul3A_462 : vector<16xf32> to vector<1x16xf32>
          tpu.vector_store %arg7[%swap3A_463, %swap3A_464], %swap3A_467 {strides = array<i32>} : memref<640x128xf32, #tpu.memory_space<vmem>>, vector<1x16xf32>,
          %slice3A_468 = vector.extract_strided_slice %get3A_313 {offsets = [1], sizes = [1], strides = [1]} : vector<16xi32> to vector<1xi32>
          %squeeze3A_469 = vector.extract %slice3A_468[0] : i32 from vector<1xi32>
          %mul3A_470 = arith.constant 16 : i32
          %mul3A_471 = arith.muli %scan3A_306, %mul3A_470 : i32
          %add3A_472 = arith.addi %mul3A_282, %mul3A_471 : i32
          %add3A_473 = arith.constant 1 : i32
          %add3A_474 = arith.addi %add3A_472, %add3A_473 : i32
          %eq3A_475 = arith.constant 0 : i32
          %eq3A_476 = arith.cmpi eq, %squeeze3A_469, %eq3A_475 : i32
          %eq3A_477 = arith.constant 1 : i32
          %eq3A_478 = arith.cmpi eq, %squeeze3A_469, %eq3A_477 : i32
          %eq3A_479 = arith.constant 2 : i32
          %eq3A_480 = arith.cmpi eq, %squeeze3A_469, %eq3A_479 : i32
          %select_n3A_481 = arith.select %eq3A_480, %exp3A_111, %exp3A_159 : vector<16xf32>
          %select_n3A_482 = arith.select %eq3A_478, %exp3A_63, %select_n3A_481 : vector<16xf32>
          %select_n3A_483 = arith.select %eq3A_476, %exp3A, %select_n3A_482 : vector<16xf32>
          %get3A_484 = arith.index_cast %add3A_474 : i32 to index
          %get3A_485 = arith.constant 0 : index
          %get3A_486 = tpu.vector_load %arg7[%get3A_484, %get3A_485] {strides = array<i32>} : memref<640x128xf32, #tpu.memory_space<vmem>>, vector<1x16xf32>,
          %get3A_487 = vector.shape_cast %get3A_486 : vector<1x16xf32> to vector<16xf32>
          %mul3A_488 = arith.mulf %get3A_487, %select_n3A_483 : vector<16xf32>
          %swap3A_489 = arith.index_cast %add3A_474 : i32 to index
          %swap3A_490 = arith.constant 0 : index
          %swap3A_491 = tpu.vector_load %arg7[%swap3A_489, %swap3A_490] {strides = array<i32>} : memref<640x128xf32, #tpu.memory_space<vmem>>, vector<1x16xf32>,
          %swap3A_492 = vector.shape_cast %swap3A_491 : vector<1x16xf32> to vector<16xf32>
          %swap3A_493 = vector.shape_cast %mul3A_488 : vector<16xf32> to vector<1x16xf32>
          tpu.vector_store %arg7[%swap3A_489, %swap3A_490], %swap3A_493 {strides = array<i32>} : memref<640x128xf32, #tpu.memory_space<vmem>>, vector<1x16xf32>,
          %eq3A_494 = arith.constant 0 : i32
          %eq3A_495 = arith.cmpi eq, %squeeze3A_469, %eq3A_494 : i32
          %eq3A_496 = arith.constant 1 : i32
          %eq3A_497 = arith.cmpi eq, %squeeze3A_469, %eq3A_496 : i32
          %eq3A_498 = arith.constant 2 : i32
          %eq3A_499 = arith.cmpi eq, %squeeze3A_469, %eq3A_498 : i32
          %select_n3A_500 = arith.select %eq3A_499, %exp3A_117, %exp3A_165 : vector<16xf32>
          %select_n3A_501 = arith.select %eq3A_497, %exp3A_69, %select_n3A_500 : vector<16xf32>
          %select_n3A_502 = arith.select %eq3A_495, %exp3A_21, %select_n3A_501 : vector<16xf32>
          %get3A_503 = arith.index_cast %add3A_474 : i32 to index
          %get3A_504 = arith.constant 16 : index
          %get3A_505 = tpu.vector_load %arg7[%get3A_503, %get3A_504] {strides = array<i32>} : memref<640x128xf32, #tpu.memory_space<vmem>>, vector<1x16xf32>,
          %get3A_506 = vector.shape_cast %get3A_505 : vector<1x16xf32> to vector<16xf32>
          %mul3A_507 = arith.mulf %get3A_506, %select_n3A_502 : vector<16xf32>
          %swap3A_508 = arith.index_cast %add3A_474 : i32 to index
          %swap3A_509 = arith.constant 16 : index
          %swap3A_510 = tpu.vector_load %arg7[%swap3A_508, %swap3A_509] {strides = array<i32>} : memref<640x128xf32, #tpu.memory_space<vmem>>, vector<1x16xf32>,
          %swap3A_511 = vector.shape_cast %swap3A_510 : vector<1x16xf32> to vector<16xf32>
          %swap3A_512 = vector.shape_cast %mul3A_507 : vector<16xf32> to vector<1x16xf32>
          tpu.vector_store %arg7[%swap3A_508, %swap3A_509], %swap3A_512 {strides = array<i32>} : memref<640x128xf32, #tpu.memory_space<vmem>>, vector<1x16xf32>,
          %eq3A_513 = arith.constant 0 : i32
          %eq3A_514 = arith.cmpi eq, %squeeze3A_469, %eq3A_513 : i32
          %eq3A_515 = arith.constant 1 : i32
          %eq3A_516 = arith.cmpi eq, %squeeze3A_469, %eq3A_515 : i32
          %eq3A_517 = arith.constant 2 : i32
          %eq3A_518 = arith.cmpi eq, %squeeze3A_469, %eq3A_517 : i32
          %select_n3A_519 = arith.select %eq3A_518, %exp3A_123, %exp3A_171 : vector<16xf32>
          %select_n3A_520 = arith.select %eq3A_516, %exp3A_75, %select_n3A_519 : vector<16xf32>
          %select_n3A_521 = arith.select %eq3A_514, %exp3A_27, %select_n3A_520 : vector<16xf32>
          %get3A_522 = arith.index_cast %add3A_474 : i32 to index
          %get3A_523 = arith.constant 32 : index
          %get3A_524 = tpu.vector_load %arg7[%get3A_522, %get3A_523] {strides = array<i32>} : memref<640x128xf32, #tpu.memory_space<vmem>>, vector<1x16xf32>,
          %get3A_525 = vector.shape_cast %get3A_524 : vector<1x16xf32> to vector<16xf32>
          %mul3A_526 = arith.mulf %get3A_525, %select_n3A_521 : vector<16xf32>
          %swap3A_527 = arith.index_cast %add3A_474 : i32 to index
          %swap3A_528 = arith.constant 32 : index
          %swap3A_529 = tpu.vector_load %arg7[%swap3A_527, %swap3A_528] {strides = array<i32>} : memref<640x128xf32, #tpu.memory_space<vmem>>, vector<1x16xf32>,
          %swap3A_530 = vector.shape_cast %swap3A_529 : vector<1x16xf32> to vector<16xf32>
          %swap3A_531 = vector.shape_cast %mul3A_526 : vector<16xf32> to vector<1x16xf32>
          tpu.vector_store %arg7[%swap3A_527, %swap3A_528], %swap3A_531 {strides = array<i32>} : memref<640x128xf32, #tpu.memory_space<vmem>>, vector<1x16xf32>,
          %eq3A_532 = arith.constant 0 : i32
          %eq3A_533 = arith.cmpi eq, %squeeze3A_469, %eq3A_532 : i32
          %eq3A_534 = arith.constant 1 : i32
          %eq3A_535 = arith.cmpi eq, %squeeze3A_469, %eq3A_534 : i32
          %eq3A_536 = arith.constant 2 : i32
          %eq3A_537 = arith.cmpi eq, %squeeze3A_469, %eq3A_536 : i32
          %select_n3A_538 = arith.select %eq3A_537, %exp3A_129, %exp3A_177 : vector<16xf32>
          %select_n3A_539 = arith.select %eq3A_535, %exp3A_81, %select_n3A_538 : vector<16xf32>
          %select_n3A_540 = arith.select %eq3A_533, %exp3A_33, %select_n3A_539 : vector<16xf32>
          %get3A_541 = arith.index_cast %add3A_474 : i32 to index
          %get3A_542 = arith.constant 48 : index
          %get3A_543 = tpu.vector_load %arg7[%get3A_541, %get3A_542] {strides = array<i32>} : memref<640x128xf32, #tpu.memory_space<vmem>>, vector<1x16xf32>,
          %get3A_544 = vector.shape_cast %get3A_543 : vector<1x16xf32> to vector<16xf32>
          %mul3A_545 = arith.mulf %get3A_544, %select_n3A_540 : vector<16xf32>
          %swap3A_546 = arith.index_cast %add3A_474 : i32 to index
          %swap3A_547 = arith.constant 48 : index
          %swap3A_548 = tpu.vector_load %arg7[%swap3A_546, %swap3A_547] {strides = array<i32>} : memref<640x128xf32, #tpu.memory_space<vmem>>, vector<1x16xf32>,
          %swap3A_549 = vector.shape_cast %swap3A_548 : vector<1x16xf32> to vector<16xf32>
          %swap3A_550 = vector.shape_cast %mul3A_545 : vector<16xf32> to vector<1x16xf32>
          tpu.vector_store %arg7[%swap3A_546, %swap3A_547], %swap3A_550 {strides = array<i32>} : memref<640x128xf32, #tpu.memory_space<vmem>>, vector<1x16xf32>,
          %eq3A_551 = arith.constant 0 : i32
          %eq3A_552 = arith.cmpi eq, %squeeze3A_469, %eq3A_551 : i32
          %eq3A_553 = arith.constant 1 : i32
          %eq3A_554 = arith.cmpi eq, %squeeze3A_469, %eq3A_553 : i32
          %eq3A_555 = arith.constant 2 : i32
          %eq3A_556 = arith.cmpi eq, %squeeze3A_469, %eq3A_555 : i32
          %select_n3A_557 = arith.select %eq3A_556, %exp3A_135, %exp3A_183 : vector<16xf32>
          %select_n3A_558 = arith.select %eq3A_554, %exp3A_87, %select_n3A_557 : vector<16xf32>
          %select_n3A_559 = arith.select %eq3A_552, %exp3A_39, %select_n3A_558 : vector<16xf32>
          %get3A_560 = arith.index_cast %add3A_474 : i32 to index
          %get3A_561 = arith.constant 64 : index
          %get3A_562 = tpu.vector_load %arg7[%get3A_560, %get3A_561] {strides = array<i32>} : memref<640x128xf32, #tpu.memory_space<vmem>>, vector<1x16xf32>,
          %get3A_563 = vector.shape_cast %get3A_562 : vector<1x16xf32> to vector<16xf32>
          %mul3A_564 = arith.mulf %get3A_563, %select_n3A_559 : vector<16xf32>
          %swap3A_565 = arith.index_cast %add3A_474 : i32 to index
          %swap3A_566 = arith.constant 64 : index
          %swap3A_567 = tpu.vector_load %arg7[%swap3A_565, %swap3A_566] {strides = array<i32>} : memref<640x128xf32, #tpu.memory_space<vmem>>, vector<1x16xf32>,
          %swap3A_568 = vector.shape_cast %swap3A_567 : vector<1x16xf32> to vector<16xf32>
          %swap3A_569 = vector.shape_cast %mul3A_564 : vector<16xf32> to vector<1x16xf32>
          tpu.vector_store %arg7[%swap3A_565, %swap3A_566], %swap3A_569 {strides = array<i32>} : memref<640x128xf32, #tpu.memory_space<vmem>>, vector<1x16xf32>,
          %eq3A_570 = arith.constant 0 : i32
          %eq3A_571 = arith.cmpi eq, %squeeze3A_469, %eq3A_570 : i32
          %eq3A_572 = arith.constant 1 : i32
          %eq3A_573 = arith.cmpi eq, %squeeze3A_469, %eq3A_572 : i32
          %eq3A_574 = arith.constant 2 : i32
          %eq3A_575 = arith.cmpi eq, %squeeze3A_469, %eq3A_574 : i32
          %select_n3A_576 = arith.select %eq3A_575, %exp3A_141, %exp3A_189 : vector<16xf32>
          %select_n3A_577 = arith.select %eq3A_573, %exp3A_93, %select_n3A_576 : vector<16xf32>
          %select_n3A_578 = arith.select %eq3A_571, %exp3A_45, %select_n3A_577 : vector<16xf32>
          %get3A_579 = arith.index_cast %add3A_474 : i32 to index
          %get3A_580 = arith.constant 80 : index
          %get3A_581 = tpu.vector_load %arg7[%get3A_579, %get3A_580] {strides = array<i32>} : memref<640x128xf32, #tpu.memory_space<vmem>>, vector<1x16xf32>,
          %get3A_582 = vector.shape_cast %get3A_581 : vector<1x16xf32> to vector<16xf32>
          %mul3A_583 = arith.mulf %get3A_582, %select_n3A_578 : vector<16xf32>
          %swap3A_584 = arith.index_cast %add3A_474 : i32 to index
          %swap3A_585 = arith.constant 80 : index
          %swap3A_586 = tpu.vector_load %arg7[%swap3A_584, %swap3A_585] {strides = array<i32>} : memref<640x128xf32, #tpu.memory_space<vmem>>, vector<1x16xf32>,
          %swap3A_587 = vector.shape_cast %swap3A_586 : vector<1x16xf32> to vector<16xf32>
          %swap3A_588 = vector.shape_cast %mul3A_583 : vector<16xf32> to vector<1x16xf32>
          tpu.vector_store %arg7[%swap3A_584, %swap3A_585], %swap3A_588 {strides = array<i32>} : memref<640x128xf32, #tpu.memory_space<vmem>>, vector<1x16xf32>,
          %eq3A_589 = arith.constant 0 : i32
          %eq3A_590 = arith.cmpi eq, %squeeze3A_469, %eq3A_589 : i32
          %eq3A_591 = arith.constant 1 : i32
          %eq3A_592 = arith.cmpi eq, %squeeze3A_469, %eq3A_591 : i32
          %eq3A_593 = arith.constant 2 : i32
          %eq3A_594 = arith.cmpi eq, %squeeze3A_469, %eq3A_593 : i32
          %select_n3A_595 = arith.select %eq3A_594, %exp3A_147, %exp3A_195 : vector<16xf32>
          %select_n3A_596 = arith.select %eq3A_592, %exp3A_99, %select_n3A_595 : vector<16xf32>
          %select_n3A_597 = arith.select %eq3A_590, %exp3A_51, %select_n3A_596 : vector<16xf32>
          %get3A_598 = arith.index_cast %add3A_474 : i32 to index
          %get3A_599 = arith.constant 96 : index
          %get3A_600 = tpu.vector_load %arg7[%get3A_598, %get3A_599] {strides = array<i32>} : memref<640x128xf32, #tpu.memory_space<vmem>>, vector<1x16xf32>,
          %get3A_601 = vector.shape_cast %get3A_600 : vector<1x16xf32> to vector<16xf32>
          %mul3A_602 = arith.mulf %get3A_601, %select_n3A_597 : vector<16xf32>
          %swap3A_603 = arith.index_cast %add3A_474 : i32 to index
          %swap3A_604 = arith.constant 96 : index
          %swap3A_605 = tpu.vector_load %arg7[%swap3A_603, %swap3A_604] {strides = array<i32>} : memref<640x128xf32, #tpu.memory_space<vmem>>, vector<1x16xf32>,
          %swap3A_606 = vector.shape_cast %swap3A_605 : vector<1x16xf32> to vector<16xf32>
          %swap3A_607 = vector.shape_cast %mul3A_602 : vector<16xf32> to vector<1x16xf32>
          tpu.vector_store %arg7[%swap3A_603, %swap3A_604], %swap3A_607 {strides = array<i32>} : memref<640x128xf32, #tpu.memory_space<vmem>>, vector<1x16xf32>,
          %eq3A_608 = arith.constant 0 : i32
          %eq3A_609 = arith.cmpi eq, %squeeze3A_469, %eq3A_608 : i32
          %eq3A_610 = arith.constant 1 : i32
          %eq3A_611 = arith.cmpi eq, %squeeze3A_469, %eq3A_610 : i32
          %eq3A_612 = arith.constant 2 : i32
          %eq3A_613 = arith.cmpi eq, %squeeze3A_469, %eq3A_612 : i32
          %select_n3A_614 = arith.select %eq3A_613, %exp3A_153, %exp3A_201 : vector<16xf32>
          %select_n3A_615 = arith.select %eq3A_611, %exp3A_105, %select_n3A_614 : vector<16xf32>
          %select_n3A_616 = arith.select %eq3A_609, %exp3A_57, %select_n3A_615 : vector<16xf32>
          %get3A_617 = arith.index_cast %add3A_474 : i32 to index
          %get3A_618 = arith.constant 112 : index
          %get3A_619 = tpu.vector_load %arg7[%get3A_617, %get3A_618] {strides = array<i32>} : memref<640x128xf32, #tpu.memory_space<vmem>>, vector<1x16xf32>,
          %get3A_620 = vector.shape_cast %get3A_619 : vector<1x16xf32> to vector<16xf32>
          %mul3A_621 = arith.mulf %get3A_620, %select_n3A_616 : vector<16xf32>
          %swap3A_622 = arith.index_cast %add3A_474 : i32 to index
          %swap3A_623 = arith.constant 112 : index
          %swap3A_624 = tpu.vector_load %arg7[%swap3A_622, %swap3A_623] {strides = array<i32>} : memref<640x128xf32, #tpu.memory_space<vmem>>, vector<1x16xf32>,
          %swap3A_625 = vector.shape_cast %swap3A_624 : vector<1x16xf32> to vector<16xf32>
          %swap3A_626 = vector.shape_cast %mul3A_621 : vector<16xf32> to vector<1x16xf32>
          tpu.vector_store %arg7[%swap3A_622, %swap3A_623], %swap3A_626 {strides = array<i32>} : memref<640x128xf32, #tpu.memory_space<vmem>>, vector<1x16xf32>,
          %slice3A_627 = vector.extract_strided_slice %get3A_313 {offsets = [2], sizes = [1], strides = [1]} : vector<16xi32> to vector<1xi32>
          %squeeze3A_628 = vector.extract %slice3A_627[0] : i32 from vector<1xi32>
          %mul3A_629 = arith.constant 16 : i32
          %mul3A_630 = arith.muli %scan3A_306, %mul3A_629 : i32
          %add3A_631 = arith.addi %mul3A_282, %mul3A_630 : i32
          %add3A_632 = arith.constant 2 : i32
          %add3A_633 = arith.addi %add3A_631, %add3A_632 : i32
          %eq3A_634 = arith.constant 0 : i32
          %eq3A_635 = arith.cmpi eq, %squeeze3A_628, %eq3A_634 : i32
          %eq3A_636 = arith.constant 1 : i32
          %eq3A_637 = arith.cmpi eq, %squeeze3A_628, %eq3A_636 : i32
          %eq3A_638 = arith.constant 2 : i32
          %eq3A_639 = arith.cmpi eq, %squeeze3A_628, %eq3A_638 : i32
          %select_n3A_640 = arith.select %eq3A_639, %exp3A_111, %exp3A_159 : vector<16xf32>
          %select_n3A_641 = arith.select %eq3A_637, %exp3A_63, %select_n3A_640 : vector<16xf32>
          %select_n3A_642 = arith.select %eq3A_635, %exp3A, %select_n3A_641 : vector<16xf32>
          %get3A_643 = arith.index_cast %add3A_633 : i32 to index
          %get3A_644 = arith.constant 0 : index
          %get3A_645 = tpu.vector_load %arg7[%get3A_643, %get3A_644] {strides = array<i32>} : memref<640x128xf32, #tpu.memory_space<vmem>>, vector<1x16xf32>,
          %get3A_646 = vector.shape_cast %get3A_645 : vector<1x16xf32> to vector<16xf32>
          %mul3A_647 = arith.mulf %get3A_646, %select_n3A_642 : vector<16xf32>
          %swap3A_648 = arith.index_cast %add3A_633 : i32 to index
          %swap3A_649 = arith.constant 0 : index
          %swap3A_650 = tpu.vector_load %arg7[%swap3A_648, %swap3A_649] {strides = array<i32>} : memref<640x128xf32, #tpu.memory_space<vmem>>, vector<1x16xf32>,
          %swap3A_651 = vector.shape_cast %swap3A_650 : vector<1x16xf32> to vector<16xf32>
          %swap3A_652 = vector.shape_cast %mul3A_647 : vector<16xf32> to vector<1x16xf32>
          tpu.vector_store %arg7[%swap3A_648, %swap3A_649], %swap3A_652 {strides = array<i32>} : memref<640x128xf32, #tpu.memory_space<vmem>>, vector<1x16xf32>,
          %eq3A_653 = arith.constant 0 : i32
          %eq3A_654 = arith.cmpi eq, %squeeze3A_628, %eq3A_653 : i32
          %eq3A_655 = arith.constant 1 : i32
          %eq3A_656 = arith.cmpi eq, %squeeze3A_628, %eq3A_655 : i32
          %eq3A_657 = arith.constant 2 : i32
          %eq3A_658 = arith.cmpi eq, %squeeze3A_628, %eq3A_657 : i32
          %select_n3A_659 = arith.select %eq3A_658, %exp3A_117, %exp3A_165 : vector<16xf32>
          %select_n3A_660 = arith.select %eq3A_656, %exp3A_69, %select_n3A_659 : vector<16xf32>
          %select_n3A_661 = arith.select %eq3A_654, %exp3A_21, %select_n3A_660 : vector<16xf32>
          %get3A_662 = arith.index_cast %add3A_633 : i32 to index
          %get3A_663 = arith.constant 16 : index
          %get3A_664 = tpu.vector_load %arg7[%get3A_662, %get3A_663] {strides = array<i32>} : memref<640x128xf32, #tpu.memory_space<vmem>>, vector<1x16xf32>,
          %get3A_665 = vector.shape_cast %get3A_664 : vector<1x16xf32> to vector<16xf32>
          %mul3A_666 = arith.mulf %get3A_665, %select_n3A_661 : vector<16xf32>
          %swap3A_667 = arith.index_cast %add3A_633 : i32 to index
          %swap3A_668 = arith.constant 16 : index
          %swap3A_669 = tpu.vector_load %arg7[%swap3A_667, %swap3A_668] {strides = array<i32>} : memref<640x128xf32, #tpu.memory_space<vmem>>, vector<1x16xf32>,
          %swap3A_670 = vector.shape_cast %swap3A_669 : vector<1x16xf32> to vector<16xf32>
          %swap3A_671 = vector.shape_cast %mul3A_666 : vector<16xf32> to vector<1x16xf32>
          tpu.vector_store %arg7[%swap3A_667, %swap3A_668], %swap3A_671 {strides = array<i32>} : memref<640x128xf32, #tpu.memory_space<vmem>>, vector<1x16xf32>,
          %eq3A_672 = arith.constant 0 : i32
          %eq3A_673 = arith.cmpi eq, %squeeze3A_628, %eq3A_672 : i32
          %eq3A_674 = arith.constant 1 : i32
          %eq3A_675 = arith.cmpi eq, %squeeze3A_628, %eq3A_674 : i32
          %eq3A_676 = arith.constant 2 : i32
          %eq3A_677 = arith.cmpi eq, %squeeze3A_628, %eq3A_676 : i32
          %select_n3A_678 = arith.select %eq3A_677, %exp3A_123, %exp3A_171 : vector<16xf32>
          %select_n3A_679 = arith.select %eq3A_675, %exp3A_75, %select_n3A_678 : vector<16xf32>
          %select_n3A_680 = arith.select %eq3A_673, %exp3A_27, %select_n3A_679 : vector<16xf32>
          %get3A_681 = arith.index_cast %add3A_633 : i32 to index
          %get3A_682 = arith.constant 32 : index
          %get3A_683 = tpu.vector_load %arg7[%get3A_681, %get3A_682] {strides = array<i32>} : memref<640x128xf32, #tpu.memory_space<vmem>>, vector<1x16xf32>,
          %get3A_684 = vector.shape_cast %get3A_683 : vector<1x16xf32> to vector<16xf32>
          %mul3A_685 = arith.mulf %get3A_684, %select_n3A_680 : vector<16xf32>
          %swap3A_686 = arith.index_cast %add3A_633 : i32 to index
          %swap3A_687 = arith.constant 32 : index
          %swap3A_688 = tpu.vector_load %arg7[%swap3A_686, %swap3A_687] {strides = array<i32>} : memref<640x128xf32, #tpu.memory_space<vmem>>, vector<1x16xf32>,
          %swap3A_689 = vector.shape_cast %swap3A_688 : vector<1x16xf32> to vector<16xf32>
          %swap3A_690 = vector.shape_cast %mul3A_685 : vector<16xf32> to vector<1x16xf32>
          tpu.vector_store %arg7[%swap3A_686, %swap3A_687], %swap3A_690 {strides = array<i32>} : memref<640x128xf32, #tpu.memory_space<vmem>>, vector<1x16xf32>,
          %eq3A_691 = arith.constant 0 : i32
          %eq3A_692 = arith.cmpi eq, %squeeze3A_628, %eq3A_691 : i32
          %eq3A_693 = arith.constant 1 : i32
          %eq3A_694 = arith.cmpi eq, %squeeze3A_628, %eq3A_693 : i32
          %eq3A_695 = arith.constant 2 : i32
          %eq3A_696 = arith.cmpi eq, %squeeze3A_628, %eq3A_695 : i32
          %select_n3A_697 = arith.select %eq3A_696, %exp3A_129, %exp3A_177 : vector<16xf32>
          %select_n3A_698 = arith.select %eq3A_694, %exp3A_81, %select_n3A_697 : vector<16xf32>
          %select_n3A_699 = arith.select %eq3A_692, %exp3A_33, %select_n3A_698 : vector<16xf32>
          %get3A_700 = arith.index_cast %add3A_633 : i32 to index
          %get3A_701 = arith.constant 48 : index
          %get3A_702 = tpu.vector_load %arg7[%get3A_700, %get3A_701] {strides = array<i32>} : memref<640x128xf32, #tpu.memory_space<vmem>>, vector<1x16xf32>,
          %get3A_703 = vector.shape_cast %get3A_702 : vector<1x16xf32> to vector<16xf32>
          %mul3A_704 = arith.mulf %get3A_703, %select_n3A_699 : vector<16xf32>
          %swap3A_705 = arith.index_cast %add3A_633 : i32 to index
          %swap3A_706 = arith.constant 48 : index
          %swap3A_707 = tpu.vector_load %arg7[%swap3A_705, %swap3A_706] {strides = array<i32>} : memref<640x128xf32, #tpu.memory_space<vmem>>, vector<1x16xf32>,
          %swap3A_708 = vector.shape_cast %swap3A_707 : vector<1x16xf32> to vector<16xf32>
          %swap3A_709 = vector.shape_cast %mul3A_704 : vector<16xf32> to vector<1x16xf32>
          tpu.vector_store %arg7[%swap3A_705, %swap3A_706], %swap3A_709 {strides = array<i32>} : memref<640x128xf32, #tpu.memory_space<vmem>>, vector<1x16xf32>,
          %eq3A_710 = arith.constant 0 : i32
          %eq3A_711 = arith.cmpi eq, %squeeze3A_628, %eq3A_710 : i32
          %eq3A_712 = arith.constant 1 : i32
          %eq3A_713 = arith.cmpi eq, %squeeze3A_628, %eq3A_712 : i32
          %eq3A_714 = arith.constant 2 : i32
          %eq3A_715 = arith.cmpi eq, %squeeze3A_628, %eq3A_714 : i32
          %select_n3A_716 = arith.select %eq3A_715, %exp3A_135, %exp3A_183 : vector<16xf32>
          %select_n3A_717 = arith.select %eq3A_713, %exp3A_87, %select_n3A_716 : vector<16xf32>
          %select_n3A_718 = arith.select %eq3A_711, %exp3A_39, %select_n3A_717 : vector<16xf32>
          %get3A_719 = arith.index_cast %add3A_633 : i32 to index
          %get3A_720 = arith.constant 64 : index
          %get3A_721 = tpu.vector_load %arg7[%get3A_719, %get3A_720] {strides = array<i32>} : memref<640x128xf32, #tpu.memory_space<vmem>>, vector<1x16xf32>,
          %get3A_722 = vector.shape_cast %get3A_721 : vector<1x16xf32> to vector<16xf32>
          %mul3A_723 = arith.mulf %get3A_722, %select_n3A_718 : vector<16xf32>
          %swap3A_724 = arith.index_cast %add3A_633 : i32 to index
          %swap3A_725 = arith.constant 64 : index
          %swap3A_726 = tpu.vector_load %arg7[%swap3A_724, %swap3A_725] {strides = array<i32>} : memref<640x128xf32, #tpu.memory_space<vmem>>, vector<1x16xf32>,
          %swap3A_727 = vector.shape_cast %swap3A_726 : vector<1x16xf32> to vector<16xf32>
          %swap3A_728 = vector.shape_cast %mul3A_723 : vector<16xf32> to vector<1x16xf32>
          tpu.vector_store %arg7[%swap3A_724, %swap3A_725], %swap3A_728 {strides = array<i32>} : memref<640x128xf32, #tpu.memory_space<vmem>>, vector<1x16xf32>,
          %eq3A_729 = arith.constant 0 : i32
          %eq3A_730 = arith.cmpi eq, %squeeze3A_628, %eq3A_729 : i32
          %eq3A_731 = arith.constant 1 : i32
          %eq3A_732 = arith.cmpi eq, %squeeze3A_628, %eq3A_731 : i32
          %eq3A_733 = arith.constant 2 : i32
          %eq3A_734 = arith.cmpi eq, %squeeze3A_628, %eq3A_733 : i32
          %select_n3A_735 = arith.select %eq3A_734, %exp3A_141, %exp3A_189 : vector<16xf32>
          %select_n3A_736 = arith.select %eq3A_732, %exp3A_93, %select_n3A_735 : vector<16xf32>
          %select_n3A_737 = arith.select %eq3A_730, %exp3A_45, %select_n3A_736 : vector<16xf32>
          %get3A_738 = arith.index_cast %add3A_633 : i32 to index
          %get3A_739 = arith.constant 80 : index
          %get3A_740 = tpu.vector_load %arg7[%get3A_738, %get3A_739] {strides = array<i32>} : memref<640x128xf32, #tpu.memory_space<vmem>>, vector<1x16xf32>,
          %get3A_741 = vector.shape_cast %get3A_740 : vector<1x16xf32> to vector<16xf32>
          %mul3A_742 = arith.mulf %get3A_741, %select_n3A_737 : vector<16xf32>
          %swap3A_743 = arith.index_cast %add3A_633 : i32 to index
          %swap3A_744 = arith.constant 80 : index
          %swap3A_745 = tpu.vector_load %arg7[%swap3A_743, %swap3A_744] {strides = array<i32>} : memref<640x128xf32, #tpu.memory_space<vmem>>, vector<1x16xf32>,
          %swap3A_746 = vector.shape_cast %swap3A_745 : vector<1x16xf32> to vector<16xf32>
          %swap3A_747 = vector.shape_cast %mul3A_742 : vector<16xf32> to vector<1x16xf32>
          tpu.vector_store %arg7[%swap3A_743, %swap3A_744], %swap3A_747 {strides = array<i32>} : memref<640x128xf32, #tpu.memory_space<vmem>>, vector<1x16xf32>,
          %eq3A_748 = arith.constant 0 : i32
          %eq3A_749 = arith.cmpi eq, %squeeze3A_628, %eq3A_748 : i32
          %eq3A_750 = arith.constant 1 : i32
          %eq3A_751 = arith.cmpi eq, %squeeze3A_628, %eq3A_750 : i32
          %eq3A_752 = arith.constant 2 : i32
          %eq3A_753 = arith.cmpi eq, %squeeze3A_628, %eq3A_752 : i32
          %select_n3A_754 = arith.select %eq3A_753, %exp3A_147, %exp3A_195 : vector<16xf32>
          %select_n3A_755 = arith.select %eq3A_751, %exp3A_99, %select_n3A_754 : vector<16xf32>
          %select_n3A_756 = arith.select %eq3A_749, %exp3A_51, %select_n3A_755 : vector<16xf32>
          %get3A_757 = arith.index_cast %add3A_633 : i32 to index
          %get3A_758 = arith.constant 96 : index
          %get3A_759 = tpu.vector_load %arg7[%get3A_757, %get3A_758] {strides = array<i32>} : memref<640x128xf32, #tpu.memory_space<vmem>>, vector<1x16xf32>,
          %get3A_760 = vector.shape_cast %get3A_759 : vector<1x16xf32> to vector<16xf32>
          %mul3A_761 = arith.mulf %get3A_760, %select_n3A_756 : vector<16xf32>
          %swap3A_762 = arith.index_cast %add3A_633 : i32 to index
          %swap3A_763 = arith.constant 96 : index
          %swap3A_764 = tpu.vector_load %arg7[%swap3A_762, %swap3A_763] {strides = array<i32>} : memref<640x128xf32, #tpu.memory_space<vmem>>, vector<1x16xf32>,
          %swap3A_765 = vector.shape_cast %swap3A_764 : vector<1x16xf32> to vector<16xf32>
          %swap3A_766 = vector.shape_cast %mul3A_761 : vector<16xf32> to vector<1x16xf32>
          tpu.vector_store %arg7[%swap3A_762, %swap3A_763], %swap3A_766 {strides = array<i32>} : memref<640x128xf32, #tpu.memory_space<vmem>>, vector<1x16xf32>,
          %eq3A_767 = arith.constant 0 : i32
          %eq3A_768 = arith.cmpi eq, %squeeze3A_628, %eq3A_767 : i32
          %eq3A_769 = arith.constant 1 : i32
          %eq3A_770 = arith.cmpi eq, %squeeze3A_628, %eq3A_769 : i32
          %eq3A_771 = arith.constant 2 : i32
          %eq3A_772 = arith.cmpi eq, %squeeze3A_628, %eq3A_771 : i32
          %select_n3A_773 = arith.select %eq3A_772, %exp3A_153, %exp3A_201 : vector<16xf32>
          %select_n3A_774 = arith.select %eq3A_770, %exp3A_105, %select_n3A_773 : vector<16xf32>
          %select_n3A_775 = arith.select %eq3A_768, %exp3A_57, %select_n3A_774 : vector<16xf32>
          %get3A_776 = arith.index_cast %add3A_633 : i32 to index
          %get3A_777 = arith.constant 112 : index
          %get3A_778 = tpu.vector_load %arg7[%get3A_776, %get3A_777] {strides = array<i32>} : memref<640x128xf32, #tpu.memory_space<vmem>>, vector<1x16xf32>,
          %get3A_779 = vector.shape_cast %get3A_778 : vector<1x16xf32> to vector<16xf32>
          %mul3A_780 = arith.mulf %get3A_779, %select_n3A_775 : vector<16xf32>
          %swap3A_781 = arith.index_cast %add3A_633 : i32 to index
          %swap3A_782 = arith.constant 112 : index
          %swap3A_783 = tpu.vector_load %arg7[%swap3A_781, %swap3A_782] {strides = array<i32>} : memref<640x128xf32, #tpu.memory_space<vmem>>, vector<1x16xf32>,
          %swap3A_784 = vector.shape_cast %swap3A_783 : vector<1x16xf32> to vector<16xf32>
          %swap3A_785 = vector.shape_cast %mul3A_780 : vector<16xf32> to vector<1x16xf32>
          tpu.vector_store %arg7[%swap3A_781, %swap3A_782], %swap3A_785 {strides = array<i32>} : memref<640x128xf32, #tpu.memory_space<vmem>>, vector<1x16xf32>,
          %slice3A_786 = vector.extract_strided_slice %get3A_313 {offsets = [3], sizes = [1], strides = [1]} : vector<16xi32> to vector<1xi32>
          %squeeze3A_787 = vector.extract %slice3A_786[0] : i32 from vector<1xi32>
          %mul3A_788 = arith.constant 16 : i32
          %mul3A_789 = arith.muli %scan3A_306, %mul3A_788 : i32
          %add3A_790 = arith.addi %mul3A_282, %mul3A_789 : i32
          %add3A_791 = arith.constant 3 : i32
          %add3A_792 = arith.addi %add3A_790, %add3A_791 : i32
          %eq3A_793 = arith.constant 0 : i32
          %eq3A_794 = arith.cmpi eq, %squeeze3A_787, %eq3A_793 : i32
          %eq3A_795 = arith.constant 1 : i32
          %eq3A_796 = arith.cmpi eq, %squeeze3A_787, %eq3A_795 : i32
          %eq3A_797 = arith.constant 2 : i32
          %eq3A_798 = arith.cmpi eq, %squeeze3A_787, %eq3A_797 : i32
          %select_n3A_799 = arith.select %eq3A_798, %exp3A_111, %exp3A_159 : vector<16xf32>
          %select_n3A_800 = arith.select %eq3A_796, %exp3A_63, %select_n3A_799 : vector<16xf32>
          %select_n3A_801 = arith.select %eq3A_794, %exp3A, %select_n3A_800 : vector<16xf32>
          %get3A_802 = arith.index_cast %add3A_792 : i32 to index
          %get3A_803 = arith.constant 0 : index
          %get3A_804 = tpu.vector_load %arg7[%get3A_802, %get3A_803] {strides = array<i32>} : memref<640x128xf32, #tpu.memory_space<vmem>>, vector<1x16xf32>,
          %get3A_805 = vector.shape_cast %get3A_804 : vector<1x16xf32> to vector<16xf32>
          %mul3A_806 = arith.mulf %get3A_805, %select_n3A_801 : vector<16xf32>
          %swap3A_807 = arith.index_cast %add3A_792 : i32 to index
          %swap3A_808 = arith.constant 0 : index
          %swap3A_809 = tpu.vector_load %arg7[%swap3A_807, %swap3A_808] {strides = array<i32>} : memref<640x128xf32, #tpu.memory_space<vmem>>, vector<1x16xf32>,
          %swap3A_810 = vector.shape_cast %swap3A_809 : vector<1x16xf32> to vector<16xf32>
          %swap3A_811 = vector.shape_cast %mul3A_806 : vector<16xf32> to vector<1x16xf32>
          tpu.vector_store %arg7[%swap3A_807, %swap3A_808], %swap3A_811 {strides = array<i32>} : memref<640x128xf32, #tpu.memory_space<vmem>>, vector<1x16xf32>,
          %eq3A_812 = arith.constant 0 : i32
          %eq3A_813 = arith.cmpi eq, %squeeze3A_787, %eq3A_812 : i32
          %eq3A_814 = arith.constant 1 : i32
          %eq3A_815 = arith.cmpi eq, %squeeze3A_787, %eq3A_814 : i32
          %eq3A_816 = arith.constant 2 : i32
          %eq3A_817 = arith.cmpi eq, %squeeze3A_787, %eq3A_816 : i32
          %select_n3A_818 = arith.select %eq3A_817, %exp3A_117, %exp3A_165 : vector<16xf32>
          %select_n3A_819 = arith.select %eq3A_815, %exp3A_69, %select_n3A_818 : vector<16xf32>
          %select_n3A_820 = arith.select %eq3A_813, %exp3A_21, %select_n3A_819 : vector<16xf32>
          %get3A_821 = arith.index_cast %add3A_792 : i32 to index
          %get3A_822 = arith.constant 16 : index
          %get3A_823 = tpu.vector_load %arg7[%get3A_821, %get3A_822] {strides = array<i32>} : memref<640x128xf32, #tpu.memory_space<vmem>>, vector<1x16xf32>,
          %get3A_824 = vector.shape_cast %get3A_823 : vector<1x16xf32> to vector<16xf32>
          %mul3A_825 = arith.mulf %get3A_824, %select_n3A_820 : vector<16xf32>
          %swap3A_826 = arith.index_cast %add3A_792 : i32 to index
          %swap3A_827 = arith.constant 16 : index
          %swap3A_828 = tpu.vector_load %arg7[%swap3A_826, %swap3A_827] {strides = array<i32>} : memref<640x128xf32, #tpu.memory_space<vmem>>, vector<1x16xf32>,
          %swap3A_829 = vector.shape_cast %swap3A_828 : vector<1x16xf32> to vector<16xf32>
          %swap3A_830 = vector.shape_cast %mul3A_825 : vector<16xf32> to vector<1x16xf32>
          tpu.vector_store %arg7[%swap3A_826, %swap3A_827], %swap3A_830 {strides = array<i32>} : memref<640x128xf32, #tpu.memory_space<vmem>>, vector<1x16xf32>,
          %eq3A_831 = arith.constant 0 : i32
          %eq3A_832 = arith.cmpi eq, %squeeze3A_787, %eq3A_831 : i32
          %eq3A_833 = arith.constant 1 : i32
          %eq3A_834 = arith.cmpi eq, %squeeze3A_787, %eq3A_833 : i32
          %eq3A_835 = arith.constant 2 : i32
          %eq3A_836 = arith.cmpi eq, %squeeze3A_787, %eq3A_835 : i32
          %select_n3A_837 = arith.select %eq3A_836, %exp3A_123, %exp3A_171 : vector<16xf32>
          %select_n3A_838 = arith.select %eq3A_834, %exp3A_75, %select_n3A_837 : vector<16xf32>
          %select_n3A_839 = arith.select %eq3A_832, %exp3A_27, %select_n3A_838 : vector<16xf32>
          %get3A_840 = arith.index_cast %add3A_792 : i32 to index
          %get3A_841 = arith.constant 32 : index
          %get3A_842 = tpu.vector_load %arg7[%get3A_840, %get3A_841] {strides = array<i32>} : memref<640x128xf32, #tpu.memory_space<vmem>>, vector<1x16xf32>,
          %get3A_843 = vector.shape_cast %get3A_842 : vector<1x16xf32> to vector<16xf32>
          %mul3A_844 = arith.mulf %get3A_843, %select_n3A_839 : vector<16xf32>
          %swap3A_845 = arith.index_cast %add3A_792 : i32 to index
          %swap3A_846 = arith.constant 32 : index
          %swap3A_847 = tpu.vector_load %arg7[%swap3A_845, %swap3A_846] {strides = array<i32>} : memref<640x128xf32, #tpu.memory_space<vmem>>, vector<1x16xf32>,
          %swap3A_848 = vector.shape_cast %swap3A_847 : vector<1x16xf32> to vector<16xf32>
          %swap3A_849 = vector.shape_cast %mul3A_844 : vector<16xf32> to vector<1x16xf32>
          tpu.vector_store %arg7[%swap3A_845, %swap3A_846], %swap3A_849 {strides = array<i32>} : memref<640x128xf32, #tpu.memory_space<vmem>>, vector<1x16xf32>,
          %eq3A_850 = arith.constant 0 : i32
          %eq3A_851 = arith.cmpi eq, %squeeze3A_787, %eq3A_850 : i32
          %eq3A_852 = arith.constant 1 : i32
          %eq3A_853 = arith.cmpi eq, %squeeze3A_787, %eq3A_852 : i32
          %eq3A_854 = arith.constant 2 : i32
          %eq3A_855 = arith.cmpi eq, %squeeze3A_787, %eq3A_854 : i32
          %select_n3A_856 = arith.select %eq3A_855, %exp3A_129, %exp3A_177 : vector<16xf32>
          %select_n3A_857 = arith.select %eq3A_853, %exp3A_81, %select_n3A_856 : vector<16xf32>
          %select_n3A_858 = arith.select %eq3A_851, %exp3A_33, %select_n3A_857 : vector<16xf32>
          %get3A_859 = arith.index_cast %add3A_792 : i32 to index
          %get3A_860 = arith.constant 48 : index
          %get3A_861 = tpu.vector_load %arg7[%get3A_859, %get3A_860] {strides = array<i32>} : memref<640x128xf32, #tpu.memory_space<vmem>>, vector<1x16xf32>,
          %get3A_862 = vector.shape_cast %get3A_861 : vector<1x16xf32> to vector<16xf32>
          %mul3A_863 = arith.mulf %get3A_862, %select_n3A_858 : vector<16xf32>
          %swap3A_864 = arith.index_cast %add3A_792 : i32 to index
          %swap3A_865 = arith.constant 48 : index
          %swap3A_866 = tpu.vector_load %arg7[%swap3A_864, %swap3A_865] {strides = array<i32>} : memref<640x128xf32, #tpu.memory_space<vmem>>, vector<1x16xf32>,
          %swap3A_867 = vector.shape_cast %swap3A_866 : vector<1x16xf32> to vector<16xf32>
          %swap3A_868 = vector.shape_cast %mul3A_863 : vector<16xf32> to vector<1x16xf32>
          tpu.vector_store %arg7[%swap3A_864, %swap3A_865], %swap3A_868 {strides = array<i32>} : memref<640x128xf32, #tpu.memory_space<vmem>>, vector<1x16xf32>,
          %eq3A_869 = arith.constant 0 : i32
          %eq3A_870 = arith.cmpi eq, %squeeze3A_787, %eq3A_869 : i32
          %eq3A_871 = arith.constant 1 : i32
          %eq3A_872 = arith.cmpi eq, %squeeze3A_787, %eq3A_871 : i32
          %eq3A_873 = arith.constant 2 : i32
          %eq3A_874 = arith.cmpi eq, %squeeze3A_787, %eq3A_873 : i32
          %select_n3A_875 = arith.select %eq3A_874, %exp3A_135, %exp3A_183 : vector<16xf32>
          %select_n3A_876 = arith.select %eq3A_872, %exp3A_87, %select_n3A_875 : vector<16xf32>
          %select_n3A_877 = arith.select %eq3A_870, %exp3A_39, %select_n3A_876 : vector<16xf32>
          %get3A_878 = arith.index_cast %add3A_792 : i32 to index
          %get3A_879 = arith.constant 64 : index
          %get3A_880 = tpu.vector_load %arg7[%get3A_878, %get3A_879] {strides = array<i32>} : memref<640x128xf32, #tpu.memory_space<vmem>>, vector<1x16xf32>,
          %get3A_881 = vector.shape_cast %get3A_880 : vector<1x16xf32> to vector<16xf32>
          %mul3A_882 = arith.mulf %get3A_881, %select_n3A_877 : vector<16xf32>
          %swap3A_883 = arith.index_cast %add3A_792 : i32 to index
          %swap3A_884 = arith.constant 64 : index
          %swap3A_885 = tpu.vector_load %arg7[%swap3A_883, %swap3A_884] {strides = array<i32>} : memref<640x128xf32, #tpu.memory_space<vmem>>, vector<1x16xf32>,
          %swap3A_886 = vector.shape_cast %swap3A_885 : vector<1x16xf32> to vector<16xf32>
          %swap3A_887 = vector.shape_cast %mul3A_882 : vector<16xf32> to vector<1x16xf32>
          tpu.vector_store %arg7[%swap3A_883, %swap3A_884], %swap3A_887 {strides = array<i32>} : memref<640x128xf32, #tpu.memory_space<vmem>>, vector<1x16xf32>,
          %eq3A_888 = arith.constant 0 : i32
          %eq3A_889 = arith.cmpi eq, %squeeze3A_787, %eq3A_888 : i32
          %eq3A_890 = arith.constant 1 : i32
          %eq3A_891 = arith.cmpi eq, %squeeze3A_787, %eq3A_890 : i32
          %eq3A_892 = arith.constant 2 : i32
          %eq3A_893 = arith.cmpi eq, %squeeze3A_787, %eq3A_892 : i32
          %select_n3A_894 = arith.select %eq3A_893, %exp3A_141, %exp3A_189 : vector<16xf32>
          %select_n3A_895 = arith.select %eq3A_891, %exp3A_93, %select_n3A_894 : vector<16xf32>
          %select_n3A_896 = arith.select %eq3A_889, %exp3A_45, %select_n3A_895 : vector<16xf32>
          %get3A_897 = arith.index_cast %add3A_792 : i32 to index
          %get3A_898 = arith.constant 80 : index
          %get3A_899 = tpu.vector_load %arg7[%get3A_897, %get3A_898] {strides = array<i32>} : memref<640x128xf32, #tpu.memory_space<vmem>>, vector<1x16xf32>,
          %get3A_900 = vector.shape_cast %get3A_899 : vector<1x16xf32> to vector<16xf32>
          %mul3A_901 = arith.mulf %get3A_900, %select_n3A_896 : vector<16xf32>
          %swap3A_902 = arith.index_cast %add3A_792 : i32 to index
          %swap3A_903 = arith.constant 80 : index
          %swap3A_904 = tpu.vector_load %arg7[%swap3A_902, %swap3A_903] {strides = array<i32>} : memref<640x128xf32, #tpu.memory_space<vmem>>, vector<1x16xf32>,
          %swap3A_905 = vector.shape_cast %swap3A_904 : vector<1x16xf32> to vector<16xf32>
          %swap3A_906 = vector.shape_cast %mul3A_901 : vector<16xf32> to vector<1x16xf32>
          tpu.vector_store %arg7[%swap3A_902, %swap3A_903], %swap3A_906 {strides = array<i32>} : memref<640x128xf32, #tpu.memory_space<vmem>>, vector<1x16xf32>,
          %eq3A_907 = arith.constant 0 : i32
          %eq3A_908 = arith.cmpi eq, %squeeze3A_787, %eq3A_907 : i32
          %eq3A_909 = arith.constant 1 : i32
          %eq3A_910 = arith.cmpi eq, %squeeze3A_787, %eq3A_909 : i32
          %eq3A_911 = arith.constant 2 : i32
          %eq3A_912 = arith.cmpi eq, %squeeze3A_787, %eq3A_911 : i32
          %select_n3A_913 = arith.select %eq3A_912, %exp3A_147, %exp3A_195 : vector<16xf32>
          %select_n3A_914 = arith.select %eq3A_910, %exp3A_99, %select_n3A_913 : vector<16xf32>
          %select_n3A_915 = arith.select %eq3A_908, %exp3A_51, %select_n3A_914 : vector<16xf32>
          %get3A_916 = arith.index_cast %add3A_792 : i32 to index
          %get3A_917 = arith.constant 96 : index
          %get3A_918 = tpu.vector_load %arg7[%get3A_916, %get3A_917] {strides = array<i32>} : memref<640x128xf32, #tpu.memory_space<vmem>>, vector<1x16xf32>,
          %get3A_919 = vector.shape_cast %get3A_918 : vector<1x16xf32> to vector<16xf32>
          %mul3A_920 = arith.mulf %get3A_919, %select_n3A_915 : vector<16xf32>
          %swap3A_921 = arith.index_cast %add3A_792 : i32 to index
          %swap3A_922 = arith.constant 96 : index
          %swap3A_923 = tpu.vector_load %arg7[%swap3A_921, %swap3A_922] {strides = array<i32>} : memref<640x128xf32, #tpu.memory_space<vmem>>, vector<1x16xf32>,
          %swap3A_924 = vector.shape_cast %swap3A_923 : vector<1x16xf32> to vector<16xf32>
          %swap3A_925 = vector.shape_cast %mul3A_920 : vector<16xf32> to vector<1x16xf32>
          tpu.vector_store %arg7[%swap3A_921, %swap3A_922], %swap3A_925 {strides = array<i32>} : memref<640x128xf32, #tpu.memory_space<vmem>>, vector<1x16xf32>,
          %eq3A_926 = arith.constant 0 : i32
          %eq3A_927 = arith.cmpi eq, %squeeze3A_787, %eq3A_926 : i32
          %eq3A_928 = arith.constant 1 : i32
          %eq3A_929 = arith.cmpi eq, %squeeze3A_787, %eq3A_928 : i32
          %eq3A_930 = arith.constant 2 : i32
          %eq3A_931 = arith.cmpi eq, %squeeze3A_787, %eq3A_930 : i32
          %select_n3A_932 = arith.select %eq3A_931, %exp3A_153, %exp3A_201 : vector<16xf32>
          %select_n3A_933 = arith.select %eq3A_929, %exp3A_105, %select_n3A_932 : vector<16xf32>
          %select_n3A_934 = arith.select %eq3A_927, %exp3A_57, %select_n3A_933 : vector<16xf32>
          %get3A_935 = arith.index_cast %add3A_792 : i32 to index
          %get3A_936 = arith.constant 112 : index
          %get3A_937 = tpu.vector_load %arg7[%get3A_935, %get3A_936] {strides = array<i32>} : memref<640x128xf32, #tpu.memory_space<vmem>>, vector<1x16xf32>,
          %get3A_938 = vector.shape_cast %get3A_937 : vector<1x16xf32> to vector<16xf32>
          %mul3A_939 = arith.mulf %get3A_938, %select_n3A_934 : vector<16xf32>
          %swap3A_940 = arith.index_cast %add3A_792 : i32 to index
          %swap3A_941 = arith.constant 112 : index
          %swap3A_942 = tpu.vector_load %arg7[%swap3A_940, %swap3A_941] {strides = array<i32>} : memref<640x128xf32, #tpu.memory_space<vmem>>, vector<1x16xf32>,
          %swap3A_943 = vector.shape_cast %swap3A_942 : vector<1x16xf32> to vector<16xf32>
          %swap3A_944 = vector.shape_cast %mul3A_939 : vector<16xf32> to vector<1x16xf32>
          tpu.vector_store %arg7[%swap3A_940, %swap3A_941], %swap3A_944 {strides = array<i32>} : memref<640x128xf32, #tpu.memory_space<vmem>>, vector<1x16xf32>,
          %slice3A_945 = vector.extract_strided_slice %get3A_313 {offsets = [4], sizes = [1], strides = [1]} : vector<16xi32> to vector<1xi32>
          %squeeze3A_946 = vector.extract %slice3A_945[0] : i32 from vector<1xi32>
          %mul3A_947 = arith.constant 16 : i32
          %mul3A_948 = arith.muli %scan3A_306, %mul3A_947 : i32
          %add3A_949 = arith.addi %mul3A_282, %mul3A_948 : i32
          %add3A_950 = arith.constant 4 : i32
          %add3A_951 = arith.addi %add3A_949, %add3A_950 : i32
          %eq3A_952 = arith.constant 0 : i32
          %eq3A_953 = arith.cmpi eq, %squeeze3A_946, %eq3A_952 : i32
          %eq3A_954 = arith.constant 1 : i32
          %eq3A_955 = arith.cmpi eq, %squeeze3A_946, %eq3A_954 : i32
          %eq3A_956 = arith.constant 2 : i32
          %eq3A_957 = arith.cmpi eq, %squeeze3A_946, %eq3A_956 : i32
          %select_n3A_958 = arith.select %eq3A_957, %exp3A_111, %exp3A_159 : vector<16xf32>
          %select_n3A_959 = arith.select %eq3A_955, %exp3A_63, %select_n3A_958 : vector<16xf32>
          %select_n3A_960 = arith.select %eq3A_953, %exp3A, %select_n3A_959 : vector<16xf32>
          %get3A_961 = arith.index_cast %add3A_951 : i32 to index
          %get3A_962 = arith.constant 0 : index
          %get3A_963 = tpu.vector_load %arg7[%get3A_961, %get3A_962] {strides = array<i32>} : memref<640x128xf32, #tpu.memory_space<vmem>>, vector<1x16xf32>,
          %get3A_964 = vector.shape_cast %get3A_963 : vector<1x16xf32> to vector<16xf32>
          %mul3A_965 = arith.mulf %get3A_964, %select_n3A_960 : vector<16xf32>
          %swap3A_966 = arith.index_cast %add3A_951 : i32 to index
          %swap3A_967 = arith.constant 0 : index
          %swap3A_968 = tpu.vector_load %arg7[%swap3A_966, %swap3A_967] {strides = array<i32>} : memref<640x128xf32, #tpu.memory_space<vmem>>, vector<1x16xf32>,
          %swap3A_969 = vector.shape_cast %swap3A_968 : vector<1x16xf32> to vector<16xf32>
          %swap3A_970 = vector.shape_cast %mul3A_965 : vector<16xf32> to vector<1x16xf32>
          tpu.vector_store %arg7[%swap3A_966, %swap3A_967], %swap3A_970 {strides = array<i32>} : memref<640x128xf32, #tpu.memory_space<vmem>>, vector<1x16xf32>,
          %eq3A_971 = arith.constant 0 : i32
          %eq3A_972 = arith.cmpi eq, %squeeze3A_946, %eq3A_971 : i32
          %eq3A_973 = arith.constant 1 : i32
          %eq3A_974 = arith.cmpi eq, %squeeze3A_946, %eq3A_973 : i32
          %eq3A_975 = arith.constant 2 : i32
          %eq3A_976 = arith.cmpi eq, %squeeze3A_946, %eq3A_975 : i32
          %select_n3A_977 = arith.select %eq3A_976, %exp3A_117, %exp3A_165 : vector<16xf32>
          %select_n3A_978 = arith.select %eq3A_974, %exp3A_69, %select_n3A_977 : vector<16xf32>
          %select_n3A_979 = arith.select %eq3A_972, %exp3A_21, %select_n3A_978 : vector<16xf32>
          %get3A_980 = arith.index_cast %add3A_951 : i32 to index
          %get3A_981 = arith.constant 16 : index
          %get3A_982 = tpu.vector_load %arg7[%get3A_980, %get3A_981] {strides = array<i32>} : memref<640x128xf32, #tpu.memory_space<vmem>>, vector<1x16xf32>,
          %get3A_983 = vector.shape_cast %get3A_982 : vector<1x16xf32> to vector<16xf32>
          %mul3A_984 = arith.mulf %get3A_983, %select_n3A_979 : vector<16xf32>
          %swap3A_985 = arith.index_cast %add3A_951 : i32 to index
          %swap3A_986 = arith.constant 16 : index
          %swap3A_987 = tpu.vector_load %arg7[%swap3A_985, %swap3A_986] {strides = array<i32>} : memref<640x128xf32, #tpu.memory_space<vmem>>, vector<1x16xf32>,
          %swap3A_988 = vector.shape_cast %swap3A_987 : vector<1x16xf32> to vector<16xf32>
          %swap3A_989 = vector.shape_cast %mul3A_984 : vector<16xf32> to vector<1x16xf32>
          tpu.vector_store %arg7[%swap3A_985, %swap3A_986], %swap3A_989 {strides = array<i32>} : memref<640x128xf32, #tpu.memory_space<vmem>>, vector<1x16xf32>,
          %eq3A_990 = arith.constant 0 : i32
          %eq3A_991 = arith.cmpi eq, %squeeze3A_946, %eq3A_990 : i32
          %eq3A_992 = arith.constant 1 : i32
          %eq3A_993 = arith.cmpi eq, %squeeze3A_946, %eq3A_992 : i32
          %eq3A_994 = arith.constant 2 : i32
          %eq3A_995 = arith.cmpi eq, %squeeze3A_946, %eq3A_994 : i32
          %select_n3A_996 = arith.select %eq3A_995, %exp3A_123, %exp3A_171 : vector<16xf32>
          %select_n3A_997 = arith.select %eq3A_993, %exp3A_75, %select_n3A_996 : vector<16xf32>
          %select_n3A_998 = arith.select %eq3A_991, %exp3A_27, %select_n3A_997 : vector<16xf32>
          %get3A_999 = arith.index_cast %add3A_951 : i32 to index
          %get3A_1000 = arith.constant 32 : index
          %get3A_1001 = tpu.vector_load %arg7[%get3A_999, %get3A_1000] {strides = array<i32>} : memref<640x128xf32, #tpu.memory_space<vmem>>, vector<1x16xf32>,
          %get3A_1002 = vector.shape_cast %get3A_1001 : vector<1x16xf32> to vector<16xf32>
          %mul3A_1003 = arith.mulf %get3A_1002, %select_n3A_998 : vector<16xf32>
          %swap3A_1004 = arith.index_cast %add3A_951 : i32 to index
          %swap3A_1005 = arith.constant 32 : index
          %swap3A_1006 = tpu.vector_load %arg7[%swap3A_1004, %swap3A_1005] {strides = array<i32>} : memref<640x128xf32, #tpu.memory_space<vmem>>, vector<1x16xf32>,
          %swap3A_1007 = vector.shape_cast %swap3A_1006 : vector<1x16xf32> to vector<16xf32>
          %swap3A_1008 = vector.shape_cast %mul3A_1003 : vector<16xf32> to vector<1x16xf32>
          tpu.vector_store %arg7[%swap3A_1004, %swap3A_1005], %swap3A_1008 {strides = array<i32>} : memref<640x128xf32, #tpu.memory_space<vmem>>, vector<1x16xf32>,
          %eq3A_1009 = arith.constant 0 : i32
          %eq3A_1010 = arith.cmpi eq, %squeeze3A_946, %eq3A_1009 : i32
          %eq3A_1011 = arith.constant 1 : i32
          %eq3A_1012 = arith.cmpi eq, %squeeze3A_946, %eq3A_1011 : i32
          %eq3A_1013 = arith.constant 2 : i32
          %eq3A_1014 = arith.cmpi eq, %squeeze3A_946, %eq3A_1013 : i32
          %select_n3A_1015 = arith.select %eq3A_1014, %exp3A_129, %exp3A_177 : vector<16xf32>
          %select_n3A_1016 = arith.select %eq3A_1012, %exp3A_81, %select_n3A_1015 : vector<16xf32>
          %select_n3A_1017 = arith.select %eq3A_1010, %exp3A_33, %select_n3A_1016 : vector<16xf32>
          %get3A_1018 = arith.index_cast %add3A_951 : i32 to index
          %get3A_1019 = arith.constant 48 : index
          %get3A_1020 = tpu.vector_load %arg7[%get3A_1018, %get3A_1019] {strides = array<i32>} : memref<640x128xf32, #tpu.memory_space<vmem>>, vector<1x16xf32>,
          %get3A_1021 = vector.shape_cast %get3A_1020 : vector<1x16xf32> to vector<16xf32>
          %mul3A_1022 = arith.mulf %get3A_1021, %select_n3A_1017 : vector<16xf32>
          %swap3A_1023 = arith.index_cast %add3A_951 : i32 to index
          %swap3A_1024 = arith.constant 48 : index
          %swap3A_1025 = tpu.vector_load %arg7[%swap3A_1023, %swap3A_1024] {strides = array<i32>} : memref<640x128xf32, #tpu.memory_space<vmem>>, vector<1x16xf32>,
          %swap3A_1026 = vector.shape_cast %swap3A_1025 : vector<1x16xf32> to vector<16xf32>
          %swap3A_1027 = vector.shape_cast %mul3A_1022 : vector<16xf32> to vector<1x16xf32>
          tpu.vector_store %arg7[%swap3A_1023, %swap3A_1024], %swap3A_1027 {strides = array<i32>} : memref<640x128xf32, #tpu.memory_space<vmem>>, vector<1x16xf32>,
          %eq3A_1028 = arith.constant 0 : i32
          %eq3A_1029 = arith.cmpi eq, %squeeze3A_946, %eq3A_1028 : i32
          %eq3A_1030 = arith.constant 1 : i32
          %eq3A_1031 = arith.cmpi eq, %squeeze3A_946, %eq3A_1030 : i32
          %eq3A_1032 = arith.constant 2 : i32
          %eq3A_1033 = arith.cmpi eq, %squeeze3A_946, %eq3A_1032 : i32
          %select_n3A_1034 = arith.select %eq3A_1033, %exp3A_135, %exp3A_183 : vector<16xf32>
          %select_n3A_1035 = arith.select %eq3A_1031, %exp3A_87, %select_n3A_1034 : vector<16xf32>
          %select_n3A_1036 = arith.select %eq3A_1029, %exp3A_39, %select_n3A_1035 : vector<16xf32>
          %get3A_1037 = arith.index_cast %add3A_951 : i32 to index
          %get3A_1038 = arith.constant 64 : index
          %get3A_1039 = tpu.vector_load %arg7[%get3A_1037, %get3A_1038] {strides = array<i32>} : memref<640x128xf32, #tpu.memory_space<vmem>>, vector<1x16xf32>,
          %get3A_1040 = vector.shape_cast %get3A_1039 : vector<1x16xf32> to vector<16xf32>
          %mul3A_1041 = arith.mulf %get3A_1040, %select_n3A_1036 : vector<16xf32>
          %swap3A_1042 = arith.index_cast %add3A_951 : i32 to index
          %swap3A_1043 = arith.constant 64 : index
          %swap3A_1044 = tpu.vector_load %arg7[%swap3A_1042, %swap3A_1043] {strides = array<i32>} : memref<640x128xf32, #tpu.memory_space<vmem>>, vector<1x16xf32>,
          %swap3A_1045 = vector.shape_cast %swap3A_1044 : vector<1x16xf32> to vector<16xf32>
          %swap3A_1046 = vector.shape_cast %mul3A_1041 : vector<16xf32> to vector<1x16xf32>
          tpu.vector_store %arg7[%swap3A_1042, %swap3A_1043], %swap3A_1046 {strides = array<i32>} : memref<640x128xf32, #tpu.memory_space<vmem>>, vector<1x16xf32>,
          %eq3A_1047 = arith.constant 0 : i32
          %eq3A_1048 = arith.cmpi eq, %squeeze3A_946, %eq3A_1047 : i32
          %eq3A_1049 = arith.constant 1 : i32
          %eq3A_1050 = arith.cmpi eq, %squeeze3A_946, %eq3A_1049 : i32
          %eq3A_1051 = arith.constant 2 : i32
          %eq3A_1052 = arith.cmpi eq, %squeeze3A_946, %eq3A_1051 : i32
          %select_n3A_1053 = arith.select %eq3A_1052, %exp3A_141, %exp3A_189 : vector<16xf32>
          %select_n3A_1054 = arith.select %eq3A_1050, %exp3A_93, %select_n3A_1053 : vector<16xf32>
          %select_n3A_1055 = arith.select %eq3A_1048, %exp3A_45, %select_n3A_1054 : vector<16xf32>
          %get3A_1056 = arith.index_cast %add3A_951 : i32 to index
          %get3A_1057 = arith.constant 80 : index
          %get3A_1058 = tpu.vector_load %arg7[%get3A_1056, %get3A_1057] {strides = array<i32>} : memref<640x128xf32, #tpu.memory_space<vmem>>, vector<1x16xf32>,
          %get3A_1059 = vector.shape_cast %get3A_1058 : vector<1x16xf32> to vector<16xf32>
          %mul3A_1060 = arith.mulf %get3A_1059, %select_n3A_1055 : vector<16xf32>
          %swap3A_1061 = arith.index_cast %add3A_951 : i32 to index
          %swap3A_1062 = arith.constant 80 : index
          %swap3A_1063 = tpu.vector_load %arg7[%swap3A_1061, %swap3A_1062] {strides = array<i32>} : memref<640x128xf32, #tpu.memory_space<vmem>>, vector<1x16xf32>,
          %swap3A_1064 = vector.shape_cast %swap3A_1063 : vector<1x16xf32> to vector<16xf32>
          %swap3A_1065 = vector.shape_cast %mul3A_1060 : vector<16xf32> to vector<1x16xf32>
          tpu.vector_store %arg7[%swap3A_1061, %swap3A_1062], %swap3A_1065 {strides = array<i32>} : memref<640x128xf32, #tpu.memory_space<vmem>>, vector<1x16xf32>,
          %eq3A_1066 = arith.constant 0 : i32
          %eq3A_1067 = arith.cmpi eq, %squeeze3A_946, %eq3A_1066 : i32
          %eq3A_1068 = arith.constant 1 : i32
          %eq3A_1069 = arith.cmpi eq, %squeeze3A_946, %eq3A_1068 : i32
          %eq3A_1070 = arith.constant 2 : i32
          %eq3A_1071 = arith.cmpi eq, %squeeze3A_946, %eq3A_1070 : i32
          %select_n3A_1072 = arith.select %eq3A_1071, %exp3A_147, %exp3A_195 : vector<16xf32>
          %select_n3A_1073 = arith.select %eq3A_1069, %exp3A_99, %select_n3A_1072 : vector<16xf32>
          %select_n3A_1074 = arith.select %eq3A_1067, %exp3A_51, %select_n3A_1073 : vector<16xf32>
          %get3A_1075 = arith.index_cast %add3A_951 : i32 to index
          %get3A_1076 = arith.constant 96 : index
          %get3A_1077 = tpu.vector_load %arg7[%get3A_1075, %get3A_1076] {strides = array<i32>} : memref<640x128xf32, #tpu.memory_space<vmem>>, vector<1x16xf32>,
          %get3A_1078 = vector.shape_cast %get3A_1077 : vector<1x16xf32> to vector<16xf32>
          %mul3A_1079 = arith.mulf %get3A_1078, %select_n3A_1074 : vector<16xf32>
          %swap3A_1080 = arith.index_cast %add3A_951 : i32 to index
          %swap3A_1081 = arith.constant 96 : index
          %swap3A_1082 = tpu.vector_load %arg7[%swap3A_1080, %swap3A_1081] {strides = array<i32>} : memref<640x128xf32, #tpu.memory_space<vmem>>, vector<1x16xf32>,
          %swap3A_1083 = vector.shape_cast %swap3A_1082 : vector<1x16xf32> to vector<16xf32>
          %swap3A_1084 = vector.shape_cast %mul3A_1079 : vector<16xf32> to vector<1x16xf32>
          tpu.vector_store %arg7[%swap3A_1080, %swap3A_1081], %swap3A_1084 {strides = array<i32>} : memref<640x128xf32, #tpu.memory_space<vmem>>, vector<1x16xf32>,
          %eq3A_1085 = arith.constant 0 : i32
          %eq3A_1086 = arith.cmpi eq, %squeeze3A_946, %eq3A_1085 : i32
          %eq3A_1087 = arith.constant 1 : i32
          %eq3A_1088 = arith.cmpi eq, %squeeze3A_946, %eq3A_1087 : i32
          %eq3A_1089 = arith.constant 2 : i32
          %eq3A_1090 = arith.cmpi eq, %squeeze3A_946, %eq3A_1089 : i32
          %select_n3A_1091 = arith.select %eq3A_1090, %exp3A_153, %exp3A_201 : vector<16xf32>
          %select_n3A_1092 = arith.select %eq3A_1088, %exp3A_105, %select_n3A_1091 : vector<16xf32>
          %select_n3A_1093 = arith.select %eq3A_1086, %exp3A_57, %select_n3A_1092 : vector<16xf32>
          %get3A_1094 = arith.index_cast %add3A_951 : i32 to index
          %get3A_1095 = arith.constant 112 : index
          %get3A_1096 = tpu.vector_load %arg7[%get3A_1094, %get3A_1095] {strides = array<i32>} : memref<640x128xf32, #tpu.memory_space<vmem>>, vector<1x16xf32>,
          %get3A_1097 = vector.shape_cast %get3A_1096 : vector<1x16xf32> to vector<16xf32>
          %mul3A_1098 = arith.mulf %get3A_1097, %select_n3A_1093 : vector<16xf32>
          %swap3A_1099 = arith.index_cast %add3A_951 : i32 to index
          %swap3A_1100 = arith.constant 112 : index
          %swap3A_1101 = tpu.vector_load %arg7[%swap3A_1099, %swap3A_1100] {strides = array<i32>} : memref<640x128xf32, #tpu.memory_space<vmem>>, vector<1x16xf32>,
          %swap3A_1102 = vector.shape_cast %swap3A_1101 : vector<1x16xf32> to vector<16xf32>
          %swap3A_1103 = vector.shape_cast %mul3A_1098 : vector<16xf32> to vector<1x16xf32>
          tpu.vector_store %arg7[%swap3A_1099, %swap3A_1100], %swap3A_1103 {strides = array<i32>} : memref<640x128xf32, #tpu.memory_space<vmem>>, vector<1x16xf32>,
          %slice3A_1104 = vector.extract_strided_slice %get3A_313 {offsets = [5], sizes = [1], strides = [1]} : vector<16xi32> to vector<1xi32>
          %squeeze3A_1105 = vector.extract %slice3A_1104[0] : i32 from vector<1xi32>
          %mul3A_1106 = arith.constant 16 : i32
          %mul3A_1107 = arith.muli %scan3A_306, %mul3A_1106 : i32
          %add3A_1108 = arith.addi %mul3A_282, %mul3A_1107 : i32
          %add3A_1109 = arith.constant 5 : i32
          %add3A_1110 = arith.addi %add3A_1108, %add3A_1109 : i32
          %eq3A_1111 = arith.constant 0 : i32
          %eq3A_1112 = arith.cmpi eq, %squeeze3A_1105, %eq3A_1111 : i32
          %eq3A_1113 = arith.constant 1 : i32
          %eq3A_1114 = arith.cmpi eq, %squeeze3A_1105, %eq3A_1113 : i32
          %eq3A_1115 = arith.constant 2 : i32
          %eq3A_1116 = arith.cmpi eq, %squeeze3A_1105, %eq3A_1115 : i32
          %select_n3A_1117 = arith.select %eq3A_1116, %exp3A_111, %exp3A_159 : vector<16xf32>
          %select_n3A_1118 = arith.select %eq3A_1114, %exp3A_63, %select_n3A_1117 : vector<16xf32>
          %select_n3A_1119 = arith.select %eq3A_1112, %exp3A, %select_n3A_1118 : vector<16xf32>
          %get3A_1120 = arith.index_cast %add3A_1110 : i32 to index
          %get3A_1121 = arith.constant 0 : index
          %get3A_1122 = tpu.vector_load %arg7[%get3A_1120, %get3A_1121] {strides = array<i32>} : memref<640x128xf32, #tpu.memory_space<vmem>>, vector<1x16xf32>,
          %get3A_1123 = vector.shape_cast %get3A_1122 : vector<1x16xf32> to vector<16xf32>
          %mul3A_1124 = arith.mulf %get3A_1123, %select_n3A_1119 : vector<16xf32>
          %swap3A_1125 = arith.index_cast %add3A_1110 : i32 to index
          %swap3A_1126 = arith.constant 0 : index
          %swap3A_1127 = tpu.vector_load %arg7[%swap3A_1125, %swap3A_1126] {strides = array<i32>} : memref<640x128xf32, #tpu.memory_space<vmem>>, vector<1x16xf32>,
          %swap3A_1128 = vector.shape_cast %swap3A_1127 : vector<1x16xf32> to vector<16xf32>
          %swap3A_1129 = vector.shape_cast %mul3A_1124 : vector<16xf32> to vector<1x16xf32>
          tpu.vector_store %arg7[%swap3A_1125, %swap3A_1126], %swap3A_1129 {strides = array<i32>} : memref<640x128xf32, #tpu.memory_space<vmem>>, vector<1x16xf32>,
          %eq3A_1130 = arith.constant 0 : i32
          %eq3A_1131 = arith.cmpi eq, %squeeze3A_1105, %eq3A_1130 : i32
          %eq3A_1132 = arith.constant 1 : i32
          %eq3A_1133 = arith.cmpi eq, %squeeze3A_1105, %eq3A_1132 : i32
          %eq3A_1134 = arith.constant 2 : i32
          %eq3A_1135 = arith.cmpi eq, %squeeze3A_1105, %eq3A_1134 : i32
          %select_n3A_1136 = arith.select %eq3A_1135, %exp3A_117, %exp3A_165 : vector<16xf32>
          %select_n3A_1137 = arith.select %eq3A_1133, %exp3A_69, %select_n3A_1136 : vector<16xf32>
          %select_n3A_1138 = arith.select %eq3A_1131, %exp3A_21, %select_n3A_1137 : vector<16xf32>
          %get3A_1139 = arith.index_cast %add3A_1110 : i32 to index
          %get3A_1140 = arith.constant 16 : index
          %get3A_1141 = tpu.vector_load %arg7[%get3A_1139, %get3A_1140] {strides = array<i32>} : memref<640x128xf32, #tpu.memory_space<vmem>>, vector<1x16xf32>,
          %get3A_1142 = vector.shape_cast %get3A_1141 : vector<1x16xf32> to vector<16xf32>
          %mul3A_1143 = arith.mulf %get3A_1142, %select_n3A_1138 : vector<16xf32>
          %swap3A_1144 = arith.index_cast %add3A_1110 : i32 to index
          %swap3A_1145 = arith.constant 16 : index
          %swap3A_1146 = tpu.vector_load %arg7[%swap3A_1144, %swap3A_1145] {strides = array<i32>} : memref<640x128xf32, #tpu.memory_space<vmem>>, vector<1x16xf32>,
          %swap3A_1147 = vector.shape_cast %swap3A_1146 : vector<1x16xf32> to vector<16xf32>
          %swap3A_1148 = vector.shape_cast %mul3A_1143 : vector<16xf32> to vector<1x16xf32>
          tpu.vector_store %arg7[%swap3A_1144, %swap3A_1145], %swap3A_1148 {strides = array<i32>} : memref<640x128xf32, #tpu.memory_space<vmem>>, vector<1x16xf32>,
          %eq3A_1149 = arith.constant 0 : i32
          %eq3A_1150 = arith.cmpi eq, %squeeze3A_1105, %eq3A_1149 : i32
          %eq3A_1151 = arith.constant 1 : i32
          %eq3A_1152 = arith.cmpi eq, %squeeze3A_1105, %eq3A_1151 : i32
          %eq3A_1153 = arith.constant 2 : i32
          %eq3A_1154 = arith.cmpi eq, %squeeze3A_1105, %eq3A_1153 : i32
          %select_n3A_1155 = arith.select %eq3A_1154, %exp3A_123, %exp3A_171 : vector<16xf32>
          %select_n3A_1156 = arith.select %eq3A_1152, %exp3A_75, %select_n3A_1155 : vector<16xf32>
          %select_n3A_1157 = arith.select %eq3A_1150, %exp3A_27, %select_n3A_1156 : vector<16xf32>
          %get3A_1158 = arith.index_cast %add3A_1110 : i32 to index
          %get3A_1159 = arith.constant 32 : index
          %get3A_1160 = tpu.vector_load %arg7[%get3A_1158, %get3A_1159] {strides = array<i32>} : memref<640x128xf32, #tpu.memory_space<vmem>>, vector<1x16xf32>,
          %get3A_1161 = vector.shape_cast %get3A_1160 : vector<1x16xf32> to vector<16xf32>
          %mul3A_1162 = arith.mulf %get3A_1161, %select_n3A_1157 : vector<16xf32>
          %swap3A_1163 = arith.index_cast %add3A_1110 : i32 to index
          %swap3A_1164 = arith.constant 32 : index
          %swap3A_1165 = tpu.vector_load %arg7[%swap3A_1163, %swap3A_1164] {strides = array<i32>} : memref<640x128xf32, #tpu.memory_space<vmem>>, vector<1x16xf32>,
          %swap3A_1166 = vector.shape_cast %swap3A_1165 : vector<1x16xf32> to vector<16xf32>
          %swap3A_1167 = vector.shape_cast %mul3A_1162 : vector<16xf32> to vector<1x16xf32>
          tpu.vector_store %arg7[%swap3A_1163, %swap3A_1164], %swap3A_1167 {strides = array<i32>} : memref<640x128xf32, #tpu.memory_space<vmem>>, vector<1x16xf32>,
          %eq3A_1168 = arith.constant 0 : i32
          %eq3A_1169 = arith.cmpi eq, %squeeze3A_1105, %eq3A_1168 : i32
          %eq3A_1170 = arith.constant 1 : i32
          %eq3A_1171 = arith.cmpi eq, %squeeze3A_1105, %eq3A_1170 : i32
          %eq3A_1172 = arith.constant 2 : i32
          %eq3A_1173 = arith.cmpi eq, %squeeze3A_1105, %eq3A_1172 : i32
          %select_n3A_1174 = arith.select %eq3A_1173, %exp3A_129, %exp3A_177 : vector<16xf32>
          %select_n3A_1175 = arith.select %eq3A_1171, %exp3A_81, %select_n3A_1174 : vector<16xf32>
          %select_n3A_1176 = arith.select %eq3A_1169, %exp3A_33, %select_n3A_1175 : vector<16xf32>
          %get3A_1177 = arith.index_cast %add3A_1110 : i32 to index
          %get3A_1178 = arith.constant 48 : index
          %get3A_1179 = tpu.vector_load %arg7[%get3A_1177, %get3A_1178] {strides = array<i32>} : memref<640x128xf32, #tpu.memory_space<vmem>>, vector<1x16xf32>,
          %get3A_1180 = vector.shape_cast %get3A_1179 : vector<1x16xf32> to vector<16xf32>
          %mul3A_1181 = arith.mulf %get3A_1180, %select_n3A_1176 : vector<16xf32>
          %swap3A_1182 = arith.index_cast %add3A_1110 : i32 to index
          %swap3A_1183 = arith.constant 48 : index
          %swap3A_1184 = tpu.vector_load %arg7[%swap3A_1182, %swap3A_1183] {strides = array<i32>} : memref<640x128xf32, #tpu.memory_space<vmem>>, vector<1x16xf32>,
          %swap3A_1185 = vector.shape_cast %swap3A_1184 : vector<1x16xf32> to vector<16xf32>
          %swap3A_1186 = vector.shape_cast %mul3A_1181 : vector<16xf32> to vector<1x16xf32>
          tpu.vector_store %arg7[%swap3A_1182, %swap3A_1183], %swap3A_1186 {strides = array<i32>} : memref<640x128xf32, #tpu.memory_space<vmem>>, vector<1x16xf32>,
          %eq3A_1187 = arith.constant 0 : i32
          %eq3A_1188 = arith.cmpi eq, %squeeze3A_1105, %eq3A_1187 : i32
          %eq3A_1189 = arith.constant 1 : i32
          %eq3A_1190 = arith.cmpi eq, %squeeze3A_1105, %eq3A_1189 : i32
          %eq3A_1191 = arith.constant 2 : i32
          %eq3A_1192 = arith.cmpi eq, %squeeze3A_1105, %eq3A_1191 : i32
          %select_n3A_1193 = arith.select %eq3A_1192, %exp3A_135, %exp3A_183 : vector<16xf32>
          %select_n3A_1194 = arith.select %eq3A_1190, %exp3A_87, %select_n3A_1193 : vector<16xf32>
          %select_n3A_1195 = arith.select %eq3A_1188, %exp3A_39, %select_n3A_1194 : vector<16xf32>
          %get3A_1196 = arith.index_cast %add3A_1110 : i32 to index
          %get3A_1197 = arith.constant 64 : index
          %get3A_1198 = tpu.vector_load %arg7[%get3A_1196, %get3A_1197] {strides = array<i32>} : memref<640x128xf32, #tpu.memory_space<vmem>>, vector<1x16xf32>,
          %get3A_1199 = vector.shape_cast %get3A_1198 : vector<1x16xf32> to vector<16xf32>
          %mul3A_1200 = arith.mulf %get3A_1199, %select_n3A_1195 : vector<16xf32>
          %swap3A_1201 = arith.index_cast %add3A_1110 : i32 to index
          %swap3A_1202 = arith.constant 64 : index
          %swap3A_1203 = tpu.vector_load %arg7[%swap3A_1201, %swap3A_1202] {strides = array<i32>} : memref<640x128xf32, #tpu.memory_space<vmem>>, vector<1x16xf32>,
          %swap3A_1204 = vector.shape_cast %swap3A_1203 : vector<1x16xf32> to vector<16xf32>
          %swap3A_1205 = vector.shape_cast %mul3A_1200 : vector<16xf32> to vector<1x16xf32>
          tpu.vector_store %arg7[%swap3A_1201, %swap3A_1202], %swap3A_1205 {strides = array<i32>} : memref<640x128xf32, #tpu.memory_space<vmem>>, vector<1x16xf32>,
          %eq3A_1206 = arith.constant 0 : i32
          %eq3A_1207 = arith.cmpi eq, %squeeze3A_1105, %eq3A_1206 : i32
          %eq3A_1208 = arith.constant 1 : i32
          %eq3A_1209 = arith.cmpi eq, %squeeze3A_1105, %eq3A_1208 : i32
          %eq3A_1210 = arith.constant 2 : i32
          %eq3A_1211 = arith.cmpi eq, %squeeze3A_1105, %eq3A_1210 : i32
          %select_n3A_1212 = arith.select %eq3A_1211, %exp3A_141, %exp3A_189 : vector<16xf32>
          %select_n3A_1213 = arith.select %eq3A_1209, %exp3A_93, %select_n3A_1212 : vector<16xf32>
          %select_n3A_1214 = arith.select %eq3A_1207, %exp3A_45, %select_n3A_1213 : vector<16xf32>
          %get3A_1215 = arith.index_cast %add3A_1110 : i32 to index
          %get3A_1216 = arith.constant 80 : index
          %get3A_1217 = tpu.vector_load %arg7[%get3A_1215, %get3A_1216] {strides = array<i32>} : memref<640x128xf32, #tpu.memory_space<vmem>>, vector<1x16xf32>,
          %get3A_1218 = vector.shape_cast %get3A_1217 : vector<1x16xf32> to vector<16xf32>
          %mul3A_1219 = arith.mulf %get3A_1218, %select_n3A_1214 : vector<16xf32>
          %swap3A_1220 = arith.index_cast %add3A_1110 : i32 to index
          %swap3A_1221 = arith.constant 80 : index
          %swap3A_1222 = tpu.vector_load %arg7[%swap3A_1220, %swap3A_1221] {strides = array<i32>} : memref<640x128xf32, #tpu.memory_space<vmem>>, vector<1x16xf32>,
          %swap3A_1223 = vector.shape_cast %swap3A_1222 : vector<1x16xf32> to vector<16xf32>
          %swap3A_1224 = vector.shape_cast %mul3A_1219 : vector<16xf32> to vector<1x16xf32>
          tpu.vector_store %arg7[%swap3A_1220, %swap3A_1221], %swap3A_1224 {strides = array<i32>} : memref<640x128xf32, #tpu.memory_space<vmem>>, vector<1x16xf32>,
          %eq3A_1225 = arith.constant 0 : i32
          %eq3A_1226 = arith.cmpi eq, %squeeze3A_1105, %eq3A_1225 : i32
          %eq3A_1227 = arith.constant 1 : i32
          %eq3A_1228 = arith.cmpi eq, %squeeze3A_1105, %eq3A_1227 : i32
          %eq3A_1229 = arith.constant 2 : i32
          %eq3A_1230 = arith.cmpi eq, %squeeze3A_1105, %eq3A_1229 : i32
          %select_n3A_1231 = arith.select %eq3A_1230, %exp3A_147, %exp3A_195 : vector<16xf32>
          %select_n3A_1232 = arith.select %eq3A_1228, %exp3A_99, %select_n3A_1231 : vector<16xf32>
          %select_n3A_1233 = arith.select %eq3A_1226, %exp3A_51, %select_n3A_1232 : vector<16xf32>
          %get3A_1234 = arith.index_cast %add3A_1110 : i32 to index
          %get3A_1235 = arith.constant 96 : index
          %get3A_1236 = tpu.vector_load %arg7[%get3A_1234, %get3A_1235] {strides = array<i32>} : memref<640x128xf32, #tpu.memory_space<vmem>>, vector<1x16xf32>,
          %get3A_1237 = vector.shape_cast %get3A_1236 : vector<1x16xf32> to vector<16xf32>
          %mul3A_1238 = arith.mulf %get3A_1237, %select_n3A_1233 : vector<16xf32>
          %swap3A_1239 = arith.index_cast %add3A_1110 : i32 to index
          %swap3A_1240 = arith.constant 96 : index
          %swap3A_1241 = tpu.vector_load %arg7[%swap3A_1239, %swap3A_1240] {strides = array<i32>} : memref<640x128xf32, #tpu.memory_space<vmem>>, vector<1x16xf32>,
          %swap3A_1242 = vector.shape_cast %swap3A_1241 : vector<1x16xf32> to vector<16xf32>
          %swap3A_1243 = vector.shape_cast %mul3A_1238 : vector<16xf32> to vector<1x16xf32>
          tpu.vector_store %arg7[%swap3A_1239, %swap3A_1240], %swap3A_1243 {strides = array<i32>} : memref<640x128xf32, #tpu.memory_space<vmem>>, vector<1x16xf32>,
          %eq3A_1244 = arith.constant 0 : i32
          %eq3A_1245 = arith.cmpi eq, %squeeze3A_1105, %eq3A_1244 : i32
          %eq3A_1246 = arith.constant 1 : i32
          %eq3A_1247 = arith.cmpi eq, %squeeze3A_1105, %eq3A_1246 : i32
          %eq3A_1248 = arith.constant 2 : i32
          %eq3A_1249 = arith.cmpi eq, %squeeze3A_1105, %eq3A_1248 : i32
          %select_n3A_1250 = arith.select %eq3A_1249, %exp3A_153, %exp3A_201 : vector<16xf32>
          %select_n3A_1251 = arith.select %eq3A_1247, %exp3A_105, %select_n3A_1250 : vector<16xf32>
          %select_n3A_1252 = arith.select %eq3A_1245, %exp3A_57, %select_n3A_1251 : vector<16xf32>
          %get3A_1253 = arith.index_cast %add3A_1110 : i32 to index
          %get3A_1254 = arith.constant 112 : index
          %get3A_1255 = tpu.vector_load %arg7[%get3A_1253, %get3A_1254] {strides = array<i32>} : memref<640x128xf32, #tpu.memory_space<vmem>>, vector<1x16xf32>,
          %get3A_1256 = vector.shape_cast %get3A_1255 : vector<1x16xf32> to vector<16xf32>
          %mul3A_1257 = arith.mulf %get3A_1256, %select_n3A_1252 : vector<16xf32>
          %swap3A_1258 = arith.index_cast %add3A_1110 : i32 to index
          %swap3A_1259 = arith.constant 112 : index
          %swap3A_1260 = tpu.vector_load %arg7[%swap3A_1258, %swap3A_1259] {strides = array<i32>} : memref<640x128xf32, #tpu.memory_space<vmem>>, vector<1x16xf32>,
          %swap3A_1261 = vector.shape_cast %swap3A_1260 : vector<1x16xf32> to vector<16xf32>
          %swap3A_1262 = vector.shape_cast %mul3A_1257 : vector<16xf32> to vector<1x16xf32>
          tpu.vector_store %arg7[%swap3A_1258, %swap3A_1259], %swap3A_1262 {strides = array<i32>} : memref<640x128xf32, #tpu.memory_space<vmem>>, vector<1x16xf32>,
          %slice3A_1263 = vector.extract_strided_slice %get3A_313 {offsets = [6], sizes = [1], strides = [1]} : vector<16xi32> to vector<1xi32>
          %squeeze3A_1264 = vector.extract %slice3A_1263[0] : i32 from vector<1xi32>
          %mul3A_1265 = arith.constant 16 : i32
          %mul3A_1266 = arith.muli %scan3A_306, %mul3A_1265 : i32
          %add3A_1267 = arith.addi %mul3A_282, %mul3A_1266 : i32
          %add3A_1268 = arith.constant 6 : i32
          %add3A_1269 = arith.addi %add3A_1267, %add3A_1268 : i32
          %eq3A_1270 = arith.constant 0 : i32
          %eq3A_1271 = arith.cmpi eq, %squeeze3A_1264, %eq3A_1270 : i32
          %eq3A_1272 = arith.constant 1 : i32
          %eq3A_1273 = arith.cmpi eq, %squeeze3A_1264, %eq3A_1272 : i32
          %eq3A_1274 = arith.constant 2 : i32
          %eq3A_1275 = arith.cmpi eq, %squeeze3A_1264, %eq3A_1274 : i32
          %select_n3A_1276 = arith.select %eq3A_1275, %exp3A_111, %exp3A_159 : vector<16xf32>
          %select_n3A_1277 = arith.select %eq3A_1273, %exp3A_63, %select_n3A_1276 : vector<16xf32>
          %select_n3A_1278 = arith.select %eq3A_1271, %exp3A, %select_n3A_1277 : vector<16xf32>
          %get3A_1279 = arith.index_cast %add3A_1269 : i32 to index
          %get3A_1280 = arith.constant 0 : index
          %get3A_1281 = tpu.vector_load %arg7[%get3A_1279, %get3A_1280] {strides = array<i32>} : memref<640x128xf32, #tpu.memory_space<vmem>>, vector<1x16xf32>,
          %get3A_1282 = vector.shape_cast %get3A_1281 : vector<1x16xf32> to vector<16xf32>
          %mul3A_1283 = arith.mulf %get3A_1282, %select_n3A_1278 : vector<16xf32>
          %swap3A_1284 = arith.index_cast %add3A_1269 : i32 to index
          %swap3A_1285 = arith.constant 0 : index
          %swap3A_1286 = tpu.vector_load %arg7[%swap3A_1284, %swap3A_1285] {strides = array<i32>} : memref<640x128xf32, #tpu.memory_space<vmem>>, vector<1x16xf32>,
          %swap3A_1287 = vector.shape_cast %swap3A_1286 : vector<1x16xf32> to vector<16xf32>
          %swap3A_1288 = vector.shape_cast %mul3A_1283 : vector<16xf32> to vector<1x16xf32>
          tpu.vector_store %arg7[%swap3A_1284, %swap3A_1285], %swap3A_1288 {strides = array<i32>} : memref<640x128xf32, #tpu.memory_space<vmem>>, vector<1x16xf32>,
          %eq3A_1289 = arith.constant 0 : i32
          %eq3A_1290 = arith.cmpi eq, %squeeze3A_1264, %eq3A_1289 : i32
          %eq3A_1291 = arith.constant 1 : i32
          %eq3A_1292 = arith.cmpi eq, %squeeze3A_1264, %eq3A_1291 : i32
          %eq3A_1293 = arith.constant 2 : i32
          %eq3A_1294 = arith.cmpi eq, %squeeze3A_1264, %eq3A_1293 : i32
          %select_n3A_1295 = arith.select %eq3A_1294, %exp3A_117, %exp3A_165 : vector<16xf32>
          %select_n3A_1296 = arith.select %eq3A_1292, %exp3A_69, %select_n3A_1295 : vector<16xf32>
          %select_n3A_1297 = arith.select %eq3A_1290, %exp3A_21, %select_n3A_1296 : vector<16xf32>
          %get3A_1298 = arith.index_cast %add3A_1269 : i32 to index
          %get3A_1299 = arith.constant 16 : index
          %get3A_1300 = tpu.vector_load %arg7[%get3A_1298, %get3A_1299] {strides = array<i32>} : memref<640x128xf32, #tpu.memory_space<vmem>>, vector<1x16xf32>,
          %get3A_1301 = vector.shape_cast %get3A_1300 : vector<1x16xf32> to vector<16xf32>
          %mul3A_1302 = arith.mulf %get3A_1301, %select_n3A_1297 : vector<16xf32>
          %swap3A_1303 = arith.index_cast %add3A_1269 : i32 to index
          %swap3A_1304 = arith.constant 16 : index
          %swap3A_1305 = tpu.vector_load %arg7[%swap3A_1303, %swap3A_1304] {strides = array<i32>} : memref<640x128xf32, #tpu.memory_space<vmem>>, vector<1x16xf32>,
          %swap3A_1306 = vector.shape_cast %swap3A_1305 : vector<1x16xf32> to vector<16xf32>
          %swap3A_1307 = vector.shape_cast %mul3A_1302 : vector<16xf32> to vector<1x16xf32>
          tpu.vector_store %arg7[%swap3A_1303, %swap3A_1304], %swap3A_1307 {strides = array<i32>} : memref<640x128xf32, #tpu.memory_space<vmem>>, vector<1x16xf32>,
          %eq3A_1308 = arith.constant 0 : i32
          %eq3A_1309 = arith.cmpi eq, %squeeze3A_1264, %eq3A_1308 : i32
          %eq3A_1310 = arith.constant 1 : i32
          %eq3A_1311 = arith.cmpi eq, %squeeze3A_1264, %eq3A_1310 : i32
          %eq3A_1312 = arith.constant 2 : i32
          %eq3A_1313 = arith.cmpi eq, %squeeze3A_1264, %eq3A_1312 : i32
          %select_n3A_1314 = arith.select %eq3A_1313, %exp3A_123, %exp3A_171 : vector<16xf32>
          %select_n3A_1315 = arith.select %eq3A_1311, %exp3A_75, %select_n3A_1314 : vector<16xf32>
          %select_n3A_1316 = arith.select %eq3A_1309, %exp3A_27, %select_n3A_1315 : vector<16xf32>
          %get3A_1317 = arith.index_cast %add3A_1269 : i32 to index
          %get3A_1318 = arith.constant 32 : index
          %get3A_1319 = tpu.vector_load %arg7[%get3A_1317, %get3A_1318] {strides = array<i32>} : memref<640x128xf32, #tpu.memory_space<vmem>>, vector<1x16xf32>,
          %get3A_1320 = vector.shape_cast %get3A_1319 : vector<1x16xf32> to vector<16xf32>
          %mul3A_1321 = arith.mulf %get3A_1320, %select_n3A_1316 : vector<16xf32>
          %swap3A_1322 = arith.index_cast %add3A_1269 : i32 to index
          %swap3A_1323 = arith.constant 32 : index
          %swap3A_1324 = tpu.vector_load %arg7[%swap3A_1322, %swap3A_1323] {strides = array<i32>} : memref<640x128xf32, #tpu.memory_space<vmem>>, vector<1x16xf32>,
          %swap3A_1325 = vector.shape_cast %swap3A_1324 : vector<1x16xf32> to vector<16xf32>
          %swap3A_1326 = vector.shape_cast %mul3A_1321 : vector<16xf32> to vector<1x16xf32>
          tpu.vector_store %arg7[%swap3A_1322, %swap3A_1323], %swap3A_1326 {strides = array<i32>} : memref<640x128xf32, #tpu.memory_space<vmem>>, vector<1x16xf32>,
          %eq3A_1327 = arith.constant 0 : i32
          %eq3A_1328 = arith.cmpi eq, %squeeze3A_1264, %eq3A_1327 : i32
          %eq3A_1329 = arith.constant 1 : i32
          %eq3A_1330 = arith.cmpi eq, %squeeze3A_1264, %eq3A_1329 : i32
          %eq3A_1331 = arith.constant 2 : i32
          %eq3A_1332 = arith.cmpi eq, %squeeze3A_1264, %eq3A_1331 : i32
          %select_n3A_1333 = arith.select %eq3A_1332, %exp3A_129, %exp3A_177 : vector<16xf32>
          %select_n3A_1334 = arith.select %eq3A_1330, %exp3A_81, %select_n3A_1333 : vector<16xf32>
          %select_n3A_1335 = arith.select %eq3A_1328, %exp3A_33, %select_n3A_1334 : vector<16xf32>
          %get3A_1336 = arith.index_cast %add3A_1269 : i32 to index
          %get3A_1337 = arith.constant 48 : index
          %get3A_1338 = tpu.vector_load %arg7[%get3A_1336, %get3A_1337] {strides = array<i32>} : memref<640x128xf32, #tpu.memory_space<vmem>>, vector<1x16xf32>,
          %get3A_1339 = vector.shape_cast %get3A_1338 : vector<1x16xf32> to vector<16xf32>
          %mul3A_1340 = arith.mulf %get3A_1339, %select_n3A_1335 : vector<16xf32>
          %swap3A_1341 = arith.index_cast %add3A_1269 : i32 to index
          %swap3A_1342 = arith.constant 48 : index
          %swap3A_1343 = tpu.vector_load %arg7[%swap3A_1341, %swap3A_1342] {strides = array<i32>} : memref<640x128xf32, #tpu.memory_space<vmem>>, vector<1x16xf32>,
          %swap3A_1344 = vector.shape_cast %swap3A_1343 : vector<1x16xf32> to vector<16xf32>
          %swap3A_1345 = vector.shape_cast %mul3A_1340 : vector<16xf32> to vector<1x16xf32>
          tpu.vector_store %arg7[%swap3A_1341, %swap3A_1342], %swap3A_1345 {strides = array<i32>} : memref<640x128xf32, #tpu.memory_space<vmem>>, vector<1x16xf32>,
          %eq3A_1346 = arith.constant 0 : i32
          %eq3A_1347 = arith.cmpi eq, %squeeze3A_1264, %eq3A_1346 : i32
          %eq3A_1348 = arith.constant 1 : i32
          %eq3A_1349 = arith.cmpi eq, %squeeze3A_1264, %eq3A_1348 : i32
          %eq3A_1350 = arith.constant 2 : i32
          %eq3A_1351 = arith.cmpi eq, %squeeze3A_1264, %eq3A_1350 : i32
          %select_n3A_1352 = arith.select %eq3A_1351, %exp3A_135, %exp3A_183 : vector<16xf32>
          %select_n3A_1353 = arith.select %eq3A_1349, %exp3A_87, %select_n3A_1352 : vector<16xf32>
          %select_n3A_1354 = arith.select %eq3A_1347, %exp3A_39, %select_n3A_1353 : vector<16xf32>
          %get3A_1355 = arith.index_cast %add3A_1269 : i32 to index
          %get3A_1356 = arith.constant 64 : index
          %get3A_1357 = tpu.vector_load %arg7[%get3A_1355, %get3A_1356] {strides = array<i32>} : memref<640x128xf32, #tpu.memory_space<vmem>>, vector<1x16xf32>,
          %get3A_1358 = vector.shape_cast %get3A_1357 : vector<1x16xf32> to vector<16xf32>
          %mul3A_1359 = arith.mulf %get3A_1358, %select_n3A_1354 : vector<16xf32>
          %swap3A_1360 = arith.index_cast %add3A_1269 : i32 to index
          %swap3A_1361 = arith.constant 64 : index
          %swap3A_1362 = tpu.vector_load %arg7[%swap3A_1360, %swap3A_1361] {strides = array<i32>} : memref<640x128xf32, #tpu.memory_space<vmem>>, vector<1x16xf32>,
          %swap3A_1363 = vector.shape_cast %swap3A_1362 : vector<1x16xf32> to vector<16xf32>
          %swap3A_1364 = vector.shape_cast %mul3A_1359 : vector<16xf32> to vector<1x16xf32>
          tpu.vector_store %arg7[%swap3A_1360, %swap3A_1361], %swap3A_1364 {strides = array<i32>} : memref<640x128xf32, #tpu.memory_space<vmem>>, vector<1x16xf32>,
          %eq3A_1365 = arith.constant 0 : i32
          %eq3A_1366 = arith.cmpi eq, %squeeze3A_1264, %eq3A_1365 : i32
          %eq3A_1367 = arith.constant 1 : i32
          %eq3A_1368 = arith.cmpi eq, %squeeze3A_1264, %eq3A_1367 : i32
          %eq3A_1369 = arith.constant 2 : i32
          %eq3A_1370 = arith.cmpi eq, %squeeze3A_1264, %eq3A_1369 : i32
          %select_n3A_1371 = arith.select %eq3A_1370, %exp3A_141, %exp3A_189 : vector<16xf32>
          %select_n3A_1372 = arith.select %eq3A_1368, %exp3A_93, %select_n3A_1371 : vector<16xf32>
          %select_n3A_1373 = arith.select %eq3A_1366, %exp3A_45, %select_n3A_1372 : vector<16xf32>
          %get3A_1374 = arith.index_cast %add3A_1269 : i32 to index
          %get3A_1375 = arith.constant 80 : index
          %get3A_1376 = tpu.vector_load %arg7[%get3A_1374, %get3A_1375] {strides = array<i32>} : memref<640x128xf32, #tpu.memory_space<vmem>>, vector<1x16xf32>,
          %get3A_1377 = vector.shape_cast %get3A_1376 : vector<1x16xf32> to vector<16xf32>
          %mul3A_1378 = arith.mulf %get3A_1377, %select_n3A_1373 : vector<16xf32>
          %swap3A_1379 = arith.index_cast %add3A_1269 : i32 to index
          %swap3A_1380 = arith.constant 80 : index
          %swap3A_1381 = tpu.vector_load %arg7[%swap3A_1379, %swap3A_1380] {strides = array<i32>} : memref<640x128xf32, #tpu.memory_space<vmem>>, vector<1x16xf32>,
          %swap3A_1382 = vector.shape_cast %swap3A_1381 : vector<1x16xf32> to vector<16xf32>
          %swap3A_1383 = vector.shape_cast %mul3A_1378 : vector<16xf32> to vector<1x16xf32>
          tpu.vector_store %arg7[%swap3A_1379, %swap3A_1380], %swap3A_1383 {strides = array<i32>} : memref<640x128xf32, #tpu.memory_space<vmem>>, vector<1x16xf32>,
          %eq3A_1384 = arith.constant 0 : i32
          %eq3A_1385 = arith.cmpi eq, %squeeze3A_1264, %eq3A_1384 : i32
          %eq3A_1386 = arith.constant 1 : i32
          %eq3A_1387 = arith.cmpi eq, %squeeze3A_1264, %eq3A_1386 : i32
          %eq3A_1388 = arith.constant 2 : i32
          %eq3A_1389 = arith.cmpi eq, %squeeze3A_1264, %eq3A_1388 : i32
          %select_n3A_1390 = arith.select %eq3A_1389, %exp3A_147, %exp3A_195 : vector<16xf32>
          %select_n3A_1391 = arith.select %eq3A_1387, %exp3A_99, %select_n3A_1390 : vector<16xf32>
          %select_n3A_1392 = arith.select %eq3A_1385, %exp3A_51, %select_n3A_1391 : vector<16xf32>
          %get3A_1393 = arith.index_cast %add3A_1269 : i32 to index
          %get3A_1394 = arith.constant 96 : index
          %get3A_1395 = tpu.vector_load %arg7[%get3A_1393, %get3A_1394] {strides = array<i32>} : memref<640x128xf32, #tpu.memory_space<vmem>>, vector<1x16xf32>,
          %get3A_1396 = vector.shape_cast %get3A_1395 : vector<1x16xf32> to vector<16xf32>
          %mul3A_1397 = arith.mulf %get3A_1396, %select_n3A_1392 : vector<16xf32>
          %swap3A_1398 = arith.index_cast %add3A_1269 : i32 to index
          %swap3A_1399 = arith.constant 96 : index
          %swap3A_1400 = tpu.vector_load %arg7[%swap3A_1398, %swap3A_1399] {strides = array<i32>} : memref<640x128xf32, #tpu.memory_space<vmem>>, vector<1x16xf32>,
          %swap3A_1401 = vector.shape_cast %swap3A_1400 : vector<1x16xf32> to vector<16xf32>
          %swap3A_1402 = vector.shape_cast %mul3A_1397 : vector<16xf32> to vector<1x16xf32>
          tpu.vector_store %arg7[%swap3A_1398, %swap3A_1399], %swap3A_1402 {strides = array<i32>} : memref<640x128xf32, #tpu.memory_space<vmem>>, vector<1x16xf32>,
          %eq3A_1403 = arith.constant 0 : i32
          %eq3A_1404 = arith.cmpi eq, %squeeze3A_1264, %eq3A_1403 : i32
          %eq3A_1405 = arith.constant 1 : i32
          %eq3A_1406 = arith.cmpi eq, %squeeze3A_1264, %eq3A_1405 : i32
          %eq3A_1407 = arith.constant 2 : i32
          %eq3A_1408 = arith.cmpi eq, %squeeze3A_1264, %eq3A_1407 : i32
          %select_n3A_1409 = arith.select %eq3A_1408, %exp3A_153, %exp3A_201 : vector<16xf32>
          %select_n3A_1410 = arith.select %eq3A_1406, %exp3A_105, %select_n3A_1409 : vector<16xf32>
          %select_n3A_1411 = arith.select %eq3A_1404, %exp3A_57, %select_n3A_1410 : vector<16xf32>
          %get3A_1412 = arith.index_cast %add3A_1269 : i32 to index
          %get3A_1413 = arith.constant 112 : index
          %get3A_1414 = tpu.vector_load %arg7[%get3A_1412, %get3A_1413] {strides = array<i32>} : memref<640x128xf32, #tpu.memory_space<vmem>>, vector<1x16xf32>,
          %get3A_1415 = vector.shape_cast %get3A_1414 : vector<1x16xf32> to vector<16xf32>
          %mul3A_1416 = arith.mulf %get3A_1415, %select_n3A_1411 : vector<16xf32>
          %swap3A_1417 = arith.index_cast %add3A_1269 : i32 to index
          %swap3A_1418 = arith.constant 112 : index
          %swap3A_1419 = tpu.vector_load %arg7[%swap3A_1417, %swap3A_1418] {strides = array<i32>} : memref<640x128xf32, #tpu.memory_space<vmem>>, vector<1x16xf32>,
          %swap3A_1420 = vector.shape_cast %swap3A_1419 : vector<1x16xf32> to vector<16xf32>
          %swap3A_1421 = vector.shape_cast %mul3A_1416 : vector<16xf32> to vector<1x16xf32>
          tpu.vector_store %arg7[%swap3A_1417, %swap3A_1418], %swap3A_1421 {strides = array<i32>} : memref<640x128xf32, #tpu.memory_space<vmem>>, vector<1x16xf32>,
          %slice3A_1422 = vector.extract_strided_slice %get3A_313 {offsets = [7], sizes = [1], strides = [1]} : vector<16xi32> to vector<1xi32>
          %squeeze3A_1423 = vector.extract %slice3A_1422[0] : i32 from vector<1xi32>
          %mul3A_1424 = arith.constant 16 : i32
          %mul3A_1425 = arith.muli %scan3A_306, %mul3A_1424 : i32
          %add3A_1426 = arith.addi %mul3A_282, %mul3A_1425 : i32
          %add3A_1427 = arith.constant 7 : i32
          %add3A_1428 = arith.addi %add3A_1426, %add3A_1427 : i32
          %eq3A_1429 = arith.constant 0 : i32
          %eq3A_1430 = arith.cmpi eq, %squeeze3A_1423, %eq3A_1429 : i32
          %eq3A_1431 = arith.constant 1 : i32
          %eq3A_1432 = arith.cmpi eq, %squeeze3A_1423, %eq3A_1431 : i32
          %eq3A_1433 = arith.constant 2 : i32
          %eq3A_1434 = arith.cmpi eq, %squeeze3A_1423, %eq3A_1433 : i32
          %select_n3A_1435 = arith.select %eq3A_1434, %exp3A_111, %exp3A_159 : vector<16xf32>
          %select_n3A_1436 = arith.select %eq3A_1432, %exp3A_63, %select_n3A_1435 : vector<16xf32>
          %select_n3A_1437 = arith.select %eq3A_1430, %exp3A, %select_n3A_1436 : vector<16xf32>
          %get3A_1438 = arith.index_cast %add3A_1428 : i32 to index
          %get3A_1439 = arith.constant 0 : index
          %get3A_1440 = tpu.vector_load %arg7[%get3A_1438, %get3A_1439] {strides = array<i32>} : memref<640x128xf32, #tpu.memory_space<vmem>>, vector<1x16xf32>,
          %get3A_1441 = vector.shape_cast %get3A_1440 : vector<1x16xf32> to vector<16xf32>
          %mul3A_1442 = arith.mulf %get3A_1441, %select_n3A_1437 : vector<16xf32>
          %swap3A_1443 = arith.index_cast %add3A_1428 : i32 to index
          %swap3A_1444 = arith.constant 0 : index
          %swap3A_1445 = tpu.vector_load %arg7[%swap3A_1443, %swap3A_1444] {strides = array<i32>} : memref<640x128xf32, #tpu.memory_space<vmem>>, vector<1x16xf32>,
          %swap3A_1446 = vector.shape_cast %swap3A_1445 : vector<1x16xf32> to vector<16xf32>
          %swap3A_1447 = vector.shape_cast %mul3A_1442 : vector<16xf32> to vector<1x16xf32>
          tpu.vector_store %arg7[%swap3A_1443, %swap3A_1444], %swap3A_1447 {strides = array<i32>} : memref<640x128xf32, #tpu.memory_space<vmem>>, vector<1x16xf32>,
          %eq3A_1448 = arith.constant 0 : i32
          %eq3A_1449 = arith.cmpi eq, %squeeze3A_1423, %eq3A_1448 : i32
          %eq3A_1450 = arith.constant 1 : i32
          %eq3A_1451 = arith.cmpi eq, %squeeze3A_1423, %eq3A_1450 : i32
          %eq3A_1452 = arith.constant 2 : i32
          %eq3A_1453 = arith.cmpi eq, %squeeze3A_1423, %eq3A_1452 : i32
          %select_n3A_1454 = arith.select %eq3A_1453, %exp3A_117, %exp3A_165 : vector<16xf32>
          %select_n3A_1455 = arith.select %eq3A_1451, %exp3A_69, %select_n3A_1454 : vector<16xf32>
          %select_n3A_1456 = arith.select %eq3A_1449, %exp3A_21, %select_n3A_1455 : vector<16xf32>
          %get3A_1457 = arith.index_cast %add3A_1428 : i32 to index
          %get3A_1458 = arith.constant 16 : index
          %get3A_1459 = tpu.vector_load %arg7[%get3A_1457, %get3A_1458] {strides = array<i32>} : memref<640x128xf32, #tpu.memory_space<vmem>>, vector<1x16xf32>,
          %get3A_1460 = vector.shape_cast %get3A_1459 : vector<1x16xf32> to vector<16xf32>
          %mul3A_1461 = arith.mulf %get3A_1460, %select_n3A_1456 : vector<16xf32>
          %swap3A_1462 = arith.index_cast %add3A_1428 : i32 to index
          %swap3A_1463 = arith.constant 16 : index
          %swap3A_1464 = tpu.vector_load %arg7[%swap3A_1462, %swap3A_1463] {strides = array<i32>} : memref<640x128xf32, #tpu.memory_space<vmem>>, vector<1x16xf32>,
          %swap3A_1465 = vector.shape_cast %swap3A_1464 : vector<1x16xf32> to vector<16xf32>
          %swap3A_1466 = vector.shape_cast %mul3A_1461 : vector<16xf32> to vector<1x16xf32>
          tpu.vector_store %arg7[%swap3A_1462, %swap3A_1463], %swap3A_1466 {strides = array<i32>} : memref<640x128xf32, #tpu.memory_space<vmem>>, vector<1x16xf32>,
          %eq3A_1467 = arith.constant 0 : i32
          %eq3A_1468 = arith.cmpi eq, %squeeze3A_1423, %eq3A_1467 : i32
          %eq3A_1469 = arith.constant 1 : i32
          %eq3A_1470 = arith.cmpi eq, %squeeze3A_1423, %eq3A_1469 : i32
          %eq3A_1471 = arith.constant 2 : i32
          %eq3A_1472 = arith.cmpi eq, %squeeze3A_1423, %eq3A_1471 : i32
          %select_n3A_1473 = arith.select %eq3A_1472, %exp3A_123, %exp3A_171 : vector<16xf32>
          %select_n3A_1474 = arith.select %eq3A_1470, %exp3A_75, %select_n3A_1473 : vector<16xf32>
          %select_n3A_1475 = arith.select %eq3A_1468, %exp3A_27, %select_n3A_1474 : vector<16xf32>
          %get3A_1476 = arith.index_cast %add3A_1428 : i32 to index
          %get3A_1477 = arith.constant 32 : index
          %get3A_1478 = tpu.vector_load %arg7[%get3A_1476, %get3A_1477] {strides = array<i32>} : memref<640x128xf32, #tpu.memory_space<vmem>>, vector<1x16xf32>,
          %get3A_1479 = vector.shape_cast %get3A_1478 : vector<1x16xf32> to vector<16xf32>
          %mul3A_1480 = arith.mulf %get3A_1479, %select_n3A_1475 : vector<16xf32>
          %swap3A_1481 = arith.index_cast %add3A_1428 : i32 to index
          %swap3A_1482 = arith.constant 32 : index
          %swap3A_1483 = tpu.vector_load %arg7[%swap3A_1481, %swap3A_1482] {strides = array<i32>} : memref<640x128xf32, #tpu.memory_space<vmem>>, vector<1x16xf32>,
          %swap3A_1484 = vector.shape_cast %swap3A_1483 : vector<1x16xf32> to vector<16xf32>
          %swap3A_1485 = vector.shape_cast %mul3A_1480 : vector<16xf32> to vector<1x16xf32>
          tpu.vector_store %arg7[%swap3A_1481, %swap3A_1482], %swap3A_1485 {strides = array<i32>} : memref<640x128xf32, #tpu.memory_space<vmem>>, vector<1x16xf32>,
          %eq3A_1486 = arith.constant 0 : i32
          %eq3A_1487 = arith.cmpi eq, %squeeze3A_1423, %eq3A_1486 : i32
          %eq3A_1488 = arith.constant 1 : i32
          %eq3A_1489 = arith.cmpi eq, %squeeze3A_1423, %eq3A_1488 : i32
          %eq3A_1490 = arith.constant 2 : i32
          %eq3A_1491 = arith.cmpi eq, %squeeze3A_1423, %eq3A_1490 : i32
          %select_n3A_1492 = arith.select %eq3A_1491, %exp3A_129, %exp3A_177 : vector<16xf32>
          %select_n3A_1493 = arith.select %eq3A_1489, %exp3A_81, %select_n3A_1492 : vector<16xf32>
          %select_n3A_1494 = arith.select %eq3A_1487, %exp3A_33, %select_n3A_1493 : vector<16xf32>
          %get3A_1495 = arith.index_cast %add3A_1428 : i32 to index
          %get3A_1496 = arith.constant 48 : index
          %get3A_1497 = tpu.vector_load %arg7[%get3A_1495, %get3A_1496] {strides = array<i32>} : memref<640x128xf32, #tpu.memory_space<vmem>>, vector<1x16xf32>,
          %get3A_1498 = vector.shape_cast %get3A_1497 : vector<1x16xf32> to vector<16xf32>
          %mul3A_1499 = arith.mulf %get3A_1498, %select_n3A_1494 : vector<16xf32>
          %swap3A_1500 = arith.index_cast %add3A_1428 : i32 to index
          %swap3A_1501 = arith.constant 48 : index
          %swap3A_1502 = tpu.vector_load %arg7[%swap3A_1500, %swap3A_1501] {strides = array<i32>} : memref<640x128xf32, #tpu.memory_space<vmem>>, vector<1x16xf32>,
          %swap3A_1503 = vector.shape_cast %swap3A_1502 : vector<1x16xf32> to vector<16xf32>
          %swap3A_1504 = vector.shape_cast %mul3A_1499 : vector<16xf32> to vector<1x16xf32>
          tpu.vector_store %arg7[%swap3A_1500, %swap3A_1501], %swap3A_1504 {strides = array<i32>} : memref<640x128xf32, #tpu.memory_space<vmem>>, vector<1x16xf32>,
          %eq3A_1505 = arith.constant 0 : i32
          %eq3A_1506 = arith.cmpi eq, %squeeze3A_1423, %eq3A_1505 : i32
          %eq3A_1507 = arith.constant 1 : i32
          %eq3A_1508 = arith.cmpi eq, %squeeze3A_1423, %eq3A_1507 : i32
          %eq3A_1509 = arith.constant 2 : i32
          %eq3A_1510 = arith.cmpi eq, %squeeze3A_1423, %eq3A_1509 : i32
          %select_n3A_1511 = arith.select %eq3A_1510, %exp3A_135, %exp3A_183 : vector<16xf32>
          %select_n3A_1512 = arith.select %eq3A_1508, %exp3A_87, %select_n3A_1511 : vector<16xf32>
          %select_n3A_1513 = arith.select %eq3A_1506, %exp3A_39, %select_n3A_1512 : vector<16xf32>
          %get3A_1514 = arith.index_cast %add3A_1428 : i32 to index
          %get3A_1515 = arith.constant 64 : index
          %get3A_1516 = tpu.vector_load %arg7[%get3A_1514, %get3A_1515] {strides = array<i32>} : memref<640x128xf32, #tpu.memory_space<vmem>>, vector<1x16xf32>,
          %get3A_1517 = vector.shape_cast %get3A_1516 : vector<1x16xf32> to vector<16xf32>
          %mul3A_1518 = arith.mulf %get3A_1517, %select_n3A_1513 : vector<16xf32>
          %swap3A_1519 = arith.index_cast %add3A_1428 : i32 to index
          %swap3A_1520 = arith.constant 64 : index
          %swap3A_1521 = tpu.vector_load %arg7[%swap3A_1519, %swap3A_1520] {strides = array<i32>} : memref<640x128xf32, #tpu.memory_space<vmem>>, vector<1x16xf32>,
          %swap3A_1522 = vector.shape_cast %swap3A_1521 : vector<1x16xf32> to vector<16xf32>
          %swap3A_1523 = vector.shape_cast %mul3A_1518 : vector<16xf32> to vector<1x16xf32>
          tpu.vector_store %arg7[%swap3A_1519, %swap3A_1520], %swap3A_1523 {strides = array<i32>} : memref<640x128xf32, #tpu.memory_space<vmem>>, vector<1x16xf32>,
          %eq3A_1524 = arith.constant 0 : i32
          %eq3A_1525 = arith.cmpi eq, %squeeze3A_1423, %eq3A_1524 : i32
          %eq3A_1526 = arith.constant 1 : i32
          %eq3A_1527 = arith.cmpi eq, %squeeze3A_1423, %eq3A_1526 : i32
          %eq3A_1528 = arith.constant 2 : i32
          %eq3A_1529 = arith.cmpi eq, %squeeze3A_1423, %eq3A_1528 : i32
          %select_n3A_1530 = arith.select %eq3A_1529, %exp3A_141, %exp3A_189 : vector<16xf32>
          %select_n3A_1531 = arith.select %eq3A_1527, %exp3A_93, %select_n3A_1530 : vector<16xf32>
          %select_n3A_1532 = arith.select %eq3A_1525, %exp3A_45, %select_n3A_1531 : vector<16xf32>
          %get3A_1533 = arith.index_cast %add3A_1428 : i32 to index
          %get3A_1534 = arith.constant 80 : index
          %get3A_1535 = tpu.vector_load %arg7[%get3A_1533, %get3A_1534] {strides = array<i32>} : memref<640x128xf32, #tpu.memory_space<vmem>>, vector<1x16xf32>,
          %get3A_1536 = vector.shape_cast %get3A_1535 : vector<1x16xf32> to vector<16xf32>
          %mul3A_1537 = arith.mulf %get3A_1536, %select_n3A_1532 : vector<16xf32>
          %swap3A_1538 = arith.index_cast %add3A_1428 : i32 to index
          %swap3A_1539 = arith.constant 80 : index
          %swap3A_1540 = tpu.vector_load %arg7[%swap3A_1538, %swap3A_1539] {strides = array<i32>} : memref<640x128xf32, #tpu.memory_space<vmem>>, vector<1x16xf32>,
          %swap3A_1541 = vector.shape_cast %swap3A_1540 : vector<1x16xf32> to vector<16xf32>
          %swap3A_1542 = vector.shape_cast %mul3A_1537 : vector<16xf32> to vector<1x16xf32>
          tpu.vector_store %arg7[%swap3A_1538, %swap3A_1539], %swap3A_1542 {strides = array<i32>} : memref<640x128xf32, #tpu.memory_space<vmem>>, vector<1x16xf32>,
          %eq3A_1543 = arith.constant 0 : i32
          %eq3A_1544 = arith.cmpi eq, %squeeze3A_1423, %eq3A_1543 : i32
          %eq3A_1545 = arith.constant 1 : i32
          %eq3A_1546 = arith.cmpi eq, %squeeze3A_1423, %eq3A_1545 : i32
          %eq3A_1547 = arith.constant 2 : i32
          %eq3A_1548 = arith.cmpi eq, %squeeze3A_1423, %eq3A_1547 : i32
          %select_n3A_1549 = arith.select %eq3A_1548, %exp3A_147, %exp3A_195 : vector<16xf32>
          %select_n3A_1550 = arith.select %eq3A_1546, %exp3A_99, %select_n3A_1549 : vector<16xf32>
          %select_n3A_1551 = arith.select %eq3A_1544, %exp3A_51, %select_n3A_1550 : vector<16xf32>
          %get3A_1552 = arith.index_cast %add3A_1428 : i32 to index
          %get3A_1553 = arith.constant 96 : index
          %get3A_1554 = tpu.vector_load %arg7[%get3A_1552, %get3A_1553] {strides = array<i32>} : memref<640x128xf32, #tpu.memory_space<vmem>>, vector<1x16xf32>,
          %get3A_1555 = vector.shape_cast %get3A_1554 : vector<1x16xf32> to vector<16xf32>
          %mul3A_1556 = arith.mulf %get3A_1555, %select_n3A_1551 : vector<16xf32>
          %swap3A_1557 = arith.index_cast %add3A_1428 : i32 to index
          %swap3A_1558 = arith.constant 96 : index
          %swap3A_1559 = tpu.vector_load %arg7[%swap3A_1557, %swap3A_1558] {strides = array<i32>} : memref<640x128xf32, #tpu.memory_space<vmem>>, vector<1x16xf32>,
          %swap3A_1560 = vector.shape_cast %swap3A_1559 : vector<1x16xf32> to vector<16xf32>
          %swap3A_1561 = vector.shape_cast %mul3A_1556 : vector<16xf32> to vector<1x16xf32>
          tpu.vector_store %arg7[%swap3A_1557, %swap3A_1558], %swap3A_1561 {strides = array<i32>} : memref<640x128xf32, #tpu.memory_space<vmem>>, vector<1x16xf32>,
          %eq3A_1562 = arith.constant 0 : i32
          %eq3A_1563 = arith.cmpi eq, %squeeze3A_1423, %eq3A_1562 : i32
          %eq3A_1564 = arith.constant 1 : i32
          %eq3A_1565 = arith.cmpi eq, %squeeze3A_1423, %eq3A_1564 : i32
          %eq3A_1566 = arith.constant 2 : i32
          %eq3A_1567 = arith.cmpi eq, %squeeze3A_1423, %eq3A_1566 : i32
          %select_n3A_1568 = arith.select %eq3A_1567, %exp3A_153, %exp3A_201 : vector<16xf32>
          %select_n3A_1569 = arith.select %eq3A_1565, %exp3A_105, %select_n3A_1568 : vector<16xf32>
          %select_n3A_1570 = arith.select %eq3A_1563, %exp3A_57, %select_n3A_1569 : vector<16xf32>
          %get3A_1571 = arith.index_cast %add3A_1428 : i32 to index
          %get3A_1572 = arith.constant 112 : index
          %get3A_1573 = tpu.vector_load %arg7[%get3A_1571, %get3A_1572] {strides = array<i32>} : memref<640x128xf32, #tpu.memory_space<vmem>>, vector<1x16xf32>,
          %get3A_1574 = vector.shape_cast %get3A_1573 : vector<1x16xf32> to vector<16xf32>
          %mul3A_1575 = arith.mulf %get3A_1574, %select_n3A_1570 : vector<16xf32>
          %swap3A_1576 = arith.index_cast %add3A_1428 : i32 to index
          %swap3A_1577 = arith.constant 112 : index
          %swap3A_1578 = tpu.vector_load %arg7[%swap3A_1576, %swap3A_1577] {strides = array<i32>} : memref<640x128xf32, #tpu.memory_space<vmem>>, vector<1x16xf32>,
          %swap3A_1579 = vector.shape_cast %swap3A_1578 : vector<1x16xf32> to vector<16xf32>
          %swap3A_1580 = vector.shape_cast %mul3A_1575 : vector<16xf32> to vector<1x16xf32>
          tpu.vector_store %arg7[%swap3A_1576, %swap3A_1577], %swap3A_1580 {strides = array<i32>} : memref<640x128xf32, #tpu.memory_space<vmem>>, vector<1x16xf32>,
          %slice3A_1581 = vector.extract_strided_slice %get3A_313 {offsets = [8], sizes = [1], strides = [1]} : vector<16xi32> to vector<1xi32>
          %squeeze3A_1582 = vector.extract %slice3A_1581[0] : i32 from vector<1xi32>
          %mul3A_1583 = arith.constant 16 : i32
          %mul3A_1584 = arith.muli %scan3A_306, %mul3A_1583 : i32
          %add3A_1585 = arith.addi %mul3A_282, %mul3A_1584 : i32
          %add3A_1586 = arith.constant 8 : i32
          %add3A_1587 = arith.addi %add3A_1585, %add3A_1586 : i32
          %eq3A_1588 = arith.constant 0 : i32
          %eq3A_1589 = arith.cmpi eq, %squeeze3A_1582, %eq3A_1588 : i32
          %eq3A_1590 = arith.constant 1 : i32
          %eq3A_1591 = arith.cmpi eq, %squeeze3A_1582, %eq3A_1590 : i32
          %eq3A_1592 = arith.constant 2 : i32
          %eq3A_1593 = arith.cmpi eq, %squeeze3A_1582, %eq3A_1592 : i32
          %select_n3A_1594 = arith.select %eq3A_1593, %exp3A_111, %exp3A_159 : vector<16xf32>
          %select_n3A_1595 = arith.select %eq3A_1591, %exp3A_63, %select_n3A_1594 : vector<16xf32>
          %select_n3A_1596 = arith.select %eq3A_1589, %exp3A, %select_n3A_1595 : vector<16xf32>
          %get3A_1597 = arith.index_cast %add3A_1587 : i32 to index
          %get3A_1598 = arith.constant 0 : index
          %get3A_1599 = tpu.vector_load %arg7[%get3A_1597, %get3A_1598] {strides = array<i32>} : memref<640x128xf32, #tpu.memory_space<vmem>>, vector<1x16xf32>,
          %get3A_1600 = vector.shape_cast %get3A_1599 : vector<1x16xf32> to vector<16xf32>
          %mul3A_1601 = arith.mulf %get3A_1600, %select_n3A_1596 : vector<16xf32>
          %swap3A_1602 = arith.index_cast %add3A_1587 : i32 to index
          %swap3A_1603 = arith.constant 0 : index
          %swap3A_1604 = tpu.vector_load %arg7[%swap3A_1602, %swap3A_1603] {strides = array<i32>} : memref<640x128xf32, #tpu.memory_space<vmem>>, vector<1x16xf32>,
          %swap3A_1605 = vector.shape_cast %swap3A_1604 : vector<1x16xf32> to vector<16xf32>
          %swap3A_1606 = vector.shape_cast %mul3A_1601 : vector<16xf32> to vector<1x16xf32>
          tpu.vector_store %arg7[%swap3A_1602, %swap3A_1603], %swap3A_1606 {strides = array<i32>} : memref<640x128xf32, #tpu.memory_space<vmem>>, vector<1x16xf32>,
          %eq3A_1607 = arith.constant 0 : i32
          %eq3A_1608 = arith.cmpi eq, %squeeze3A_1582, %eq3A_1607 : i32
          %eq3A_1609 = arith.constant 1 : i32
          %eq3A_1610 = arith.cmpi eq, %squeeze3A_1582, %eq3A_1609 : i32
          %eq3A_1611 = arith.constant 2 : i32
          %eq3A_1612 = arith.cmpi eq, %squeeze3A_1582, %eq3A_1611 : i32
          %select_n3A_1613 = arith.select %eq3A_1612, %exp3A_117, %exp3A_165 : vector<16xf32>
          %select_n3A_1614 = arith.select %eq3A_1610, %exp3A_69, %select_n3A_1613 : vector<16xf32>
          %select_n3A_1615 = arith.select %eq3A_1608, %exp3A_21, %select_n3A_1614 : vector<16xf32>
          %get3A_1616 = arith.index_cast %add3A_1587 : i32 to index
          %get3A_1617 = arith.constant 16 : index
          %get3A_1618 = tpu.vector_load %arg7[%get3A_1616, %get3A_1617] {strides = array<i32>} : memref<640x128xf32, #tpu.memory_space<vmem>>, vector<1x16xf32>,
          %get3A_1619 = vector.shape_cast %get3A_1618 : vector<1x16xf32> to vector<16xf32>
          %mul3A_1620 = arith.mulf %get3A_1619, %select_n3A_1615 : vector<16xf32>
          %swap3A_1621 = arith.index_cast %add3A_1587 : i32 to index
          %swap3A_1622 = arith.constant 16 : index
          %swap3A_1623 = tpu.vector_load %arg7[%swap3A_1621, %swap3A_1622] {strides = array<i32>} : memref<640x128xf32, #tpu.memory_space<vmem>>, vector<1x16xf32>,
          %swap3A_1624 = vector.shape_cast %swap3A_1623 : vector<1x16xf32> to vector<16xf32>
          %swap3A_1625 = vector.shape_cast %mul3A_1620 : vector<16xf32> to vector<1x16xf32>
          tpu.vector_store %arg7[%swap3A_1621, %swap3A_1622], %swap3A_1625 {strides = array<i32>} : memref<640x128xf32, #tpu.memory_space<vmem>>, vector<1x16xf32>,
          %eq3A_1626 = arith.constant 0 : i32
          %eq3A_1627 = arith.cmpi eq, %squeeze3A_1582, %eq3A_1626 : i32
          %eq3A_1628 = arith.constant 1 : i32
          %eq3A_1629 = arith.cmpi eq, %squeeze3A_1582, %eq3A_1628 : i32
          %eq3A_1630 = arith.constant 2 : i32
          %eq3A_1631 = arith.cmpi eq, %squeeze3A_1582, %eq3A_1630 : i32
          %select_n3A_1632 = arith.select %eq3A_1631, %exp3A_123, %exp3A_171 : vector<16xf32>
          %select_n3A_1633 = arith.select %eq3A_1629, %exp3A_75, %select_n3A_1632 : vector<16xf32>
          %select_n3A_1634 = arith.select %eq3A_1627, %exp3A_27, %select_n3A_1633 : vector<16xf32>
          %get3A_1635 = arith.index_cast %add3A_1587 : i32 to index
          %get3A_1636 = arith.constant 32 : index
          %get3A_1637 = tpu.vector_load %arg7[%get3A_1635, %get3A_1636] {strides = array<i32>} : memref<640x128xf32, #tpu.memory_space<vmem>>, vector<1x16xf32>,
          %get3A_1638 = vector.shape_cast %get3A_1637 : vector<1x16xf32> to vector<16xf32>
          %mul3A_1639 = arith.mulf %get3A_1638, %select_n3A_1634 : vector<16xf32>
          %swap3A_1640 = arith.index_cast %add3A_1587 : i32 to index
          %swap3A_1641 = arith.constant 32 : index
          %swap3A_1642 = tpu.vector_load %arg7[%swap3A_1640, %swap3A_1641] {strides = array<i32>} : memref<640x128xf32, #tpu.memory_space<vmem>>, vector<1x16xf32>,
          %swap3A_1643 = vector.shape_cast %swap3A_1642 : vector<1x16xf32> to vector<16xf32>
          %swap3A_1644 = vector.shape_cast %mul3A_1639 : vector<16xf32> to vector<1x16xf32>
          tpu.vector_store %arg7[%swap3A_1640, %swap3A_1641], %swap3A_1644 {strides = array<i32>} : memref<640x128xf32, #tpu.memory_space<vmem>>, vector<1x16xf32>,
          %eq3A_1645 = arith.constant 0 : i32
          %eq3A_1646 = arith.cmpi eq, %squeeze3A_1582, %eq3A_1645 : i32
          %eq3A_1647 = arith.constant 1 : i32
          %eq3A_1648 = arith.cmpi eq, %squeeze3A_1582, %eq3A_1647 : i32
          %eq3A_1649 = arith.constant 2 : i32
          %eq3A_1650 = arith.cmpi eq, %squeeze3A_1582, %eq3A_1649 : i32
          %select_n3A_1651 = arith.select %eq3A_1650, %exp3A_129, %exp3A_177 : vector<16xf32>
          %select_n3A_1652 = arith.select %eq3A_1648, %exp3A_81, %select_n3A_1651 : vector<16xf32>
          %select_n3A_1653 = arith.select %eq3A_1646, %exp3A_33, %select_n3A_1652 : vector<16xf32>
          %get3A_1654 = arith.index_cast %add3A_1587 : i32 to index
          %get3A_1655 = arith.constant 48 : index
          %get3A_1656 = tpu.vector_load %arg7[%get3A_1654, %get3A_1655] {strides = array<i32>} : memref<640x128xf32, #tpu.memory_space<vmem>>, vector<1x16xf32>,
          %get3A_1657 = vector.shape_cast %get3A_1656 : vector<1x16xf32> to vector<16xf32>
          %mul3A_1658 = arith.mulf %get3A_1657, %select_n3A_1653 : vector<16xf32>
          %swap3A_1659 = arith.index_cast %add3A_1587 : i32 to index
          %swap3A_1660 = arith.constant 48 : index
          %swap3A_1661 = tpu.vector_load %arg7[%swap3A_1659, %swap3A_1660] {strides = array<i32>} : memref<640x128xf32, #tpu.memory_space<vmem>>, vector<1x16xf32>,
          %swap3A_1662 = vector.shape_cast %swap3A_1661 : vector<1x16xf32> to vector<16xf32>
          %swap3A_1663 = vector.shape_cast %mul3A_1658 : vector<16xf32> to vector<1x16xf32>
          tpu.vector_store %arg7[%swap3A_1659, %swap3A_1660], %swap3A_1663 {strides = array<i32>} : memref<640x128xf32, #tpu.memory_space<vmem>>, vector<1x16xf32>,
          %eq3A_1664 = arith.constant 0 : i32
          %eq3A_1665 = arith.cmpi eq, %squeeze3A_1582, %eq3A_1664 : i32
          %eq3A_1666 = arith.constant 1 : i32
          %eq3A_1667 = arith.cmpi eq, %squeeze3A_1582, %eq3A_1666 : i32
          %eq3A_1668 = arith.constant 2 : i32
          %eq3A_1669 = arith.cmpi eq, %squeeze3A_1582, %eq3A_1668 : i32
          %select_n3A_1670 = arith.select %eq3A_1669, %exp3A_135, %exp3A_183 : vector<16xf32>
          %select_n3A_1671 = arith.select %eq3A_1667, %exp3A_87, %select_n3A_1670 : vector<16xf32>
          %select_n3A_1672 = arith.select %eq3A_1665, %exp3A_39, %select_n3A_1671 : vector<16xf32>
          %get3A_1673 = arith.index_cast %add3A_1587 : i32 to index
          %get3A_1674 = arith.constant 64 : index
          %get3A_1675 = tpu.vector_load %arg7[%get3A_1673, %get3A_1674] {strides = array<i32>} : memref<640x128xf32, #tpu.memory_space<vmem>>, vector<1x16xf32>,
          %get3A_1676 = vector.shape_cast %get3A_1675 : vector<1x16xf32> to vector<16xf32>
          %mul3A_1677 = arith.mulf %get3A_1676, %select_n3A_1672 : vector<16xf32>
          %swap3A_1678 = arith.index_cast %add3A_1587 : i32 to index
          %swap3A_1679 = arith.constant 64 : index
          %swap3A_1680 = tpu.vector_load %arg7[%swap3A_1678, %swap3A_1679] {strides = array<i32>} : memref<640x128xf32, #tpu.memory_space<vmem>>, vector<1x16xf32>,
          %swap3A_1681 = vector.shape_cast %swap3A_1680 : vector<1x16xf32> to vector<16xf32>
          %swap3A_1682 = vector.shape_cast %mul3A_1677 : vector<16xf32> to vector<1x16xf32>
          tpu.vector_store %arg7[%swap3A_1678, %swap3A_1679], %swap3A_1682 {strides = array<i32>} : memref<640x128xf32, #tpu.memory_space<vmem>>, vector<1x16xf32>,
          %eq3A_1683 = arith.constant 0 : i32
          %eq3A_1684 = arith.cmpi eq, %squeeze3A_1582, %eq3A_1683 : i32
          %eq3A_1685 = arith.constant 1 : i32
          %eq3A_1686 = arith.cmpi eq, %squeeze3A_1582, %eq3A_1685 : i32
          %eq3A_1687 = arith.constant 2 : i32
          %eq3A_1688 = arith.cmpi eq, %squeeze3A_1582, %eq3A_1687 : i32
          %select_n3A_1689 = arith.select %eq3A_1688, %exp3A_141, %exp3A_189 : vector<16xf32>
          %select_n3A_1690 = arith.select %eq3A_1686, %exp3A_93, %select_n3A_1689 : vector<16xf32>
          %select_n3A_1691 = arith.select %eq3A_1684, %exp3A_45, %select_n3A_1690 : vector<16xf32>
          %get3A_1692 = arith.index_cast %add3A_1587 : i32 to index
          %get3A_1693 = arith.constant 80 : index
          %get3A_1694 = tpu.vector_load %arg7[%get3A_1692, %get3A_1693] {strides = array<i32>} : memref<640x128xf32, #tpu.memory_space<vmem>>, vector<1x16xf32>,
          %get3A_1695 = vector.shape_cast %get3A_1694 : vector<1x16xf32> to vector<16xf32>
          %mul3A_1696 = arith.mulf %get3A_1695, %select_n3A_1691 : vector<16xf32>
          %swap3A_1697 = arith.index_cast %add3A_1587 : i32 to index
          %swap3A_1698 = arith.constant 80 : index
          %swap3A_1699 = tpu.vector_load %arg7[%swap3A_1697, %swap3A_1698] {strides = array<i32>} : memref<640x128xf32, #tpu.memory_space<vmem>>, vector<1x16xf32>,
          %swap3A_1700 = vector.shape_cast %swap3A_1699 : vector<1x16xf32> to vector<16xf32>
          %swap3A_1701 = vector.shape_cast %mul3A_1696 : vector<16xf32> to vector<1x16xf32>
          tpu.vector_store %arg7[%swap3A_1697, %swap3A_1698], %swap3A_1701 {strides = array<i32>} : memref<640x128xf32, #tpu.memory_space<vmem>>, vector<1x16xf32>,
          %eq3A_1702 = arith.constant 0 : i32
          %eq3A_1703 = arith.cmpi eq, %squeeze3A_1582, %eq3A_1702 : i32
          %eq3A_1704 = arith.constant 1 : i32
          %eq3A_1705 = arith.cmpi eq, %squeeze3A_1582, %eq3A_1704 : i32
          %eq3A_1706 = arith.constant 2 : i32
          %eq3A_1707 = arith.cmpi eq, %squeeze3A_1582, %eq3A_1706 : i32
          %select_n3A_1708 = arith.select %eq3A_1707, %exp3A_147, %exp3A_195 : vector<16xf32>
          %select_n3A_1709 = arith.select %eq3A_1705, %exp3A_99, %select_n3A_1708 : vector<16xf32>
          %select_n3A_1710 = arith.select %eq3A_1703, %exp3A_51, %select_n3A_1709 : vector<16xf32>
          %get3A_1711 = arith.index_cast %add3A_1587 : i32 to index
          %get3A_1712 = arith.constant 96 : index
          %get3A_1713 = tpu.vector_load %arg7[%get3A_1711, %get3A_1712] {strides = array<i32>} : memref<640x128xf32, #tpu.memory_space<vmem>>, vector<1x16xf32>,
          %get3A_1714 = vector.shape_cast %get3A_1713 : vector<1x16xf32> to vector<16xf32>
          %mul3A_1715 = arith.mulf %get3A_1714, %select_n3A_1710 : vector<16xf32>
          %swap3A_1716 = arith.index_cast %add3A_1587 : i32 to index
          %swap3A_1717 = arith.constant 96 : index
          %swap3A_1718 = tpu.vector_load %arg7[%swap3A_1716, %swap3A_1717] {strides = array<i32>} : memref<640x128xf32, #tpu.memory_space<vmem>>, vector<1x16xf32>,
          %swap3A_1719 = vector.shape_cast %swap3A_1718 : vector<1x16xf32> to vector<16xf32>
          %swap3A_1720 = vector.shape_cast %mul3A_1715 : vector<16xf32> to vector<1x16xf32>
          tpu.vector_store %arg7[%swap3A_1716, %swap3A_1717], %swap3A_1720 {strides = array<i32>} : memref<640x128xf32, #tpu.memory_space<vmem>>, vector<1x16xf32>,
          %eq3A_1721 = arith.constant 0 : i32
          %eq3A_1722 = arith.cmpi eq, %squeeze3A_1582, %eq3A_1721 : i32
          %eq3A_1723 = arith.constant 1 : i32
          %eq3A_1724 = arith.cmpi eq, %squeeze3A_1582, %eq3A_1723 : i32
          %eq3A_1725 = arith.constant 2 : i32
          %eq3A_1726 = arith.cmpi eq, %squeeze3A_1582, %eq3A_1725 : i32
          %select_n3A_1727 = arith.select %eq3A_1726, %exp3A_153, %exp3A_201 : vector<16xf32>
          %select_n3A_1728 = arith.select %eq3A_1724, %exp3A_105, %select_n3A_1727 : vector<16xf32>
          %select_n3A_1729 = arith.select %eq3A_1722, %exp3A_57, %select_n3A_1728 : vector<16xf32>
          %get3A_1730 = arith.index_cast %add3A_1587 : i32 to index
          %get3A_1731 = arith.constant 112 : index
          %get3A_1732 = tpu.vector_load %arg7[%get3A_1730, %get3A_1731] {strides = array<i32>} : memref<640x128xf32, #tpu.memory_space<vmem>>, vector<1x16xf32>,
          %get3A_1733 = vector.shape_cast %get3A_1732 : vector<1x16xf32> to vector<16xf32>
          %mul3A_1734 = arith.mulf %get3A_1733, %select_n3A_1729 : vector<16xf32>
          %swap3A_1735 = arith.index_cast %add3A_1587 : i32 to index
          %swap3A_1736 = arith.constant 112 : index
          %swap3A_1737 = tpu.vector_load %arg7[%swap3A_1735, %swap3A_1736] {strides = array<i32>} : memref<640x128xf32, #tpu.memory_space<vmem>>, vector<1x16xf32>,
          %swap3A_1738 = vector.shape_cast %swap3A_1737 : vector<1x16xf32> to vector<16xf32>
          %swap3A_1739 = vector.shape_cast %mul3A_1734 : vector<16xf32> to vector<1x16xf32>
          tpu.vector_store %arg7[%swap3A_1735, %swap3A_1736], %swap3A_1739 {strides = array<i32>} : memref<640x128xf32, #tpu.memory_space<vmem>>, vector<1x16xf32>,
          %slice3A_1740 = vector.extract_strided_slice %get3A_313 {offsets = [9], sizes = [1], strides = [1]} : vector<16xi32> to vector<1xi32>
          %squeeze3A_1741 = vector.extract %slice3A_1740[0] : i32 from vector<1xi32>
          %mul3A_1742 = arith.constant 16 : i32
          %mul3A_1743 = arith.muli %scan3A_306, %mul3A_1742 : i32
          %add3A_1744 = arith.addi %mul3A_282, %mul3A_1743 : i32
          %add3A_1745 = arith.constant 9 : i32
          %add3A_1746 = arith.addi %add3A_1744, %add3A_1745 : i32
          %eq3A_1747 = arith.constant 0 : i32
          %eq3A_1748 = arith.cmpi eq, %squeeze3A_1741, %eq3A_1747 : i32
          %eq3A_1749 = arith.constant 1 : i32
          %eq3A_1750 = arith.cmpi eq, %squeeze3A_1741, %eq3A_1749 : i32
          %eq3A_1751 = arith.constant 2 : i32
          %eq3A_1752 = arith.cmpi eq, %squeeze3A_1741, %eq3A_1751 : i32
          %select_n3A_1753 = arith.select %eq3A_1752, %exp3A_111, %exp3A_159 : vector<16xf32>
          %select_n3A_1754 = arith.select %eq3A_1750, %exp3A_63, %select_n3A_1753 : vector<16xf32>
          %select_n3A_1755 = arith.select %eq3A_1748, %exp3A, %select_n3A_1754 : vector<16xf32>
          %get3A_1756 = arith.index_cast %add3A_1746 : i32 to index
          %get3A_1757 = arith.constant 0 : index
          %get3A_1758 = tpu.vector_load %arg7[%get3A_1756, %get3A_1757] {strides = array<i32>} : memref<640x128xf32, #tpu.memory_space<vmem>>, vector<1x16xf32>,
          %get3A_1759 = vector.shape_cast %get3A_1758 : vector<1x16xf32> to vector<16xf32>
          %mul3A_1760 = arith.mulf %get3A_1759, %select_n3A_1755 : vector<16xf32>
          %swap3A_1761 = arith.index_cast %add3A_1746 : i32 to index
          %swap3A_1762 = arith.constant 0 : index
          %swap3A_1763 = tpu.vector_load %arg7[%swap3A_1761, %swap3A_1762] {strides = array<i32>} : memref<640x128xf32, #tpu.memory_space<vmem>>, vector<1x16xf32>,
          %swap3A_1764 = vector.shape_cast %swap3A_1763 : vector<1x16xf32> to vector<16xf32>
          %swap3A_1765 = vector.shape_cast %mul3A_1760 : vector<16xf32> to vector<1x16xf32>
          tpu.vector_store %arg7[%swap3A_1761, %swap3A_1762], %swap3A_1765 {strides = array<i32>} : memref<640x128xf32, #tpu.memory_space<vmem>>, vector<1x16xf32>,
          %eq3A_1766 = arith.constant 0 : i32
          %eq3A_1767 = arith.cmpi eq, %squeeze3A_1741, %eq3A_1766 : i32
          %eq3A_1768 = arith.constant 1 : i32
          %eq3A_1769 = arith.cmpi eq, %squeeze3A_1741, %eq3A_1768 : i32
          %eq3A_1770 = arith.constant 2 : i32
          %eq3A_1771 = arith.cmpi eq, %squeeze3A_1741, %eq3A_1770 : i32
          %select_n3A_1772 = arith.select %eq3A_1771, %exp3A_117, %exp3A_165 : vector<16xf32>
          %select_n3A_1773 = arith.select %eq3A_1769, %exp3A_69, %select_n3A_1772 : vector<16xf32>
          %select_n3A_1774 = arith.select %eq3A_1767, %exp3A_21, %select_n3A_1773 : vector<16xf32>
          %get3A_1775 = arith.index_cast %add3A_1746 : i32 to index
          %get3A_1776 = arith.constant 16 : index
          %get3A_1777 = tpu.vector_load %arg7[%get3A_1775, %get3A_1776] {strides = array<i32>} : memref<640x128xf32, #tpu.memory_space<vmem>>, vector<1x16xf32>,
          %get3A_1778 = vector.shape_cast %get3A_1777 : vector<1x16xf32> to vector<16xf32>
          %mul3A_1779 = arith.mulf %get3A_1778, %select_n3A_1774 : vector<16xf32>
          %swap3A_1780 = arith.index_cast %add3A_1746 : i32 to index
          %swap3A_1781 = arith.constant 16 : index
          %swap3A_1782 = tpu.vector_load %arg7[%swap3A_1780, %swap3A_1781] {strides = array<i32>} : memref<640x128xf32, #tpu.memory_space<vmem>>, vector<1x16xf32>,
          %swap3A_1783 = vector.shape_cast %swap3A_1782 : vector<1x16xf32> to vector<16xf32>
          %swap3A_1784 = vector.shape_cast %mul3A_1779 : vector<16xf32> to vector<1x16xf32>
          tpu.vector_store %arg7[%swap3A_1780, %swap3A_1781], %swap3A_1784 {strides = array<i32>} : memref<640x128xf32, #tpu.memory_space<vmem>>, vector<1x16xf32>,
          %eq3A_1785 = arith.constant 0 : i32
          %eq3A_1786 = arith.cmpi eq, %squeeze3A_1741, %eq3A_1785 : i32
          %eq3A_1787 = arith.constant 1 : i32
          %eq3A_1788 = arith.cmpi eq, %squeeze3A_1741, %eq3A_1787 : i32
          %eq3A_1789 = arith.constant 2 : i32
          %eq3A_1790 = arith.cmpi eq, %squeeze3A_1741, %eq3A_1789 : i32
          %select_n3A_1791 = arith.select %eq3A_1790, %exp3A_123, %exp3A_171 : vector<16xf32>
          %select_n3A_1792 = arith.select %eq3A_1788, %exp3A_75, %select_n3A_1791 : vector<16xf32>
          %select_n3A_1793 = arith.select %eq3A_1786, %exp3A_27, %select_n3A_1792 : vector<16xf32>
          %get3A_1794 = arith.index_cast %add3A_1746 : i32 to index
          %get3A_1795 = arith.constant 32 : index
          %get3A_1796 = tpu.vector_load %arg7[%get3A_1794, %get3A_1795] {strides = array<i32>} : memref<640x128xf32, #tpu.memory_space<vmem>>, vector<1x16xf32>,
          %get3A_1797 = vector.shape_cast %get3A_1796 : vector<1x16xf32> to vector<16xf32>
          %mul3A_1798 = arith.mulf %get3A_1797, %select_n3A_1793 : vector<16xf32>
          %swap3A_1799 = arith.index_cast %add3A_1746 : i32 to index
          %swap3A_1800 = arith.constant 32 : index
          %swap3A_1801 = tpu.vector_load %arg7[%swap3A_1799, %swap3A_1800] {strides = array<i32>} : memref<640x128xf32, #tpu.memory_space<vmem>>, vector<1x16xf32>,
          %swap3A_1802 = vector.shape_cast %swap3A_1801 : vector<1x16xf32> to vector<16xf32>
          %swap3A_1803 = vector.shape_cast %mul3A_1798 : vector<16xf32> to vector<1x16xf32>
          tpu.vector_store %arg7[%swap3A_1799, %swap3A_1800], %swap3A_1803 {strides = array<i32>} : memref<640x128xf32, #tpu.memory_space<vmem>>, vector<1x16xf32>,
          %eq3A_1804 = arith.constant 0 : i32
          %eq3A_1805 = arith.cmpi eq, %squeeze3A_1741, %eq3A_1804 : i32
          %eq3A_1806 = arith.constant 1 : i32
          %eq3A_1807 = arith.cmpi eq, %squeeze3A_1741, %eq3A_1806 : i32
          %eq3A_1808 = arith.constant 2 : i32
          %eq3A_1809 = arith.cmpi eq, %squeeze3A_1741, %eq3A_1808 : i32
          %select_n3A_1810 = arith.select %eq3A_1809, %exp3A_129, %exp3A_177 : vector<16xf32>
          %select_n3A_1811 = arith.select %eq3A_1807, %exp3A_81, %select_n3A_1810 : vector<16xf32>
          %select_n3A_1812 = arith.select %eq3A_1805, %exp3A_33, %select_n3A_1811 : vector<16xf32>
          %get3A_1813 = arith.index_cast %add3A_1746 : i32 to index
          %get3A_1814 = arith.constant 48 : index
          %get3A_1815 = tpu.vector_load %arg7[%get3A_1813, %get3A_1814] {strides = array<i32>} : memref<640x128xf32, #tpu.memory_space<vmem>>, vector<1x16xf32>,
          %get3A_1816 = vector.shape_cast %get3A_1815 : vector<1x16xf32> to vector<16xf32>
          %mul3A_1817 = arith.mulf %get3A_1816, %select_n3A_1812 : vector<16xf32>
          %swap3A_1818 = arith.index_cast %add3A_1746 : i32 to index
          %swap3A_1819 = arith.constant 48 : index
          %swap3A_1820 = tpu.vector_load %arg7[%swap3A_1818, %swap3A_1819] {strides = array<i32>} : memref<640x128xf32, #tpu.memory_space<vmem>>, vector<1x16xf32>,
          %swap3A_1821 = vector.shape_cast %swap3A_1820 : vector<1x16xf32> to vector<16xf32>
          %swap3A_1822 = vector.shape_cast %mul3A_1817 : vector<16xf32> to vector<1x16xf32>
          tpu.vector_store %arg7[%swap3A_1818, %swap3A_1819], %swap3A_1822 {strides = array<i32>} : memref<640x128xf32, #tpu.memory_space<vmem>>, vector<1x16xf32>,
          %eq3A_1823 = arith.constant 0 : i32
          %eq3A_1824 = arith.cmpi eq, %squeeze3A_1741, %eq3A_1823 : i32
          %eq3A_1825 = arith.constant 1 : i32
          %eq3A_1826 = arith.cmpi eq, %squeeze3A_1741, %eq3A_1825 : i32
          %eq3A_1827 = arith.constant 2 : i32
          %eq3A_1828 = arith.cmpi eq, %squeeze3A_1741, %eq3A_1827 : i32
          %select_n3A_1829 = arith.select %eq3A_1828, %exp3A_135, %exp3A_183 : vector<16xf32>
          %select_n3A_1830 = arith.select %eq3A_1826, %exp3A_87, %select_n3A_1829 : vector<16xf32>
          %select_n3A_1831 = arith.select %eq3A_1824, %exp3A_39, %select_n3A_1830 : vector<16xf32>
          %get3A_1832 = arith.index_cast %add3A_1746 : i32 to index
          %get3A_1833 = arith.constant 64 : index
          %get3A_1834 = tpu.vector_load %arg7[%get3A_1832, %get3A_1833] {strides = array<i32>} : memref<640x128xf32, #tpu.memory_space<vmem>>, vector<1x16xf32>,
          %get3A_1835 = vector.shape_cast %get3A_1834 : vector<1x16xf32> to vector<16xf32>
          %mul3A_1836 = arith.mulf %get3A_1835, %select_n3A_1831 : vector<16xf32>
          %swap3A_1837 = arith.index_cast %add3A_1746 : i32 to index
          %swap3A_1838 = arith.constant 64 : index
          %swap3A_1839 = tpu.vector_load %arg7[%swap3A_1837, %swap3A_1838] {strides = array<i32>} : memref<640x128xf32, #tpu.memory_space<vmem>>, vector<1x16xf32>,
          %swap3A_1840 = vector.shape_cast %swap3A_1839 : vector<1x16xf32> to vector<16xf32>
          %swap3A_1841 = vector.shape_cast %mul3A_1836 : vector<16xf32> to vector<1x16xf32>
          tpu.vector_store %arg7[%swap3A_1837, %swap3A_1838], %swap3A_1841 {strides = array<i32>} : memref<640x128xf32, #tpu.memory_space<vmem>>, vector<1x16xf32>,
          %eq3A_1842 = arith.constant 0 : i32
          %eq3A_1843 = arith.cmpi eq, %squeeze3A_1741, %eq3A_1842 : i32
          %eq3A_1844 = arith.constant 1 : i32
          %eq3A_1845 = arith.cmpi eq, %squeeze3A_1741, %eq3A_1844 : i32
          %eq3A_1846 = arith.constant 2 : i32
          %eq3A_1847 = arith.cmpi eq, %squeeze3A_1741, %eq3A_1846 : i32
          %select_n3A_1848 = arith.select %eq3A_1847, %exp3A_141, %exp3A_189 : vector<16xf32>
          %select_n3A_1849 = arith.select %eq3A_1845, %exp3A_93, %select_n3A_1848 : vector<16xf32>
          %select_n3A_1850 = arith.select %eq3A_1843, %exp3A_45, %select_n3A_1849 : vector<16xf32>
          %get3A_1851 = arith.index_cast %add3A_1746 : i32 to index
          %get3A_1852 = arith.constant 80 : index
          %get3A_1853 = tpu.vector_load %arg7[%get3A_1851, %get3A_1852] {strides = array<i32>} : memref<640x128xf32, #tpu.memory_space<vmem>>, vector<1x16xf32>,
          %get3A_1854 = vector.shape_cast %get3A_1853 : vector<1x16xf32> to vector<16xf32>
          %mul3A_1855 = arith.mulf %get3A_1854, %select_n3A_1850 : vector<16xf32>
          %swap3A_1856 = arith.index_cast %add3A_1746 : i32 to index
          %swap3A_1857 = arith.constant 80 : index
          %swap3A_1858 = tpu.vector_load %arg7[%swap3A_1856, %swap3A_1857] {strides = array<i32>} : memref<640x128xf32, #tpu.memory_space<vmem>>, vector<1x16xf32>,
          %swap3A_1859 = vector.shape_cast %swap3A_1858 : vector<1x16xf32> to vector<16xf32>
          %swap3A_1860 = vector.shape_cast %mul3A_1855 : vector<16xf32> to vector<1x16xf32>
          tpu.vector_store %arg7[%swap3A_1856, %swap3A_1857], %swap3A_1860 {strides = array<i32>} : memref<640x128xf32, #tpu.memory_space<vmem>>, vector<1x16xf32>,
          %eq3A_1861 = arith.constant 0 : i32
          %eq3A_1862 = arith.cmpi eq, %squeeze3A_1741, %eq3A_1861 : i32
          %eq3A_1863 = arith.constant 1 : i32
          %eq3A_1864 = arith.cmpi eq, %squeeze3A_1741, %eq3A_1863 : i32
          %eq3A_1865 = arith.constant 2 : i32
          %eq3A_1866 = arith.cmpi eq, %squeeze3A_1741, %eq3A_1865 : i32
          %select_n3A_1867 = arith.select %eq3A_1866, %exp3A_147, %exp3A_195 : vector<16xf32>
          %select_n3A_1868 = arith.select %eq3A_1864, %exp3A_99, %select_n3A_1867 : vector<16xf32>
          %select_n3A_1869 = arith.select %eq3A_1862, %exp3A_51, %select_n3A_1868 : vector<16xf32>
          %get3A_1870 = arith.index_cast %add3A_1746 : i32 to index
          %get3A_1871 = arith.constant 96 : index
          %get3A_1872 = tpu.vector_load %arg7[%get3A_1870, %get3A_1871] {strides = array<i32>} : memref<640x128xf32, #tpu.memory_space<vmem>>, vector<1x16xf32>,
          %get3A_1873 = vector.shape_cast %get3A_1872 : vector<1x16xf32> to vector<16xf32>
          %mul3A_1874 = arith.mulf %get3A_1873, %select_n3A_1869 : vector<16xf32>
          %swap3A_1875 = arith.index_cast %add3A_1746 : i32 to index
          %swap3A_1876 = arith.constant 96 : index
          %swap3A_1877 = tpu.vector_load %arg7[%swap3A_1875, %swap3A_1876] {strides = array<i32>} : memref<640x128xf32, #tpu.memory_space<vmem>>, vector<1x16xf32>,
          %swap3A_1878 = vector.shape_cast %swap3A_1877 : vector<1x16xf32> to vector<16xf32>
          %swap3A_1879 = vector.shape_cast %mul3A_1874 : vector<16xf32> to vector<1x16xf32>
          tpu.vector_store %arg7[%swap3A_1875, %swap3A_1876], %swap3A_1879 {strides = array<i32>} : memref<640x128xf32, #tpu.memory_space<vmem>>, vector<1x16xf32>,
          %eq3A_1880 = arith.constant 0 : i32
          %eq3A_1881 = arith.cmpi eq, %squeeze3A_1741, %eq3A_1880 : i32
          %eq3A_1882 = arith.constant 1 : i32
          %eq3A_1883 = arith.cmpi eq, %squeeze3A_1741, %eq3A_1882 : i32
          %eq3A_1884 = arith.constant 2 : i32
          %eq3A_1885 = arith.cmpi eq, %squeeze3A_1741, %eq3A_1884 : i32
          %select_n3A_1886 = arith.select %eq3A_1885, %exp3A_153, %exp3A_201 : vector<16xf32>
          %select_n3A_1887 = arith.select %eq3A_1883, %exp3A_105, %select_n3A_1886 : vector<16xf32>
          %select_n3A_1888 = arith.select %eq3A_1881, %exp3A_57, %select_n3A_1887 : vector<16xf32>
          %get3A_1889 = arith.index_cast %add3A_1746 : i32 to index
          %get3A_1890 = arith.constant 112 : index
          %get3A_1891 = tpu.vector_load %arg7[%get3A_1889, %get3A_1890] {strides = array<i32>} : memref<640x128xf32, #tpu.memory_space<vmem>>, vector<1x16xf32>,
          %get3A_1892 = vector.shape_cast %get3A_1891 : vector<1x16xf32> to vector<16xf32>
          %mul3A_1893 = arith.mulf %get3A_1892, %select_n3A_1888 : vector<16xf32>
          %swap3A_1894 = arith.index_cast %add3A_1746 : i32 to index
          %swap3A_1895 = arith.constant 112 : index
          %swap3A_1896 = tpu.vector_load %arg7[%swap3A_1894, %swap3A_1895] {strides = array<i32>} : memref<640x128xf32, #tpu.memory_space<vmem>>, vector<1x16xf32>,
          %swap3A_1897 = vector.shape_cast %swap3A_1896 : vector<1x16xf32> to vector<16xf32>
          %swap3A_1898 = vector.shape_cast %mul3A_1893 : vector<16xf32> to vector<1x16xf32>
          tpu.vector_store %arg7[%swap3A_1894, %swap3A_1895], %swap3A_1898 {strides = array<i32>} : memref<640x128xf32, #tpu.memory_space<vmem>>, vector<1x16xf32>,
          %slice3A_1899 = vector.extract_strided_slice %get3A_313 {offsets = [10], sizes = [1], strides = [1]} : vector<16xi32> to vector<1xi32>
          %squeeze3A_1900 = vector.extract %slice3A_1899[0] : i32 from vector<1xi32>
          %mul3A_1901 = arith.constant 16 : i32
          %mul3A_1902 = arith.muli %scan3A_306, %mul3A_1901 : i32
          %add3A_1903 = arith.addi %mul3A_282, %mul3A_1902 : i32
          %add3A_1904 = arith.constant 10 : i32
          %add3A_1905 = arith.addi %add3A_1903, %add3A_1904 : i32
          %eq3A_1906 = arith.constant 0 : i32
          %eq3A_1907 = arith.cmpi eq, %squeeze3A_1900, %eq3A_1906 : i32
          %eq3A_1908 = arith.constant 1 : i32
          %eq3A_1909 = arith.cmpi eq, %squeeze3A_1900, %eq3A_1908 : i32
          %eq3A_1910 = arith.constant 2 : i32
          %eq3A_1911 = arith.cmpi eq, %squeeze3A_1900, %eq3A_1910 : i32
          %select_n3A_1912 = arith.select %eq3A_1911, %exp3A_111, %exp3A_159 : vector<16xf32>
          %select_n3A_1913 = arith.select %eq3A_1909, %exp3A_63, %select_n3A_1912 : vector<16xf32>
          %select_n3A_1914 = arith.select %eq3A_1907, %exp3A, %select_n3A_1913 : vector<16xf32>
          %get3A_1915 = arith.index_cast %add3A_1905 : i32 to index
          %get3A_1916 = arith.constant 0 : index
          %get3A_1917 = tpu.vector_load %arg7[%get3A_1915, %get3A_1916] {strides = array<i32>} : memref<640x128xf32, #tpu.memory_space<vmem>>, vector<1x16xf32>,
          %get3A_1918 = vector.shape_cast %get3A_1917 : vector<1x16xf32> to vector<16xf32>
          %mul3A_1919 = arith.mulf %get3A_1918, %select_n3A_1914 : vector<16xf32>
          %swap3A_1920 = arith.index_cast %add3A_1905 : i32 to index
          %swap3A_1921 = arith.constant 0 : index
          %swap3A_1922 = tpu.vector_load %arg7[%swap3A_1920, %swap3A_1921] {strides = array<i32>} : memref<640x128xf32, #tpu.memory_space<vmem>>, vector<1x16xf32>,
          %swap3A_1923 = vector.shape_cast %swap3A_1922 : vector<1x16xf32> to vector<16xf32>
          %swap3A_1924 = vector.shape_cast %mul3A_1919 : vector<16xf32> to vector<1x16xf32>
          tpu.vector_store %arg7[%swap3A_1920, %swap3A_1921], %swap3A_1924 {strides = array<i32>} : memref<640x128xf32, #tpu.memory_space<vmem>>, vector<1x16xf32>,
          %eq3A_1925 = arith.constant 0 : i32
          %eq3A_1926 = arith.cmpi eq, %squeeze3A_1900, %eq3A_1925 : i32
          %eq3A_1927 = arith.constant 1 : i32
          %eq3A_1928 = arith.cmpi eq, %squeeze3A_1900, %eq3A_1927 : i32
          %eq3A_1929 = arith.constant 2 : i32
          %eq3A_1930 = arith.cmpi eq, %squeeze3A_1900, %eq3A_1929 : i32
          %select_n3A_1931 = arith.select %eq3A_1930, %exp3A_117, %exp3A_165 : vector<16xf32>
          %select_n3A_1932 = arith.select %eq3A_1928, %exp3A_69, %select_n3A_1931 : vector<16xf32>
          %select_n3A_1933 = arith.select %eq3A_1926, %exp3A_21, %select_n3A_1932 : vector<16xf32>
          %get3A_1934 = arith.index_cast %add3A_1905 : i32 to index
          %get3A_1935 = arith.constant 16 : index
          %get3A_1936 = tpu.vector_load %arg7[%get3A_1934, %get3A_1935] {strides = array<i32>} : memref<640x128xf32, #tpu.memory_space<vmem>>, vector<1x16xf32>,
          %get3A_1937 = vector.shape_cast %get3A_1936 : vector<1x16xf32> to vector<16xf32>
          %mul3A_1938 = arith.mulf %get3A_1937, %select_n3A_1933 : vector<16xf32>
          %swap3A_1939 = arith.index_cast %add3A_1905 : i32 to index
          %swap3A_1940 = arith.constant 16 : index
          %swap3A_1941 = tpu.vector_load %arg7[%swap3A_1939, %swap3A_1940] {strides = array<i32>} : memref<640x128xf32, #tpu.memory_space<vmem>>, vector<1x16xf32>,
          %swap3A_1942 = vector.shape_cast %swap3A_1941 : vector<1x16xf32> to vector<16xf32>
          %swap3A_1943 = vector.shape_cast %mul3A_1938 : vector<16xf32> to vector<1x16xf32>
          tpu.vector_store %arg7[%swap3A_1939, %swap3A_1940], %swap3A_1943 {strides = array<i32>} : memref<640x128xf32, #tpu.memory_space<vmem>>, vector<1x16xf32>,
          %eq3A_1944 = arith.constant 0 : i32
          %eq3A_1945 = arith.cmpi eq, %squeeze3A_1900, %eq3A_1944 : i32
          %eq3A_1946 = arith.constant 1 : i32
          %eq3A_1947 = arith.cmpi eq, %squeeze3A_1900, %eq3A_1946 : i32
          %eq3A_1948 = arith.constant 2 : i32
          %eq3A_1949 = arith.cmpi eq, %squeeze3A_1900, %eq3A_1948 : i32
          %select_n3A_1950 = arith.select %eq3A_1949, %exp3A_123, %exp3A_171 : vector<16xf32>
          %select_n3A_1951 = arith.select %eq3A_1947, %exp3A_75, %select_n3A_1950 : vector<16xf32>
          %select_n3A_1952 = arith.select %eq3A_1945, %exp3A_27, %select_n3A_1951 : vector<16xf32>
          %get3A_1953 = arith.index_cast %add3A_1905 : i32 to index
          %get3A_1954 = arith.constant 32 : index
          %get3A_1955 = tpu.vector_load %arg7[%get3A_1953, %get3A_1954] {strides = array<i32>} : memref<640x128xf32, #tpu.memory_space<vmem>>, vector<1x16xf32>,
          %get3A_1956 = vector.shape_cast %get3A_1955 : vector<1x16xf32> to vector<16xf32>
          %mul3A_1957 = arith.mulf %get3A_1956, %select_n3A_1952 : vector<16xf32>
          %swap3A_1958 = arith.index_cast %add3A_1905 : i32 to index
          %swap3A_1959 = arith.constant 32 : index
          %swap3A_1960 = tpu.vector_load %arg7[%swap3A_1958, %swap3A_1959] {strides = array<i32>} : memref<640x128xf32, #tpu.memory_space<vmem>>, vector<1x16xf32>,
          %swap3A_1961 = vector.shape_cast %swap3A_1960 : vector<1x16xf32> to vector<16xf32>
          %swap3A_1962 = vector.shape_cast %mul3A_1957 : vector<16xf32> to vector<1x16xf32>
          tpu.vector_store %arg7[%swap3A_1958, %swap3A_1959], %swap3A_1962 {strides = array<i32>} : memref<640x128xf32, #tpu.memory_space<vmem>>, vector<1x16xf32>,
          %eq3A_1963 = arith.constant 0 : i32
          %eq3A_1964 = arith.cmpi eq, %squeeze3A_1900, %eq3A_1963 : i32
          %eq3A_1965 = arith.constant 1 : i32
          %eq3A_1966 = arith.cmpi eq, %squeeze3A_1900, %eq3A_1965 : i32
          %eq3A_1967 = arith.constant 2 : i32
          %eq3A_1968 = arith.cmpi eq, %squeeze3A_1900, %eq3A_1967 : i32
          %select_n3A_1969 = arith.select %eq3A_1968, %exp3A_129, %exp3A_177 : vector<16xf32>
          %select_n3A_1970 = arith.select %eq3A_1966, %exp3A_81, %select_n3A_1969 : vector<16xf32>
          %select_n3A_1971 = arith.select %eq3A_1964, %exp3A_33, %select_n3A_1970 : vector<16xf32>
          %get3A_1972 = arith.index_cast %add3A_1905 : i32 to index
          %get3A_1973 = arith.constant 48 : index
          %get3A_1974 = tpu.vector_load %arg7[%get3A_1972, %get3A_1973] {strides = array<i32>} : memref<640x128xf32, #tpu.memory_space<vmem>>, vector<1x16xf32>,
          %get3A_1975 = vector.shape_cast %get3A_1974 : vector<1x16xf32> to vector<16xf32>
          %mul3A_1976 = arith.mulf %get3A_1975, %select_n3A_1971 : vector<16xf32>
          %swap3A_1977 = arith.index_cast %add3A_1905 : i32 to index
          %swap3A_1978 = arith.constant 48 : index
          %swap3A_1979 = tpu.vector_load %arg7[%swap3A_1977, %swap3A_1978] {strides = array<i32>} : memref<640x128xf32, #tpu.memory_space<vmem>>, vector<1x16xf32>,
          %swap3A_1980 = vector.shape_cast %swap3A_1979 : vector<1x16xf32> to vector<16xf32>
          %swap3A_1981 = vector.shape_cast %mul3A_1976 : vector<16xf32> to vector<1x16xf32>
          tpu.vector_store %arg7[%swap3A_1977, %swap3A_1978], %swap3A_1981 {strides = array<i32>} : memref<640x128xf32, #tpu.memory_space<vmem>>, vector<1x16xf32>,
          %eq3A_1982 = arith.constant 0 : i32
          %eq3A_1983 = arith.cmpi eq, %squeeze3A_1900, %eq3A_1982 : i32
          %eq3A_1984 = arith.constant 1 : i32
          %eq3A_1985 = arith.cmpi eq, %squeeze3A_1900, %eq3A_1984 : i32
          %eq3A_1986 = arith.constant 2 : i32
          %eq3A_1987 = arith.cmpi eq, %squeeze3A_1900, %eq3A_1986 : i32
          %select_n3A_1988 = arith.select %eq3A_1987, %exp3A_135, %exp3A_183 : vector<16xf32>
          %select_n3A_1989 = arith.select %eq3A_1985, %exp3A_87, %select_n3A_1988 : vector<16xf32>
          %select_n3A_1990 = arith.select %eq3A_1983, %exp3A_39, %select_n3A_1989 : vector<16xf32>
          %get3A_1991 = arith.index_cast %add3A_1905 : i32 to index
          %get3A_1992 = arith.constant 64 : index
          %get3A_1993 = tpu.vector_load %arg7[%get3A_1991, %get3A_1992] {strides = array<i32>} : memref<640x128xf32, #tpu.memory_space<vmem>>, vector<1x16xf32>,
          %get3A_1994 = vector.shape_cast %get3A_1993 : vector<1x16xf32> to vector<16xf32>
          %mul3A_1995 = arith.mulf %get3A_1994, %select_n3A_1990 : vector<16xf32>
          %swap3A_1996 = arith.index_cast %add3A_1905 : i32 to index
          %swap3A_1997 = arith.constant 64 : index
          %swap3A_1998 = tpu.vector_load %arg7[%swap3A_1996, %swap3A_1997] {strides = array<i32>} : memref<640x128xf32, #tpu.memory_space<vmem>>, vector<1x16xf32>,
          %swap3A_1999 = vector.shape_cast %swap3A_1998 : vector<1x16xf32> to vector<16xf32>
          %swap3A_2000 = vector.shape_cast %mul3A_1995 : vector<16xf32> to vector<1x16xf32>
          tpu.vector_store %arg7[%swap3A_1996, %swap3A_1997], %swap3A_2000 {strides = array<i32>} : memref<640x128xf32, #tpu.memory_space<vmem>>, vector<1x16xf32>,
          %eq3A_2001 = arith.constant 0 : i32
          %eq3A_2002 = arith.cmpi eq, %squeeze3A_1900, %eq3A_2001 : i32
          %eq3A_2003 = arith.constant 1 : i32
          %eq3A_2004 = arith.cmpi eq, %squeeze3A_1900, %eq3A_2003 : i32
          %eq3A_2005 = arith.constant 2 : i32
          %eq3A_2006 = arith.cmpi eq, %squeeze3A_1900, %eq3A_2005 : i32
          %select_n3A_2007 = arith.select %eq3A_2006, %exp3A_141, %exp3A_189 : vector<16xf32>
          %select_n3A_2008 = arith.select %eq3A_2004, %exp3A_93, %select_n3A_2007 : vector<16xf32>
          %select_n3A_2009 = arith.select %eq3A_2002, %exp3A_45, %select_n3A_2008 : vector<16xf32>
          %get3A_2010 = arith.index_cast %add3A_1905 : i32 to index
          %get3A_2011 = arith.constant 80 : index
          %get3A_2012 = tpu.vector_load %arg7[%get3A_2010, %get3A_2011] {strides = array<i32>} : memref<640x128xf32, #tpu.memory_space<vmem>>, vector<1x16xf32>,
          %get3A_2013 = vector.shape_cast %get3A_2012 : vector<1x16xf32> to vector<16xf32>
          %mul3A_2014 = arith.mulf %get3A_2013, %select_n3A_2009 : vector<16xf32>
          %swap3A_2015 = arith.index_cast %add3A_1905 : i32 to index
          %swap3A_2016 = arith.constant 80 : index
          %swap3A_2017 = tpu.vector_load %arg7[%swap3A_2015, %swap3A_2016] {strides = array<i32>} : memref<640x128xf32, #tpu.memory_space<vmem>>, vector<1x16xf32>,
          %swap3A_2018 = vector.shape_cast %swap3A_2017 : vector<1x16xf32> to vector<16xf32>
          %swap3A_2019 = vector.shape_cast %mul3A_2014 : vector<16xf32> to vector<1x16xf32>
          tpu.vector_store %arg7[%swap3A_2015, %swap3A_2016], %swap3A_2019 {strides = array<i32>} : memref<640x128xf32, #tpu.memory_space<vmem>>, vector<1x16xf32>,
          %eq3A_2020 = arith.constant 0 : i32
          %eq3A_2021 = arith.cmpi eq, %squeeze3A_1900, %eq3A_2020 : i32
          %eq3A_2022 = arith.constant 1 : i32
          %eq3A_2023 = arith.cmpi eq, %squeeze3A_1900, %eq3A_2022 : i32
          %eq3A_2024 = arith.constant 2 : i32
          %eq3A_2025 = arith.cmpi eq, %squeeze3A_1900, %eq3A_2024 : i32
          %select_n3A_2026 = arith.select %eq3A_2025, %exp3A_147, %exp3A_195 : vector<16xf32>
          %select_n3A_2027 = arith.select %eq3A_2023, %exp3A_99, %select_n3A_2026 : vector<16xf32>
          %select_n3A_2028 = arith.select %eq3A_2021, %exp3A_51, %select_n3A_2027 : vector<16xf32>
          %get3A_2029 = arith.index_cast %add3A_1905 : i32 to index
          %get3A_2030 = arith.constant 96 : index
          %get3A_2031 = tpu.vector_load %arg7[%get3A_2029, %get3A_2030] {strides = array<i32>} : memref<640x128xf32, #tpu.memory_space<vmem>>, vector<1x16xf32>,
          %get3A_2032 = vector.shape_cast %get3A_2031 : vector<1x16xf32> to vector<16xf32>
          %mul3A_2033 = arith.mulf %get3A_2032, %select_n3A_2028 : vector<16xf32>
          %swap3A_2034 = arith.index_cast %add3A_1905 : i32 to index
          %swap3A_2035 = arith.constant 96 : index
          %swap3A_2036 = tpu.vector_load %arg7[%swap3A_2034, %swap3A_2035] {strides = array<i32>} : memref<640x128xf32, #tpu.memory_space<vmem>>, vector<1x16xf32>,
          %swap3A_2037 = vector.shape_cast %swap3A_2036 : vector<1x16xf32> to vector<16xf32>
          %swap3A_2038 = vector.shape_cast %mul3A_2033 : vector<16xf32> to vector<1x16xf32>
          tpu.vector_store %arg7[%swap3A_2034, %swap3A_2035], %swap3A_2038 {strides = array<i32>} : memref<640x128xf32, #tpu.memory_space<vmem>>, vector<1x16xf32>,
          %eq3A_2039 = arith.constant 0 : i32
          %eq3A_2040 = arith.cmpi eq, %squeeze3A_1900, %eq3A_2039 : i32
          %eq3A_2041 = arith.constant 1 : i32
          %eq3A_2042 = arith.cmpi eq, %squeeze3A_1900, %eq3A_2041 : i32
          %eq3A_2043 = arith.constant 2 : i32
          %eq3A_2044 = arith.cmpi eq, %squeeze3A_1900, %eq3A_2043 : i32
          %select_n3A_2045 = arith.select %eq3A_2044, %exp3A_153, %exp3A_201 : vector<16xf32>
          %select_n3A_2046 = arith.select %eq3A_2042, %exp3A_105, %select_n3A_2045 : vector<16xf32>
          %select_n3A_2047 = arith.select %eq3A_2040, %exp3A_57, %select_n3A_2046 : vector<16xf32>
          %get3A_2048 = arith.index_cast %add3A_1905 : i32 to index
          %get3A_2049 = arith.constant 112 : index
          %get3A_2050 = tpu.vector_load %arg7[%get3A_2048, %get3A_2049] {strides = array<i32>} : memref<640x128xf32, #tpu.memory_space<vmem>>, vector<1x16xf32>,
          %get3A_2051 = vector.shape_cast %get3A_2050 : vector<1x16xf32> to vector<16xf32>
          %mul3A_2052 = arith.mulf %get3A_2051, %select_n3A_2047 : vector<16xf32>
          %swap3A_2053 = arith.index_cast %add3A_1905 : i32 to index
          %swap3A_2054 = arith.constant 112 : index
          %swap3A_2055 = tpu.vector_load %arg7[%swap3A_2053, %swap3A_2054] {strides = array<i32>} : memref<640x128xf32, #tpu.memory_space<vmem>>, vector<1x16xf32>,
          %swap3A_2056 = vector.shape_cast %swap3A_2055 : vector<1x16xf32> to vector<16xf32>
          %swap3A_2057 = vector.shape_cast %mul3A_2052 : vector<16xf32> to vector<1x16xf32>
          tpu.vector_store %arg7[%swap3A_2053, %swap3A_2054], %swap3A_2057 {strides = array<i32>} : memref<640x128xf32, #tpu.memory_space<vmem>>, vector<1x16xf32>,
          %slice3A_2058 = vector.extract_strided_slice %get3A_313 {offsets = [11], sizes = [1], strides = [1]} : vector<16xi32> to vector<1xi32>
          %squeeze3A_2059 = vector.extract %slice3A_2058[0] : i32 from vector<1xi32>
          %mul3A_2060 = arith.constant 16 : i32
          %mul3A_2061 = arith.muli %scan3A_306, %mul3A_2060 : i32
          %add3A_2062 = arith.addi %mul3A_282, %mul3A_2061 : i32
          %add3A_2063 = arith.constant 11 : i32
          %add3A_2064 = arith.addi %add3A_2062, %add3A_2063 : i32
          %eq3A_2065 = arith.constant 0 : i32
          %eq3A_2066 = arith.cmpi eq, %squeeze3A_2059, %eq3A_2065 : i32
          %eq3A_2067 = arith.constant 1 : i32
          %eq3A_2068 = arith.cmpi eq, %squeeze3A_2059, %eq3A_2067 : i32
          %eq3A_2069 = arith.constant 2 : i32
          %eq3A_2070 = arith.cmpi eq, %squeeze3A_2059, %eq3A_2069 : i32
          %select_n3A_2071 = arith.select %eq3A_2070, %exp3A_111, %exp3A_159 : vector<16xf32>
          %select_n3A_2072 = arith.select %eq3A_2068, %exp3A_63, %select_n3A_2071 : vector<16xf32>
          %select_n3A_2073 = arith.select %eq3A_2066, %exp3A, %select_n3A_2072 : vector<16xf32>
          %get3A_2074 = arith.index_cast %add3A_2064 : i32 to index
          %get3A_2075 = arith.constant 0 : index
          %get3A_2076 = tpu.vector_load %arg7[%get3A_2074, %get3A_2075] {strides = array<i32>} : memref<640x128xf32, #tpu.memory_space<vmem>>, vector<1x16xf32>,
          %get3A_2077 = vector.shape_cast %get3A_2076 : vector<1x16xf32> to vector<16xf32>
          %mul3A_2078 = arith.mulf %get3A_2077, %select_n3A_2073 : vector<16xf32>
          %swap3A_2079 = arith.index_cast %add3A_2064 : i32 to index
          %swap3A_2080 = arith.constant 0 : index
          %swap3A_2081 = tpu.vector_load %arg7[%swap3A_2079, %swap3A_2080] {strides = array<i32>} : memref<640x128xf32, #tpu.memory_space<vmem>>, vector<1x16xf32>,
          %swap3A_2082 = vector.shape_cast %swap3A_2081 : vector<1x16xf32> to vector<16xf32>
          %swap3A_2083 = vector.shape_cast %mul3A_2078 : vector<16xf32> to vector<1x16xf32>
          tpu.vector_store %arg7[%swap3A_2079, %swap3A_2080], %swap3A_2083 {strides = array<i32>} : memref<640x128xf32, #tpu.memory_space<vmem>>, vector<1x16xf32>,
          %eq3A_2084 = arith.constant 0 : i32
          %eq3A_2085 = arith.cmpi eq, %squeeze3A_2059, %eq3A_2084 : i32
          %eq3A_2086 = arith.constant 1 : i32
          %eq3A_2087 = arith.cmpi eq, %squeeze3A_2059, %eq3A_2086 : i32
          %eq3A_2088 = arith.constant 2 : i32
          %eq3A_2089 = arith.cmpi eq, %squeeze3A_2059, %eq3A_2088 : i32
          %select_n3A_2090 = arith.select %eq3A_2089, %exp3A_117, %exp3A_165 : vector<16xf32>
          %select_n3A_2091 = arith.select %eq3A_2087, %exp3A_69, %select_n3A_2090 : vector<16xf32>
          %select_n3A_2092 = arith.select %eq3A_2085, %exp3A_21, %select_n3A_2091 : vector<16xf32>
          %get3A_2093 = arith.index_cast %add3A_2064 : i32 to index
          %get3A_2094 = arith.constant 16 : index
          %get3A_2095 = tpu.vector_load %arg7[%get3A_2093, %get3A_2094] {strides = array<i32>} : memref<640x128xf32, #tpu.memory_space<vmem>>, vector<1x16xf32>,
          %get3A_2096 = vector.shape_cast %get3A_2095 : vector<1x16xf32> to vector<16xf32>
          %mul3A_2097 = arith.mulf %get3A_2096, %select_n3A_2092 : vector<16xf32>
          %swap3A_2098 = arith.index_cast %add3A_2064 : i32 to index
          %swap3A_2099 = arith.constant 16 : index
          %swap3A_2100 = tpu.vector_load %arg7[%swap3A_2098, %swap3A_2099] {strides = array<i32>} : memref<640x128xf32, #tpu.memory_space<vmem>>, vector<1x16xf32>,
          %swap3A_2101 = vector.shape_cast %swap3A_2100 : vector<1x16xf32> to vector<16xf32>
          %swap3A_2102 = vector.shape_cast %mul3A_2097 : vector<16xf32> to vector<1x16xf32>
          tpu.vector_store %arg7[%swap3A_2098, %swap3A_2099], %swap3A_2102 {strides = array<i32>} : memref<640x128xf32, #tpu.memory_space<vmem>>, vector<1x16xf32>,
          %eq3A_2103 = arith.constant 0 : i32
          %eq3A_2104 = arith.cmpi eq, %squeeze3A_2059, %eq3A_2103 : i32
          %eq3A_2105 = arith.constant 1 : i32
          %eq3A_2106 = arith.cmpi eq, %squeeze3A_2059, %eq3A_2105 : i32
          %eq3A_2107 = arith.constant 2 : i32
          %eq3A_2108 = arith.cmpi eq, %squeeze3A_2059, %eq3A_2107 : i32
          %select_n3A_2109 = arith.select %eq3A_2108, %exp3A_123, %exp3A_171 : vector<16xf32>
          %select_n3A_2110 = arith.select %eq3A_2106, %exp3A_75, %select_n3A_2109 : vector<16xf32>
          %select_n3A_2111 = arith.select %eq3A_2104, %exp3A_27, %select_n3A_2110 : vector<16xf32>
          %get3A_2112 = arith.index_cast %add3A_2064 : i32 to index
          %get3A_2113 = arith.constant 32 : index
          %get3A_2114 = tpu.vector_load %arg7[%get3A_2112, %get3A_2113] {strides = array<i32>} : memref<640x128xf32, #tpu.memory_space<vmem>>, vector<1x16xf32>,
          %get3A_2115 = vector.shape_cast %get3A_2114 : vector<1x16xf32> to vector<16xf32>
          %mul3A_2116 = arith.mulf %get3A_2115, %select_n3A_2111 : vector<16xf32>
          %swap3A_2117 = arith.index_cast %add3A_2064 : i32 to index
          %swap3A_2118 = arith.constant 32 : index
          %swap3A_2119 = tpu.vector_load %arg7[%swap3A_2117, %swap3A_2118] {strides = array<i32>} : memref<640x128xf32, #tpu.memory_space<vmem>>, vector<1x16xf32>,
          %swap3A_2120 = vector.shape_cast %swap3A_2119 : vector<1x16xf32> to vector<16xf32>
          %swap3A_2121 = vector.shape_cast %mul3A_2116 : vector<16xf32> to vector<1x16xf32>
          tpu.vector_store %arg7[%swap3A_2117, %swap3A_2118], %swap3A_2121 {strides = array<i32>} : memref<640x128xf32, #tpu.memory_space<vmem>>, vector<1x16xf32>,
          %eq3A_2122 = arith.constant 0 : i32
          %eq3A_2123 = arith.cmpi eq, %squeeze3A_2059, %eq3A_2122 : i32
          %eq3A_2124 = arith.constant 1 : i32
          %eq3A_2125 = arith.cmpi eq, %squeeze3A_2059, %eq3A_2124 : i32
          %eq3A_2126 = arith.constant 2 : i32
          %eq3A_2127 = arith.cmpi eq, %squeeze3A_2059, %eq3A_2126 : i32
          %select_n3A_2128 = arith.select %eq3A_2127, %exp3A_129, %exp3A_177 : vector<16xf32>
          %select_n3A_2129 = arith.select %eq3A_2125, %exp3A_81, %select_n3A_2128 : vector<16xf32>
          %select_n3A_2130 = arith.select %eq3A_2123, %exp3A_33, %select_n3A_2129 : vector<16xf32>
          %get3A_2131 = arith.index_cast %add3A_2064 : i32 to index
          %get3A_2132 = arith.constant 48 : index
          %get3A_2133 = tpu.vector_load %arg7[%get3A_2131, %get3A_2132] {strides = array<i32>} : memref<640x128xf32, #tpu.memory_space<vmem>>, vector<1x16xf32>,
          %get3A_2134 = vector.shape_cast %get3A_2133 : vector<1x16xf32> to vector<16xf32>
          %mul3A_2135 = arith.mulf %get3A_2134, %select_n3A_2130 : vector<16xf32>
          %swap3A_2136 = arith.index_cast %add3A_2064 : i32 to index
          %swap3A_2137 = arith.constant 48 : index
          %swap3A_2138 = tpu.vector_load %arg7[%swap3A_2136, %swap3A_2137] {strides = array<i32>} : memref<640x128xf32, #tpu.memory_space<vmem>>, vector<1x16xf32>,
          %swap3A_2139 = vector.shape_cast %swap3A_2138 : vector<1x16xf32> to vector<16xf32>
          %swap3A_2140 = vector.shape_cast %mul3A_2135 : vector<16xf32> to vector<1x16xf32>
          tpu.vector_store %arg7[%swap3A_2136, %swap3A_2137], %swap3A_2140 {strides = array<i32>} : memref<640x128xf32, #tpu.memory_space<vmem>>, vector<1x16xf32>,
          %eq3A_2141 = arith.constant 0 : i32
          %eq3A_2142 = arith.cmpi eq, %squeeze3A_2059, %eq3A_2141 : i32
          %eq3A_2143 = arith.constant 1 : i32
          %eq3A_2144 = arith.cmpi eq, %squeeze3A_2059, %eq3A_2143 : i32
          %eq3A_2145 = arith.constant 2 : i32
          %eq3A_2146 = arith.cmpi eq, %squeeze3A_2059, %eq3A_2145 : i32
          %select_n3A_2147 = arith.select %eq3A_2146, %exp3A_135, %exp3A_183 : vector<16xf32>
          %select_n3A_2148 = arith.select %eq3A_2144, %exp3A_87, %select_n3A_2147 : vector<16xf32>
          %select_n3A_2149 = arith.select %eq3A_2142, %exp3A_39, %select_n3A_2148 : vector<16xf32>
          %get3A_2150 = arith.index_cast %add3A_2064 : i32 to index
          %get3A_2151 = arith.constant 64 : index
          %get3A_2152 = tpu.vector_load %arg7[%get3A_2150, %get3A_2151] {strides = array<i32>} : memref<640x128xf32, #tpu.memory_space<vmem>>, vector<1x16xf32>,
          %get3A_2153 = vector.shape_cast %get3A_2152 : vector<1x16xf32> to vector<16xf32>
          %mul3A_2154 = arith.mulf %get3A_2153, %select_n3A_2149 : vector<16xf32>
          %swap3A_2155 = arith.index_cast %add3A_2064 : i32 to index
          %swap3A_2156 = arith.constant 64 : index
          %swap3A_2157 = tpu.vector_load %arg7[%swap3A_2155, %swap3A_2156] {strides = array<i32>} : memref<640x128xf32, #tpu.memory_space<vmem>>, vector<1x16xf32>,
          %swap3A_2158 = vector.shape_cast %swap3A_2157 : vector<1x16xf32> to vector<16xf32>
          %swap3A_2159 = vector.shape_cast %mul3A_2154 : vector<16xf32> to vector<1x16xf32>
          tpu.vector_store %arg7[%swap3A_2155, %swap3A_2156], %swap3A_2159 {strides = array<i32>} : memref<640x128xf32, #tpu.memory_space<vmem>>, vector<1x16xf32>,
          %eq3A_2160 = arith.constant 0 : i32
          %eq3A_2161 = arith.cmpi eq, %squeeze3A_2059, %eq3A_2160 : i32
          %eq3A_2162 = arith.constant 1 : i32
          %eq3A_2163 = arith.cmpi eq, %squeeze3A_2059, %eq3A_2162 : i32
          %eq3A_2164 = arith.constant 2 : i32
          %eq3A_2165 = arith.cmpi eq, %squeeze3A_2059, %eq3A_2164 : i32
          %select_n3A_2166 = arith.select %eq3A_2165, %exp3A_141, %exp3A_189 : vector<16xf32>
          %select_n3A_2167 = arith.select %eq3A_2163, %exp3A_93, %select_n3A_2166 : vector<16xf32>
          %select_n3A_2168 = arith.select %eq3A_2161, %exp3A_45, %select_n3A_2167 : vector<16xf32>
          %get3A_2169 = arith.index_cast %add3A_2064 : i32 to index
          %get3A_2170 = arith.constant 80 : index
          %get3A_2171 = tpu.vector_load %arg7[%get3A_2169, %get3A_2170] {strides = array<i32>} : memref<640x128xf32, #tpu.memory_space<vmem>>, vector<1x16xf32>,
          %get3A_2172 = vector.shape_cast %get3A_2171 : vector<1x16xf32> to vector<16xf32>
          %mul3A_2173 = arith.mulf %get3A_2172, %select_n3A_2168 : vector<16xf32>
          %swap3A_2174 = arith.index_cast %add3A_2064 : i32 to index
          %swap3A_2175 = arith.constant 80 : index
          %swap3A_2176 = tpu.vector_load %arg7[%swap3A_2174, %swap3A_2175] {strides = array<i32>} : memref<640x128xf32, #tpu.memory_space<vmem>>, vector<1x16xf32>,
          %swap3A_2177 = vector.shape_cast %swap3A_2176 : vector<1x16xf32> to vector<16xf32>
          %swap3A_2178 = vector.shape_cast %mul3A_2173 : vector<16xf32> to vector<1x16xf32>
          tpu.vector_store %arg7[%swap3A_2174, %swap3A_2175], %swap3A_2178 {strides = array<i32>} : memref<640x128xf32, #tpu.memory_space<vmem>>, vector<1x16xf32>,
          %eq3A_2179 = arith.constant 0 : i32
          %eq3A_2180 = arith.cmpi eq, %squeeze3A_2059, %eq3A_2179 : i32
          %eq3A_2181 = arith.constant 1 : i32
          %eq3A_2182 = arith.cmpi eq, %squeeze3A_2059, %eq3A_2181 : i32
          %eq3A_2183 = arith.constant 2 : i32
          %eq3A_2184 = arith.cmpi eq, %squeeze3A_2059, %eq3A_2183 : i32
          %select_n3A_2185 = arith.select %eq3A_2184, %exp3A_147, %exp3A_195 : vector<16xf32>
          %select_n3A_2186 = arith.select %eq3A_2182, %exp3A_99, %select_n3A_2185 : vector<16xf32>
          %select_n3A_2187 = arith.select %eq3A_2180, %exp3A_51, %select_n3A_2186 : vector<16xf32>
          %get3A_2188 = arith.index_cast %add3A_2064 : i32 to index
          %get3A_2189 = arith.constant 96 : index
          %get3A_2190 = tpu.vector_load %arg7[%get3A_2188, %get3A_2189] {strides = array<i32>} : memref<640x128xf32, #tpu.memory_space<vmem>>, vector<1x16xf32>,
          %get3A_2191 = vector.shape_cast %get3A_2190 : vector<1x16xf32> to vector<16xf32>
          %mul3A_2192 = arith.mulf %get3A_2191, %select_n3A_2187 : vector<16xf32>
          %swap3A_2193 = arith.index_cast %add3A_2064 : i32 to index
          %swap3A_2194 = arith.constant 96 : index
          %swap3A_2195 = tpu.vector_load %arg7[%swap3A_2193, %swap3A_2194] {strides = array<i32>} : memref<640x128xf32, #tpu.memory_space<vmem>>, vector<1x16xf32>,
          %swap3A_2196 = vector.shape_cast %swap3A_2195 : vector<1x16xf32> to vector<16xf32>
          %swap3A_2197 = vector.shape_cast %mul3A_2192 : vector<16xf32> to vector<1x16xf32>
          tpu.vector_store %arg7[%swap3A_2193, %swap3A_2194], %swap3A_2197 {strides = array<i32>} : memref<640x128xf32, #tpu.memory_space<vmem>>, vector<1x16xf32>,
          %eq3A_2198 = arith.constant 0 : i32
          %eq3A_2199 = arith.cmpi eq, %squeeze3A_2059, %eq3A_2198 : i32
          %eq3A_2200 = arith.constant 1 : i32
          %eq3A_2201 = arith.cmpi eq, %squeeze3A_2059, %eq3A_2200 : i32
          %eq3A_2202 = arith.constant 2 : i32
          %eq3A_2203 = arith.cmpi eq, %squeeze3A_2059, %eq3A_2202 : i32
          %select_n3A_2204 = arith.select %eq3A_2203, %exp3A_153, %exp3A_201 : vector<16xf32>
          %select_n3A_2205 = arith.select %eq3A_2201, %exp3A_105, %select_n3A_2204 : vector<16xf32>
          %select_n3A_2206 = arith.select %eq3A_2199, %exp3A_57, %select_n3A_2205 : vector<16xf32>
          %get3A_2207 = arith.index_cast %add3A_2064 : i32 to index
          %get3A_2208 = arith.constant 112 : index
          %get3A_2209 = tpu.vector_load %arg7[%get3A_2207, %get3A_2208] {strides = array<i32>} : memref<640x128xf32, #tpu.memory_space<vmem>>, vector<1x16xf32>,
          %get3A_2210 = vector.shape_cast %get3A_2209 : vector<1x16xf32> to vector<16xf32>
          %mul3A_2211 = arith.mulf %get3A_2210, %select_n3A_2206 : vector<16xf32>
          %swap3A_2212 = arith.index_cast %add3A_2064 : i32 to index
          %swap3A_2213 = arith.constant 112 : index
          %swap3A_2214 = tpu.vector_load %arg7[%swap3A_2212, %swap3A_2213] {strides = array<i32>} : memref<640x128xf32, #tpu.memory_space<vmem>>, vector<1x16xf32>,
          %swap3A_2215 = vector.shape_cast %swap3A_2214 : vector<1x16xf32> to vector<16xf32>
          %swap3A_2216 = vector.shape_cast %mul3A_2211 : vector<16xf32> to vector<1x16xf32>
          tpu.vector_store %arg7[%swap3A_2212, %swap3A_2213], %swap3A_2216 {strides = array<i32>} : memref<640x128xf32, #tpu.memory_space<vmem>>, vector<1x16xf32>,
          %slice3A_2217 = vector.extract_strided_slice %get3A_313 {offsets = [12], sizes = [1], strides = [1]} : vector<16xi32> to vector<1xi32>
          %squeeze3A_2218 = vector.extract %slice3A_2217[0] : i32 from vector<1xi32>
          %mul3A_2219 = arith.constant 16 : i32
          %mul3A_2220 = arith.muli %scan3A_306, %mul3A_2219 : i32
          %add3A_2221 = arith.addi %mul3A_282, %mul3A_2220 : i32
          %add3A_2222 = arith.constant 12 : i32
          %add3A_2223 = arith.addi %add3A_2221, %add3A_2222 : i32
          %eq3A_2224 = arith.constant 0 : i32
          %eq3A_2225 = arith.cmpi eq, %squeeze3A_2218, %eq3A_2224 : i32
          %eq3A_2226 = arith.constant 1 : i32
          %eq3A_2227 = arith.cmpi eq, %squeeze3A_2218, %eq3A_2226 : i32
          %eq3A_2228 = arith.constant 2 : i32
          %eq3A_2229 = arith.cmpi eq, %squeeze3A_2218, %eq3A_2228 : i32
          %select_n3A_2230 = arith.select %eq3A_2229, %exp3A_111, %exp3A_159 : vector<16xf32>
          %select_n3A_2231 = arith.select %eq3A_2227, %exp3A_63, %select_n3A_2230 : vector<16xf32>
          %select_n3A_2232 = arith.select %eq3A_2225, %exp3A, %select_n3A_2231 : vector<16xf32>
          %get3A_2233 = arith.index_cast %add3A_2223 : i32 to index
          %get3A_2234 = arith.constant 0 : index
          %get3A_2235 = tpu.vector_load %arg7[%get3A_2233, %get3A_2234] {strides = array<i32>} : memref<640x128xf32, #tpu.memory_space<vmem>>, vector<1x16xf32>,
          %get3A_2236 = vector.shape_cast %get3A_2235 : vector<1x16xf32> to vector<16xf32>
          %mul3A_2237 = arith.mulf %get3A_2236, %select_n3A_2232 : vector<16xf32>
          %swap3A_2238 = arith.index_cast %add3A_2223 : i32 to index
          %swap3A_2239 = arith.constant 0 : index
          %swap3A_2240 = tpu.vector_load %arg7[%swap3A_2238, %swap3A_2239] {strides = array<i32>} : memref<640x128xf32, #tpu.memory_space<vmem>>, vector<1x16xf32>,
          %swap3A_2241 = vector.shape_cast %swap3A_2240 : vector<1x16xf32> to vector<16xf32>
          %swap3A_2242 = vector.shape_cast %mul3A_2237 : vector<16xf32> to vector<1x16xf32>
          tpu.vector_store %arg7[%swap3A_2238, %swap3A_2239], %swap3A_2242 {strides = array<i32>} : memref<640x128xf32, #tpu.memory_space<vmem>>, vector<1x16xf32>,
          %eq3A_2243 = arith.constant 0 : i32
          %eq3A_2244 = arith.cmpi eq, %squeeze3A_2218, %eq3A_2243 : i32
          %eq3A_2245 = arith.constant 1 : i32
          %eq3A_2246 = arith.cmpi eq, %squeeze3A_2218, %eq3A_2245 : i32
          %eq3A_2247 = arith.constant 2 : i32
          %eq3A_2248 = arith.cmpi eq, %squeeze3A_2218, %eq3A_2247 : i32
          %select_n3A_2249 = arith.select %eq3A_2248, %exp3A_117, %exp3A_165 : vector<16xf32>
          %select_n3A_2250 = arith.select %eq3A_2246, %exp3A_69, %select_n3A_2249 : vector<16xf32>
          %select_n3A_2251 = arith.select %eq3A_2244, %exp3A_21, %select_n3A_2250 : vector<16xf32>
          %get3A_2252 = arith.index_cast %add3A_2223 : i32 to index
          %get3A_2253 = arith.constant 16 : index
          %get3A_2254 = tpu.vector_load %arg7[%get3A_2252, %get3A_2253] {strides = array<i32>} : memref<640x128xf32, #tpu.memory_space<vmem>>, vector<1x16xf32>,
          %get3A_2255 = vector.shape_cast %get3A_2254 : vector<1x16xf32> to vector<16xf32>
          %mul3A_2256 = arith.mulf %get3A_2255, %select_n3A_2251 : vector<16xf32>
          %swap3A_2257 = arith.index_cast %add3A_2223 : i32 to index
          %swap3A_2258 = arith.constant 16 : index
          %swap3A_2259 = tpu.vector_load %arg7[%swap3A_2257, %swap3A_2258] {strides = array<i32>} : memref<640x128xf32, #tpu.memory_space<vmem>>, vector<1x16xf32>,
          %swap3A_2260 = vector.shape_cast %swap3A_2259 : vector<1x16xf32> to vector<16xf32>
          %swap3A_2261 = vector.shape_cast %mul3A_2256 : vector<16xf32> to vector<1x16xf32>
          tpu.vector_store %arg7[%swap3A_2257, %swap3A_2258], %swap3A_2261 {strides = array<i32>} : memref<640x128xf32, #tpu.memory_space<vmem>>, vector<1x16xf32>,
          %eq3A_2262 = arith.constant 0 : i32
          %eq3A_2263 = arith.cmpi eq, %squeeze3A_2218, %eq3A_2262 : i32
          %eq3A_2264 = arith.constant 1 : i32
          %eq3A_2265 = arith.cmpi eq, %squeeze3A_2218, %eq3A_2264 : i32
          %eq3A_2266 = arith.constant 2 : i32
          %eq3A_2267 = arith.cmpi eq, %squeeze3A_2218, %eq3A_2266 : i32
          %select_n3A_2268 = arith.select %eq3A_2267, %exp3A_123, %exp3A_171 : vector<16xf32>
          %select_n3A_2269 = arith.select %eq3A_2265, %exp3A_75, %select_n3A_2268 : vector<16xf32>
          %select_n3A_2270 = arith.select %eq3A_2263, %exp3A_27, %select_n3A_2269 : vector<16xf32>
          %get3A_2271 = arith.index_cast %add3A_2223 : i32 to index
          %get3A_2272 = arith.constant 32 : index
          %get3A_2273 = tpu.vector_load %arg7[%get3A_2271, %get3A_2272] {strides = array<i32>} : memref<640x128xf32, #tpu.memory_space<vmem>>, vector<1x16xf32>,
          %get3A_2274 = vector.shape_cast %get3A_2273 : vector<1x16xf32> to vector<16xf32>
          %mul3A_2275 = arith.mulf %get3A_2274, %select_n3A_2270 : vector<16xf32>
          %swap3A_2276 = arith.index_cast %add3A_2223 : i32 to index
          %swap3A_2277 = arith.constant 32 : index
          %swap3A_2278 = tpu.vector_load %arg7[%swap3A_2276, %swap3A_2277] {strides = array<i32>} : memref<640x128xf32, #tpu.memory_space<vmem>>, vector<1x16xf32>,
          %swap3A_2279 = vector.shape_cast %swap3A_2278 : vector<1x16xf32> to vector<16xf32>
          %swap3A_2280 = vector.shape_cast %mul3A_2275 : vector<16xf32> to vector<1x16xf32>
          tpu.vector_store %arg7[%swap3A_2276, %swap3A_2277], %swap3A_2280 {strides = array<i32>} : memref<640x128xf32, #tpu.memory_space<vmem>>, vector<1x16xf32>,
          %eq3A_2281 = arith.constant 0 : i32
          %eq3A_2282 = arith.cmpi eq, %squeeze3A_2218, %eq3A_2281 : i32
          %eq3A_2283 = arith.constant 1 : i32
          %eq3A_2284 = arith.cmpi eq, %squeeze3A_2218, %eq3A_2283 : i32
          %eq3A_2285 = arith.constant 2 : i32
          %eq3A_2286 = arith.cmpi eq, %squeeze3A_2218, %eq3A_2285 : i32
          %select_n3A_2287 = arith.select %eq3A_2286, %exp3A_129, %exp3A_177 : vector<16xf32>
          %select_n3A_2288 = arith.select %eq3A_2284, %exp3A_81, %select_n3A_2287 : vector<16xf32>
          %select_n3A_2289 = arith.select %eq3A_2282, %exp3A_33, %select_n3A_2288 : vector<16xf32>
          %get3A_2290 = arith.index_cast %add3A_2223 : i32 to index
          %get3A_2291 = arith.constant 48 : index
          %get3A_2292 = tpu.vector_load %arg7[%get3A_2290, %get3A_2291] {strides = array<i32>} : memref<640x128xf32, #tpu.memory_space<vmem>>, vector<1x16xf32>,
          %get3A_2293 = vector.shape_cast %get3A_2292 : vector<1x16xf32> to vector<16xf32>
          %mul3A_2294 = arith.mulf %get3A_2293, %select_n3A_2289 : vector<16xf32>
          %swap3A_2295 = arith.index_cast %add3A_2223 : i32 to index
          %swap3A_2296 = arith.constant 48 : index
          %swap3A_2297 = tpu.vector_load %arg7[%swap3A_2295, %swap3A_2296] {strides = array<i32>} : memref<640x128xf32, #tpu.memory_space<vmem>>, vector<1x16xf32>,
          %swap3A_2298 = vector.shape_cast %swap3A_2297 : vector<1x16xf32> to vector<16xf32>
          %swap3A_2299 = vector.shape_cast %mul3A_2294 : vector<16xf32> to vector<1x16xf32>
          tpu.vector_store %arg7[%swap3A_2295, %swap3A_2296], %swap3A_2299 {strides = array<i32>} : memref<640x128xf32, #tpu.memory_space<vmem>>, vector<1x16xf32>,
          %eq3A_2300 = arith.constant 0 : i32
          %eq3A_2301 = arith.cmpi eq, %squeeze3A_2218, %eq3A_2300 : i32
          %eq3A_2302 = arith.constant 1 : i32
          %eq3A_2303 = arith.cmpi eq, %squeeze3A_2218, %eq3A_2302 : i32
          %eq3A_2304 = arith.constant 2 : i32
          %eq3A_2305 = arith.cmpi eq, %squeeze3A_2218, %eq3A_2304 : i32
          %select_n3A_2306 = arith.select %eq3A_2305, %exp3A_135, %exp3A_183 : vector<16xf32>
          %select_n3A_2307 = arith.select %eq3A_2303, %exp3A_87, %select_n3A_2306 : vector<16xf32>
          %select_n3A_2308 = arith.select %eq3A_2301, %exp3A_39, %select_n3A_2307 : vector<16xf32>
          %get3A_2309 = arith.index_cast %add3A_2223 : i32 to index
          %get3A_2310 = arith.constant 64 : index
          %get3A_2311 = tpu.vector_load %arg7[%get3A_2309, %get3A_2310] {strides = array<i32>} : memref<640x128xf32, #tpu.memory_space<vmem>>, vector<1x16xf32>,
          %get3A_2312 = vector.shape_cast %get3A_2311 : vector<1x16xf32> to vector<16xf32>
          %mul3A_2313 = arith.mulf %get3A_2312, %select_n3A_2308 : vector<16xf32>
          %swap3A_2314 = arith.index_cast %add3A_2223 : i32 to index
          %swap3A_2315 = arith.constant 64 : index
          %swap3A_2316 = tpu.vector_load %arg7[%swap3A_2314, %swap3A_2315] {strides = array<i32>} : memref<640x128xf32, #tpu.memory_space<vmem>>, vector<1x16xf32>,
          %swap3A_2317 = vector.shape_cast %swap3A_2316 : vector<1x16xf32> to vector<16xf32>
          %swap3A_2318 = vector.shape_cast %mul3A_2313 : vector<16xf32> to vector<1x16xf32>
          tpu.vector_store %arg7[%swap3A_2314, %swap3A_2315], %swap3A_2318 {strides = array<i32>} : memref<640x128xf32, #tpu.memory_space<vmem>>, vector<1x16xf32>,
          %eq3A_2319 = arith.constant 0 : i32
          %eq3A_2320 = arith.cmpi eq, %squeeze3A_2218, %eq3A_2319 : i32
          %eq3A_2321 = arith.constant 1 : i32
          %eq3A_2322 = arith.cmpi eq, %squeeze3A_2218, %eq3A_2321 : i32
          %eq3A_2323 = arith.constant 2 : i32
          %eq3A_2324 = arith.cmpi eq, %squeeze3A_2218, %eq3A_2323 : i32
          %select_n3A_2325 = arith.select %eq3A_2324, %exp3A_141, %exp3A_189 : vector<16xf32>
          %select_n3A_2326 = arith.select %eq3A_2322, %exp3A_93, %select_n3A_2325 : vector<16xf32>
          %select_n3A_2327 = arith.select %eq3A_2320, %exp3A_45, %select_n3A_2326 : vector<16xf32>
          %get3A_2328 = arith.index_cast %add3A_2223 : i32 to index
          %get3A_2329 = arith.constant 80 : index
          %get3A_2330 = tpu.vector_load %arg7[%get3A_2328, %get3A_2329] {strides = array<i32>} : memref<640x128xf32, #tpu.memory_space<vmem>>, vector<1x16xf32>,
          %get3A_2331 = vector.shape_cast %get3A_2330 : vector<1x16xf32> to vector<16xf32>
          %mul3A_2332 = arith.mulf %get3A_2331, %select_n3A_2327 : vector<16xf32>
          %swap3A_2333 = arith.index_cast %add3A_2223 : i32 to index
          %swap3A_2334 = arith.constant 80 : index
          %swap3A_2335 = tpu.vector_load %arg7[%swap3A_2333, %swap3A_2334] {strides = array<i32>} : memref<640x128xf32, #tpu.memory_space<vmem>>, vector<1x16xf32>,
          %swap3A_2336 = vector.shape_cast %swap3A_2335 : vector<1x16xf32> to vector<16xf32>
          %swap3A_2337 = vector.shape_cast %mul3A_2332 : vector<16xf32> to vector<1x16xf32>
          tpu.vector_store %arg7[%swap3A_2333, %swap3A_2334], %swap3A_2337 {strides = array<i32>} : memref<640x128xf32, #tpu.memory_space<vmem>>, vector<1x16xf32>,
          %eq3A_2338 = arith.constant 0 : i32
          %eq3A_2339 = arith.cmpi eq, %squeeze3A_2218, %eq3A_2338 : i32
          %eq3A_2340 = arith.constant 1 : i32
          %eq3A_2341 = arith.cmpi eq, %squeeze3A_2218, %eq3A_2340 : i32
          %eq3A_2342 = arith.constant 2 : i32
          %eq3A_2343 = arith.cmpi eq, %squeeze3A_2218, %eq3A_2342 : i32
          %select_n3A_2344 = arith.select %eq3A_2343, %exp3A_147, %exp3A_195 : vector<16xf32>
          %select_n3A_2345 = arith.select %eq3A_2341, %exp3A_99, %select_n3A_2344 : vector<16xf32>
          %select_n3A_2346 = arith.select %eq3A_2339, %exp3A_51, %select_n3A_2345 : vector<16xf32>
          %get3A_2347 = arith.index_cast %add3A_2223 : i32 to index
          %get3A_2348 = arith.constant 96 : index
          %get3A_2349 = tpu.vector_load %arg7[%get3A_2347, %get3A_2348] {strides = array<i32>} : memref<640x128xf32, #tpu.memory_space<vmem>>, vector<1x16xf32>,
          %get3A_2350 = vector.shape_cast %get3A_2349 : vector<1x16xf32> to vector<16xf32>
          %mul3A_2351 = arith.mulf %get3A_2350, %select_n3A_2346 : vector<16xf32>
          %swap3A_2352 = arith.index_cast %add3A_2223 : i32 to index
          %swap3A_2353 = arith.constant 96 : index
          %swap3A_2354 = tpu.vector_load %arg7[%swap3A_2352, %swap3A_2353] {strides = array<i32>} : memref<640x128xf32, #tpu.memory_space<vmem>>, vector<1x16xf32>,
          %swap3A_2355 = vector.shape_cast %swap3A_2354 : vector<1x16xf32> to vector<16xf32>
          %swap3A_2356 = vector.shape_cast %mul3A_2351 : vector<16xf32> to vector<1x16xf32>
          tpu.vector_store %arg7[%swap3A_2352, %swap3A_2353], %swap3A_2356 {strides = array<i32>} : memref<640x128xf32, #tpu.memory_space<vmem>>, vector<1x16xf32>,
          %eq3A_2357 = arith.constant 0 : i32
          %eq3A_2358 = arith.cmpi eq, %squeeze3A_2218, %eq3A_2357 : i32
          %eq3A_2359 = arith.constant 1 : i32
          %eq3A_2360 = arith.cmpi eq, %squeeze3A_2218, %eq3A_2359 : i32
          %eq3A_2361 = arith.constant 2 : i32
          %eq3A_2362 = arith.cmpi eq, %squeeze3A_2218, %eq3A_2361 : i32
          %select_n3A_2363 = arith.select %eq3A_2362, %exp3A_153, %exp3A_201 : vector<16xf32>
          %select_n3A_2364 = arith.select %eq3A_2360, %exp3A_105, %select_n3A_2363 : vector<16xf32>
          %select_n3A_2365 = arith.select %eq3A_2358, %exp3A_57, %select_n3A_2364 : vector<16xf32>
          %get3A_2366 = arith.index_cast %add3A_2223 : i32 to index
          %get3A_2367 = arith.constant 112 : index
          %get3A_2368 = tpu.vector_load %arg7[%get3A_2366, %get3A_2367] {strides = array<i32>} : memref<640x128xf32, #tpu.memory_space<vmem>>, vector<1x16xf32>,
          %get3A_2369 = vector.shape_cast %get3A_2368 : vector<1x16xf32> to vector<16xf32>
          %mul3A_2370 = arith.mulf %get3A_2369, %select_n3A_2365 : vector<16xf32>
          %swap3A_2371 = arith.index_cast %add3A_2223 : i32 to index
          %swap3A_2372 = arith.constant 112 : index
          %swap3A_2373 = tpu.vector_load %arg7[%swap3A_2371, %swap3A_2372] {strides = array<i32>} : memref<640x128xf32, #tpu.memory_space<vmem>>, vector<1x16xf32>,
          %swap3A_2374 = vector.shape_cast %swap3A_2373 : vector<1x16xf32> to vector<16xf32>
          %swap3A_2375 = vector.shape_cast %mul3A_2370 : vector<16xf32> to vector<1x16xf32>
          tpu.vector_store %arg7[%swap3A_2371, %swap3A_2372], %swap3A_2375 {strides = array<i32>} : memref<640x128xf32, #tpu.memory_space<vmem>>, vector<1x16xf32>,
          %slice3A_2376 = vector.extract_strided_slice %get3A_313 {offsets = [13], sizes = [1], strides = [1]} : vector<16xi32> to vector<1xi32>
          %squeeze3A_2377 = vector.extract %slice3A_2376[0] : i32 from vector<1xi32>
          %mul3A_2378 = arith.constant 16 : i32
          %mul3A_2379 = arith.muli %scan3A_306, %mul3A_2378 : i32
          %add3A_2380 = arith.addi %mul3A_282, %mul3A_2379 : i32
          %add3A_2381 = arith.constant 13 : i32
          %add3A_2382 = arith.addi %add3A_2380, %add3A_2381 : i32
          %eq3A_2383 = arith.constant 0 : i32
          %eq3A_2384 = arith.cmpi eq, %squeeze3A_2377, %eq3A_2383 : i32
          %eq3A_2385 = arith.constant 1 : i32
          %eq3A_2386 = arith.cmpi eq, %squeeze3A_2377, %eq3A_2385 : i32
          %eq3A_2387 = arith.constant 2 : i32
          %eq3A_2388 = arith.cmpi eq, %squeeze3A_2377, %eq3A_2387 : i32
          %select_n3A_2389 = arith.select %eq3A_2388, %exp3A_111, %exp3A_159 : vector<16xf32>
          %select_n3A_2390 = arith.select %eq3A_2386, %exp3A_63, %select_n3A_2389 : vector<16xf32>
          %select_n3A_2391 = arith.select %eq3A_2384, %exp3A, %select_n3A_2390 : vector<16xf32>
          %get3A_2392 = arith.index_cast %add3A_2382 : i32 to index
          %get3A_2393 = arith.constant 0 : index
          %get3A_2394 = tpu.vector_load %arg7[%get3A_2392, %get3A_2393] {strides = array<i32>} : memref<640x128xf32, #tpu.memory_space<vmem>>, vector<1x16xf32>,
          %get3A_2395 = vector.shape_cast %get3A_2394 : vector<1x16xf32> to vector<16xf32>
          %mul3A_2396 = arith.mulf %get3A_2395, %select_n3A_2391 : vector<16xf32>
          %swap3A_2397 = arith.index_cast %add3A_2382 : i32 to index
          %swap3A_2398 = arith.constant 0 : index
          %swap3A_2399 = tpu.vector_load %arg7[%swap3A_2397, %swap3A_2398] {strides = array<i32>} : memref<640x128xf32, #tpu.memory_space<vmem>>, vector<1x16xf32>,
          %swap3A_2400 = vector.shape_cast %swap3A_2399 : vector<1x16xf32> to vector<16xf32>
          %swap3A_2401 = vector.shape_cast %mul3A_2396 : vector<16xf32> to vector<1x16xf32>
          tpu.vector_store %arg7[%swap3A_2397, %swap3A_2398], %swap3A_2401 {strides = array<i32>} : memref<640x128xf32, #tpu.memory_space<vmem>>, vector<1x16xf32>,
          %eq3A_2402 = arith.constant 0 : i32
          %eq3A_2403 = arith.cmpi eq, %squeeze3A_2377, %eq3A_2402 : i32
          %eq3A_2404 = arith.constant 1 : i32
          %eq3A_2405 = arith.cmpi eq, %squeeze3A_2377, %eq3A_2404 : i32
          %eq3A_2406 = arith.constant 2 : i32
          %eq3A_2407 = arith.cmpi eq, %squeeze3A_2377, %eq3A_2406 : i32
          %select_n3A_2408 = arith.select %eq3A_2407, %exp3A_117, %exp3A_165 : vector<16xf32>
          %select_n3A_2409 = arith.select %eq3A_2405, %exp3A_69, %select_n3A_2408 : vector<16xf32>
          %select_n3A_2410 = arith.select %eq3A_2403, %exp3A_21, %select_n3A_2409 : vector<16xf32>
          %get3A_2411 = arith.index_cast %add3A_2382 : i32 to index
          %get3A_2412 = arith.constant 16 : index
          %get3A_2413 = tpu.vector_load %arg7[%get3A_2411, %get3A_2412] {strides = array<i32>} : memref<640x128xf32, #tpu.memory_space<vmem>>, vector<1x16xf32>,
          %get3A_2414 = vector.shape_cast %get3A_2413 : vector<1x16xf32> to vector<16xf32>
          %mul3A_2415 = arith.mulf %get3A_2414, %select_n3A_2410 : vector<16xf32>
          %swap3A_2416 = arith.index_cast %add3A_2382 : i32 to index
          %swap3A_2417 = arith.constant 16 : index
          %swap3A_2418 = tpu.vector_load %arg7[%swap3A_2416, %swap3A_2417] {strides = array<i32>} : memref<640x128xf32, #tpu.memory_space<vmem>>, vector<1x16xf32>,
          %swap3A_2419 = vector.shape_cast %swap3A_2418 : vector<1x16xf32> to vector<16xf32>
          %swap3A_2420 = vector.shape_cast %mul3A_2415 : vector<16xf32> to vector<1x16xf32>
          tpu.vector_store %arg7[%swap3A_2416, %swap3A_2417], %swap3A_2420 {strides = array<i32>} : memref<640x128xf32, #tpu.memory_space<vmem>>, vector<1x16xf32>,
          %eq3A_2421 = arith.constant 0 : i32
          %eq3A_2422 = arith.cmpi eq, %squeeze3A_2377, %eq3A_2421 : i32
          %eq3A_2423 = arith.constant 1 : i32
          %eq3A_2424 = arith.cmpi eq, %squeeze3A_2377, %eq3A_2423 : i32
          %eq3A_2425 = arith.constant 2 : i32
          %eq3A_2426 = arith.cmpi eq, %squeeze3A_2377, %eq3A_2425 : i32
          %select_n3A_2427 = arith.select %eq3A_2426, %exp3A_123, %exp3A_171 : vector<16xf32>
          %select_n3A_2428 = arith.select %eq3A_2424, %exp3A_75, %select_n3A_2427 : vector<16xf32>
          %select_n3A_2429 = arith.select %eq3A_2422, %exp3A_27, %select_n3A_2428 : vector<16xf32>
          %get3A_2430 = arith.index_cast %add3A_2382 : i32 to index
          %get3A_2431 = arith.constant 32 : index
          %get3A_2432 = tpu.vector_load %arg7[%get3A_2430, %get3A_2431] {strides = array<i32>} : memref<640x128xf32, #tpu.memory_space<vmem>>, vector<1x16xf32>,
          %get3A_2433 = vector.shape_cast %get3A_2432 : vector<1x16xf32> to vector<16xf32>
          %mul3A_2434 = arith.mulf %get3A_2433, %select_n3A_2429 : vector<16xf32>
          %swap3A_2435 = arith.index_cast %add3A_2382 : i32 to index
          %swap3A_2436 = arith.constant 32 : index
          %swap3A_2437 = tpu.vector_load %arg7[%swap3A_2435, %swap3A_2436] {strides = array<i32>} : memref<640x128xf32, #tpu.memory_space<vmem>>, vector<1x16xf32>,
          %swap3A_2438 = vector.shape_cast %swap3A_2437 : vector<1x16xf32> to vector<16xf32>
          %swap3A_2439 = vector.shape_cast %mul3A_2434 : vector<16xf32> to vector<1x16xf32>
          tpu.vector_store %arg7[%swap3A_2435, %swap3A_2436], %swap3A_2439 {strides = array<i32>} : memref<640x128xf32, #tpu.memory_space<vmem>>, vector<1x16xf32>,
          %eq3A_2440 = arith.constant 0 : i32
          %eq3A_2441 = arith.cmpi eq, %squeeze3A_2377, %eq3A_2440 : i32
          %eq3A_2442 = arith.constant 1 : i32
          %eq3A_2443 = arith.cmpi eq, %squeeze3A_2377, %eq3A_2442 : i32
          %eq3A_2444 = arith.constant 2 : i32
          %eq3A_2445 = arith.cmpi eq, %squeeze3A_2377, %eq3A_2444 : i32
          %select_n3A_2446 = arith.select %eq3A_2445, %exp3A_129, %exp3A_177 : vector<16xf32>
          %select_n3A_2447 = arith.select %eq3A_2443, %exp3A_81, %select_n3A_2446 : vector<16xf32>
          %select_n3A_2448 = arith.select %eq3A_2441, %exp3A_33, %select_n3A_2447 : vector<16xf32>
          %get3A_2449 = arith.index_cast %add3A_2382 : i32 to index
          %get3A_2450 = arith.constant 48 : index
          %get3A_2451 = tpu.vector_load %arg7[%get3A_2449, %get3A_2450] {strides = array<i32>} : memref<640x128xf32, #tpu.memory_space<vmem>>, vector<1x16xf32>,
          %get3A_2452 = vector.shape_cast %get3A_2451 : vector<1x16xf32> to vector<16xf32>
          %mul3A_2453 = arith.mulf %get3A_2452, %select_n3A_2448 : vector<16xf32>
          %swap3A_2454 = arith.index_cast %add3A_2382 : i32 to index
          %swap3A_2455 = arith.constant 48 : index
          %swap3A_2456 = tpu.vector_load %arg7[%swap3A_2454, %swap3A_2455] {strides = array<i32>} : memref<640x128xf32, #tpu.memory_space<vmem>>, vector<1x16xf32>,
          %swap3A_2457 = vector.shape_cast %swap3A_2456 : vector<1x16xf32> to vector<16xf32>
          %swap3A_2458 = vector.shape_cast %mul3A_2453 : vector<16xf32> to vector<1x16xf32>
          tpu.vector_store %arg7[%swap3A_2454, %swap3A_2455], %swap3A_2458 {strides = array<i32>} : memref<640x128xf32, #tpu.memory_space<vmem>>, vector<1x16xf32>,
          %eq3A_2459 = arith.constant 0 : i32
          %eq3A_2460 = arith.cmpi eq, %squeeze3A_2377, %eq3A_2459 : i32
          %eq3A_2461 = arith.constant 1 : i32
          %eq3A_2462 = arith.cmpi eq, %squeeze3A_2377, %eq3A_2461 : i32
          %eq3A_2463 = arith.constant 2 : i32
          %eq3A_2464 = arith.cmpi eq, %squeeze3A_2377, %eq3A_2463 : i32
          %select_n3A_2465 = arith.select %eq3A_2464, %exp3A_135, %exp3A_183 : vector<16xf32>
          %select_n3A_2466 = arith.select %eq3A_2462, %exp3A_87, %select_n3A_2465 : vector<16xf32>
          %select_n3A_2467 = arith.select %eq3A_2460, %exp3A_39, %select_n3A_2466 : vector<16xf32>
          %get3A_2468 = arith.index_cast %add3A_2382 : i32 to index
          %get3A_2469 = arith.constant 64 : index
          %get3A_2470 = tpu.vector_load %arg7[%get3A_2468, %get3A_2469] {strides = array<i32>} : memref<640x128xf32, #tpu.memory_space<vmem>>, vector<1x16xf32>,
          %get3A_2471 = vector.shape_cast %get3A_2470 : vector<1x16xf32> to vector<16xf32>
          %mul3A_2472 = arith.mulf %get3A_2471, %select_n3A_2467 : vector<16xf32>
          %swap3A_2473 = arith.index_cast %add3A_2382 : i32 to index
          %swap3A_2474 = arith.constant 64 : index
          %swap3A_2475 = tpu.vector_load %arg7[%swap3A_2473, %swap3A_2474] {strides = array<i32>} : memref<640x128xf32, #tpu.memory_space<vmem>>, vector<1x16xf32>,
          %swap3A_2476 = vector.shape_cast %swap3A_2475 : vector<1x16xf32> to vector<16xf32>
          %swap3A_2477 = vector.shape_cast %mul3A_2472 : vector<16xf32> to vector<1x16xf32>
          tpu.vector_store %arg7[%swap3A_2473, %swap3A_2474], %swap3A_2477 {strides = array<i32>} : memref<640x128xf32, #tpu.memory_space<vmem>>, vector<1x16xf32>,
          %eq3A_2478 = arith.constant 0 : i32
          %eq3A_2479 = arith.cmpi eq, %squeeze3A_2377, %eq3A_2478 : i32
          %eq3A_2480 = arith.constant 1 : i32
          %eq3A_2481 = arith.cmpi eq, %squeeze3A_2377, %eq3A_2480 : i32
          %eq3A_2482 = arith.constant 2 : i32
          %eq3A_2483 = arith.cmpi eq, %squeeze3A_2377, %eq3A_2482 : i32
          %select_n3A_2484 = arith.select %eq3A_2483, %exp3A_141, %exp3A_189 : vector<16xf32>
          %select_n3A_2485 = arith.select %eq3A_2481, %exp3A_93, %select_n3A_2484 : vector<16xf32>
          %select_n3A_2486 = arith.select %eq3A_2479, %exp3A_45, %select_n3A_2485 : vector<16xf32>
          %get3A_2487 = arith.index_cast %add3A_2382 : i32 to index
          %get3A_2488 = arith.constant 80 : index
          %get3A_2489 = tpu.vector_load %arg7[%get3A_2487, %get3A_2488] {strides = array<i32>} : memref<640x128xf32, #tpu.memory_space<vmem>>, vector<1x16xf32>,
          %get3A_2490 = vector.shape_cast %get3A_2489 : vector<1x16xf32> to vector<16xf32>
          %mul3A_2491 = arith.mulf %get3A_2490, %select_n3A_2486 : vector<16xf32>
          %swap3A_2492 = arith.index_cast %add3A_2382 : i32 to index
          %swap3A_2493 = arith.constant 80 : index
          %swap3A_2494 = tpu.vector_load %arg7[%swap3A_2492, %swap3A_2493] {strides = array<i32>} : memref<640x128xf32, #tpu.memory_space<vmem>>, vector<1x16xf32>,
          %swap3A_2495 = vector.shape_cast %swap3A_2494 : vector<1x16xf32> to vector<16xf32>
          %swap3A_2496 = vector.shape_cast %mul3A_2491 : vector<16xf32> to vector<1x16xf32>
          tpu.vector_store %arg7[%swap3A_2492, %swap3A_2493], %swap3A_2496 {strides = array<i32>} : memref<640x128xf32, #tpu.memory_space<vmem>>, vector<1x16xf32>,
          %eq3A_2497 = arith.constant 0 : i32
          %eq3A_2498 = arith.cmpi eq, %squeeze3A_2377, %eq3A_2497 : i32
          %eq3A_2499 = arith.constant 1 : i32
          %eq3A_2500 = arith.cmpi eq, %squeeze3A_2377, %eq3A_2499 : i32
          %eq3A_2501 = arith.constant 2 : i32
          %eq3A_2502 = arith.cmpi eq, %squeeze3A_2377, %eq3A_2501 : i32
          %select_n3A_2503 = arith.select %eq3A_2502, %exp3A_147, %exp3A_195 : vector<16xf32>
          %select_n3A_2504 = arith.select %eq3A_2500, %exp3A_99, %select_n3A_2503 : vector<16xf32>
          %select_n3A_2505 = arith.select %eq3A_2498, %exp3A_51, %select_n3A_2504 : vector<16xf32>
          %get3A_2506 = arith.index_cast %add3A_2382 : i32 to index
          %get3A_2507 = arith.constant 96 : index
          %get3A_2508 = tpu.vector_load %arg7[%get3A_2506, %get3A_2507] {strides = array<i32>} : memref<640x128xf32, #tpu.memory_space<vmem>>, vector<1x16xf32>,
          %get3A_2509 = vector.shape_cast %get3A_2508 : vector<1x16xf32> to vector<16xf32>
          %mul3A_2510 = arith.mulf %get3A_2509, %select_n3A_2505 : vector<16xf32>
          %swap3A_2511 = arith.index_cast %add3A_2382 : i32 to index
          %swap3A_2512 = arith.constant 96 : index
          %swap3A_2513 = tpu.vector_load %arg7[%swap3A_2511, %swap3A_2512] {strides = array<i32>} : memref<640x128xf32, #tpu.memory_space<vmem>>, vector<1x16xf32>,
          %swap3A_2514 = vector.shape_cast %swap3A_2513 : vector<1x16xf32> to vector<16xf32>
          %swap3A_2515 = vector.shape_cast %mul3A_2510 : vector<16xf32> to vector<1x16xf32>
          tpu.vector_store %arg7[%swap3A_2511, %swap3A_2512], %swap3A_2515 {strides = array<i32>} : memref<640x128xf32, #tpu.memory_space<vmem>>, vector<1x16xf32>,
          %eq3A_2516 = arith.constant 0 : i32
          %eq3A_2517 = arith.cmpi eq, %squeeze3A_2377, %eq3A_2516 : i32
          %eq3A_2518 = arith.constant 1 : i32
          %eq3A_2519 = arith.cmpi eq, %squeeze3A_2377, %eq3A_2518 : i32
          %eq3A_2520 = arith.constant 2 : i32
          %eq3A_2521 = arith.cmpi eq, %squeeze3A_2377, %eq3A_2520 : i32
          %select_n3A_2522 = arith.select %eq3A_2521, %exp3A_153, %exp3A_201 : vector<16xf32>
          %select_n3A_2523 = arith.select %eq3A_2519, %exp3A_105, %select_n3A_2522 : vector<16xf32>
          %select_n3A_2524 = arith.select %eq3A_2517, %exp3A_57, %select_n3A_2523 : vector<16xf32>
          %get3A_2525 = arith.index_cast %add3A_2382 : i32 to index
          %get3A_2526 = arith.constant 112 : index
          %get3A_2527 = tpu.vector_load %arg7[%get3A_2525, %get3A_2526] {strides = array<i32>} : memref<640x128xf32, #tpu.memory_space<vmem>>, vector<1x16xf32>,
          %get3A_2528 = vector.shape_cast %get3A_2527 : vector<1x16xf32> to vector<16xf32>
          %mul3A_2529 = arith.mulf %get3A_2528, %select_n3A_2524 : vector<16xf32>
          %swap3A_2530 = arith.index_cast %add3A_2382 : i32 to index
          %swap3A_2531 = arith.constant 112 : index
          %swap3A_2532 = tpu.vector_load %arg7[%swap3A_2530, %swap3A_2531] {strides = array<i32>} : memref<640x128xf32, #tpu.memory_space<vmem>>, vector<1x16xf32>,
          %swap3A_2533 = vector.shape_cast %swap3A_2532 : vector<1x16xf32> to vector<16xf32>
          %swap3A_2534 = vector.shape_cast %mul3A_2529 : vector<16xf32> to vector<1x16xf32>
          tpu.vector_store %arg7[%swap3A_2530, %swap3A_2531], %swap3A_2534 {strides = array<i32>} : memref<640x128xf32, #tpu.memory_space<vmem>>, vector<1x16xf32>,
          %slice3A_2535 = vector.extract_strided_slice %get3A_313 {offsets = [14], sizes = [1], strides = [1]} : vector<16xi32> to vector<1xi32>
          %squeeze3A_2536 = vector.extract %slice3A_2535[0] : i32 from vector<1xi32>
          %mul3A_2537 = arith.constant 16 : i32
          %mul3A_2538 = arith.muli %scan3A_306, %mul3A_2537 : i32
          %add3A_2539 = arith.addi %mul3A_282, %mul3A_2538 : i32
          %add3A_2540 = arith.constant 14 : i32
          %add3A_2541 = arith.addi %add3A_2539, %add3A_2540 : i32
          %eq3A_2542 = arith.constant 0 : i32
          %eq3A_2543 = arith.cmpi eq, %squeeze3A_2536, %eq3A_2542 : i32
          %eq3A_2544 = arith.constant 1 : i32
          %eq3A_2545 = arith.cmpi eq, %squeeze3A_2536, %eq3A_2544 : i32
          %eq3A_2546 = arith.constant 2 : i32
          %eq3A_2547 = arith.cmpi eq, %squeeze3A_2536, %eq3A_2546 : i32
          %select_n3A_2548 = arith.select %eq3A_2547, %exp3A_111, %exp3A_159 : vector<16xf32>
          %select_n3A_2549 = arith.select %eq3A_2545, %exp3A_63, %select_n3A_2548 : vector<16xf32>
          %select_n3A_2550 = arith.select %eq3A_2543, %exp3A, %select_n3A_2549 : vector<16xf32>
          %get3A_2551 = arith.index_cast %add3A_2541 : i32 to index
          %get3A_2552 = arith.constant 0 : index
          %get3A_2553 = tpu.vector_load %arg7[%get3A_2551, %get3A_2552] {strides = array<i32>} : memref<640x128xf32, #tpu.memory_space<vmem>>, vector<1x16xf32>,
          %get3A_2554 = vector.shape_cast %get3A_2553 : vector<1x16xf32> to vector<16xf32>
          %mul3A_2555 = arith.mulf %get3A_2554, %select_n3A_2550 : vector<16xf32>
          %swap3A_2556 = arith.index_cast %add3A_2541 : i32 to index
          %swap3A_2557 = arith.constant 0 : index
          %swap3A_2558 = tpu.vector_load %arg7[%swap3A_2556, %swap3A_2557] {strides = array<i32>} : memref<640x128xf32, #tpu.memory_space<vmem>>, vector<1x16xf32>,
          %swap3A_2559 = vector.shape_cast %swap3A_2558 : vector<1x16xf32> to vector<16xf32>
          %swap3A_2560 = vector.shape_cast %mul3A_2555 : vector<16xf32> to vector<1x16xf32>
          tpu.vector_store %arg7[%swap3A_2556, %swap3A_2557], %swap3A_2560 {strides = array<i32>} : memref<640x128xf32, #tpu.memory_space<vmem>>, vector<1x16xf32>,
          %eq3A_2561 = arith.constant 0 : i32
          %eq3A_2562 = arith.cmpi eq, %squeeze3A_2536, %eq3A_2561 : i32
          %eq3A_2563 = arith.constant 1 : i32
          %eq3A_2564 = arith.cmpi eq, %squeeze3A_2536, %eq3A_2563 : i32
          %eq3A_2565 = arith.constant 2 : i32
          %eq3A_2566 = arith.cmpi eq, %squeeze3A_2536, %eq3A_2565 : i32
          %select_n3A_2567 = arith.select %eq3A_2566, %exp3A_117, %exp3A_165 : vector<16xf32>
          %select_n3A_2568 = arith.select %eq3A_2564, %exp3A_69, %select_n3A_2567 : vector<16xf32>
          %select_n3A_2569 = arith.select %eq3A_2562, %exp3A_21, %select_n3A_2568 : vector<16xf32>
          %get3A_2570 = arith.index_cast %add3A_2541 : i32 to index
          %get3A_2571 = arith.constant 16 : index
          %get3A_2572 = tpu.vector_load %arg7[%get3A_2570, %get3A_2571] {strides = array<i32>} : memref<640x128xf32, #tpu.memory_space<vmem>>, vector<1x16xf32>,
          %get3A_2573 = vector.shape_cast %get3A_2572 : vector<1x16xf32> to vector<16xf32>
          %mul3A_2574 = arith.mulf %get3A_2573, %select_n3A_2569 : vector<16xf32>
          %swap3A_2575 = arith.index_cast %add3A_2541 : i32 to index
          %swap3A_2576 = arith.constant 16 : index
          %swap3A_2577 = tpu.vector_load %arg7[%swap3A_2575, %swap3A_2576] {strides = array<i32>} : memref<640x128xf32, #tpu.memory_space<vmem>>, vector<1x16xf32>,
          %swap3A_2578 = vector.shape_cast %swap3A_2577 : vector<1x16xf32> to vector<16xf32>
          %swap3A_2579 = vector.shape_cast %mul3A_2574 : vector<16xf32> to vector<1x16xf32>
          tpu.vector_store %arg7[%swap3A_2575, %swap3A_2576], %swap3A_2579 {strides = array<i32>} : memref<640x128xf32, #tpu.memory_space<vmem>>, vector<1x16xf32>,
          %eq3A_2580 = arith.constant 0 : i32
          %eq3A_2581 = arith.cmpi eq, %squeeze3A_2536, %eq3A_2580 : i32
          %eq3A_2582 = arith.constant 1 : i32
          %eq3A_2583 = arith.cmpi eq, %squeeze3A_2536, %eq3A_2582 : i32
          %eq3A_2584 = arith.constant 2 : i32
          %eq3A_2585 = arith.cmpi eq, %squeeze3A_2536, %eq3A_2584 : i32
          %select_n3A_2586 = arith.select %eq3A_2585, %exp3A_123, %exp3A_171 : vector<16xf32>
          %select_n3A_2587 = arith.select %eq3A_2583, %exp3A_75, %select_n3A_2586 : vector<16xf32>
          %select_n3A_2588 = arith.select %eq3A_2581, %exp3A_27, %select_n3A_2587 : vector<16xf32>
          %get3A_2589 = arith.index_cast %add3A_2541 : i32 to index
          %get3A_2590 = arith.constant 32 : index
          %get3A_2591 = tpu.vector_load %arg7[%get3A_2589, %get3A_2590] {strides = array<i32>} : memref<640x128xf32, #tpu.memory_space<vmem>>, vector<1x16xf32>,
          %get3A_2592 = vector.shape_cast %get3A_2591 : vector<1x16xf32> to vector<16xf32>
          %mul3A_2593 = arith.mulf %get3A_2592, %select_n3A_2588 : vector<16xf32>
          %swap3A_2594 = arith.index_cast %add3A_2541 : i32 to index
          %swap3A_2595 = arith.constant 32 : index
          %swap3A_2596 = tpu.vector_load %arg7[%swap3A_2594, %swap3A_2595] {strides = array<i32>} : memref<640x128xf32, #tpu.memory_space<vmem>>, vector<1x16xf32>,
          %swap3A_2597 = vector.shape_cast %swap3A_2596 : vector<1x16xf32> to vector<16xf32>
          %swap3A_2598 = vector.shape_cast %mul3A_2593 : vector<16xf32> to vector<1x16xf32>
          tpu.vector_store %arg7[%swap3A_2594, %swap3A_2595], %swap3A_2598 {strides = array<i32>} : memref<640x128xf32, #tpu.memory_space<vmem>>, vector<1x16xf32>,
          %eq3A_2599 = arith.constant 0 : i32
          %eq3A_2600 = arith.cmpi eq, %squeeze3A_2536, %eq3A_2599 : i32
          %eq3A_2601 = arith.constant 1 : i32
          %eq3A_2602 = arith.cmpi eq, %squeeze3A_2536, %eq3A_2601 : i32
          %eq3A_2603 = arith.constant 2 : i32
          %eq3A_2604 = arith.cmpi eq, %squeeze3A_2536, %eq3A_2603 : i32
          %select_n3A_2605 = arith.select %eq3A_2604, %exp3A_129, %exp3A_177 : vector<16xf32>
          %select_n3A_2606 = arith.select %eq3A_2602, %exp3A_81, %select_n3A_2605 : vector<16xf32>
          %select_n3A_2607 = arith.select %eq3A_2600, %exp3A_33, %select_n3A_2606 : vector<16xf32>
          %get3A_2608 = arith.index_cast %add3A_2541 : i32 to index
          %get3A_2609 = arith.constant 48 : index
          %get3A_2610 = tpu.vector_load %arg7[%get3A_2608, %get3A_2609] {strides = array<i32>} : memref<640x128xf32, #tpu.memory_space<vmem>>, vector<1x16xf32>,
          %get3A_2611 = vector.shape_cast %get3A_2610 : vector<1x16xf32> to vector<16xf32>
          %mul3A_2612 = arith.mulf %get3A_2611, %select_n3A_2607 : vector<16xf32>
          %swap3A_2613 = arith.index_cast %add3A_2541 : i32 to index
          %swap3A_2614 = arith.constant 48 : index
          %swap3A_2615 = tpu.vector_load %arg7[%swap3A_2613, %swap3A_2614] {strides = array<i32>} : memref<640x128xf32, #tpu.memory_space<vmem>>, vector<1x16xf32>,
          %swap3A_2616 = vector.shape_cast %swap3A_2615 : vector<1x16xf32> to vector<16xf32>
          %swap3A_2617 = vector.shape_cast %mul3A_2612 : vector<16xf32> to vector<1x16xf32>
          tpu.vector_store %arg7[%swap3A_2613, %swap3A_2614], %swap3A_2617 {strides = array<i32>} : memref<640x128xf32, #tpu.memory_space<vmem>>, vector<1x16xf32>,
          %eq3A_2618 = arith.constant 0 : i32
          %eq3A_2619 = arith.cmpi eq, %squeeze3A_2536, %eq3A_2618 : i32
          %eq3A_2620 = arith.constant 1 : i32
          %eq3A_2621 = arith.cmpi eq, %squeeze3A_2536, %eq3A_2620 : i32
          %eq3A_2622 = arith.constant 2 : i32
          %eq3A_2623 = arith.cmpi eq, %squeeze3A_2536, %eq3A_2622 : i32
          %select_n3A_2624 = arith.select %eq3A_2623, %exp3A_135, %exp3A_183 : vector<16xf32>
          %select_n3A_2625 = arith.select %eq3A_2621, %exp3A_87, %select_n3A_2624 : vector<16xf32>
          %select_n3A_2626 = arith.select %eq3A_2619, %exp3A_39, %select_n3A_2625 : vector<16xf32>
          %get3A_2627 = arith.index_cast %add3A_2541 : i32 to index
          %get3A_2628 = arith.constant 64 : index
          %get3A_2629 = tpu.vector_load %arg7[%get3A_2627, %get3A_2628] {strides = array<i32>} : memref<640x128xf32, #tpu.memory_space<vmem>>, vector<1x16xf32>,
          %get3A_2630 = vector.shape_cast %get3A_2629 : vector<1x16xf32> to vector<16xf32>
          %mul3A_2631 = arith.mulf %get3A_2630, %select_n3A_2626 : vector<16xf32>
          %swap3A_2632 = arith.index_cast %add3A_2541 : i32 to index
          %swap3A_2633 = arith.constant 64 : index
          %swap3A_2634 = tpu.vector_load %arg7[%swap3A_2632, %swap3A_2633] {strides = array<i32>} : memref<640x128xf32, #tpu.memory_space<vmem>>, vector<1x16xf32>,
          %swap3A_2635 = vector.shape_cast %swap3A_2634 : vector<1x16xf32> to vector<16xf32>
          %swap3A_2636 = vector.shape_cast %mul3A_2631 : vector<16xf32> to vector<1x16xf32>
          tpu.vector_store %arg7[%swap3A_2632, %swap3A_2633], %swap3A_2636 {strides = array<i32>} : memref<640x128xf32, #tpu.memory_space<vmem>>, vector<1x16xf32>,
          %eq3A_2637 = arith.constant 0 : i32
          %eq3A_2638 = arith.cmpi eq, %squeeze3A_2536, %eq3A_2637 : i32
          %eq3A_2639 = arith.constant 1 : i32
          %eq3A_2640 = arith.cmpi eq, %squeeze3A_2536, %eq3A_2639 : i32
          %eq3A_2641 = arith.constant 2 : i32
          %eq3A_2642 = arith.cmpi eq, %squeeze3A_2536, %eq3A_2641 : i32
          %select_n3A_2643 = arith.select %eq3A_2642, %exp3A_141, %exp3A_189 : vector<16xf32>
          %select_n3A_2644 = arith.select %eq3A_2640, %exp3A_93, %select_n3A_2643 : vector<16xf32>
          %select_n3A_2645 = arith.select %eq3A_2638, %exp3A_45, %select_n3A_2644 : vector<16xf32>
          %get3A_2646 = arith.index_cast %add3A_2541 : i32 to index
          %get3A_2647 = arith.constant 80 : index
          %get3A_2648 = tpu.vector_load %arg7[%get3A_2646, %get3A_2647] {strides = array<i32>} : memref<640x128xf32, #tpu.memory_space<vmem>>, vector<1x16xf32>,
          %get3A_2649 = vector.shape_cast %get3A_2648 : vector<1x16xf32> to vector<16xf32>
          %mul3A_2650 = arith.mulf %get3A_2649, %select_n3A_2645 : vector<16xf32>
          %swap3A_2651 = arith.index_cast %add3A_2541 : i32 to index
          %swap3A_2652 = arith.constant 80 : index
          %swap3A_2653 = tpu.vector_load %arg7[%swap3A_2651, %swap3A_2652] {strides = array<i32>} : memref<640x128xf32, #tpu.memory_space<vmem>>, vector<1x16xf32>,
          %swap3A_2654 = vector.shape_cast %swap3A_2653 : vector<1x16xf32> to vector<16xf32>
          %swap3A_2655 = vector.shape_cast %mul3A_2650 : vector<16xf32> to vector<1x16xf32>
          tpu.vector_store %arg7[%swap3A_2651, %swap3A_2652], %swap3A_2655 {strides = array<i32>} : memref<640x128xf32, #tpu.memory_space<vmem>>, vector<1x16xf32>,
          %eq3A_2656 = arith.constant 0 : i32
          %eq3A_2657 = arith.cmpi eq, %squeeze3A_2536, %eq3A_2656 : i32
          %eq3A_2658 = arith.constant 1 : i32
          %eq3A_2659 = arith.cmpi eq, %squeeze3A_2536, %eq3A_2658 : i32
          %eq3A_2660 = arith.constant 2 : i32
          %eq3A_2661 = arith.cmpi eq, %squeeze3A_2536, %eq3A_2660 : i32
          %select_n3A_2662 = arith.select %eq3A_2661, %exp3A_147, %exp3A_195 : vector<16xf32>
          %select_n3A_2663 = arith.select %eq3A_2659, %exp3A_99, %select_n3A_2662 : vector<16xf32>
          %select_n3A_2664 = arith.select %eq3A_2657, %exp3A_51, %select_n3A_2663 : vector<16xf32>
          %get3A_2665 = arith.index_cast %add3A_2541 : i32 to index
          %get3A_2666 = arith.constant 96 : index
          %get3A_2667 = tpu.vector_load %arg7[%get3A_2665, %get3A_2666] {strides = array<i32>} : memref<640x128xf32, #tpu.memory_space<vmem>>, vector<1x16xf32>,
          %get3A_2668 = vector.shape_cast %get3A_2667 : vector<1x16xf32> to vector<16xf32>
          %mul3A_2669 = arith.mulf %get3A_2668, %select_n3A_2664 : vector<16xf32>
          %swap3A_2670 = arith.index_cast %add3A_2541 : i32 to index
          %swap3A_2671 = arith.constant 96 : index
          %swap3A_2672 = tpu.vector_load %arg7[%swap3A_2670, %swap3A_2671] {strides = array<i32>} : memref<640x128xf32, #tpu.memory_space<vmem>>, vector<1x16xf32>,
          %swap3A_2673 = vector.shape_cast %swap3A_2672 : vector<1x16xf32> to vector<16xf32>
          %swap3A_2674 = vector.shape_cast %mul3A_2669 : vector<16xf32> to vector<1x16xf32>
          tpu.vector_store %arg7[%swap3A_2670, %swap3A_2671], %swap3A_2674 {strides = array<i32>} : memref<640x128xf32, #tpu.memory_space<vmem>>, vector<1x16xf32>,
          %eq3A_2675 = arith.constant 0 : i32
          %eq3A_2676 = arith.cmpi eq, %squeeze3A_2536, %eq3A_2675 : i32
          %eq3A_2677 = arith.constant 1 : i32
          %eq3A_2678 = arith.cmpi eq, %squeeze3A_2536, %eq3A_2677 : i32
          %eq3A_2679 = arith.constant 2 : i32
          %eq3A_2680 = arith.cmpi eq, %squeeze3A_2536, %eq3A_2679 : i32
          %select_n3A_2681 = arith.select %eq3A_2680, %exp3A_153, %exp3A_201 : vector<16xf32>
          %select_n3A_2682 = arith.select %eq3A_2678, %exp3A_105, %select_n3A_2681 : vector<16xf32>
          %select_n3A_2683 = arith.select %eq3A_2676, %exp3A_57, %select_n3A_2682 : vector<16xf32>
          %get3A_2684 = arith.index_cast %add3A_2541 : i32 to index
          %get3A_2685 = arith.constant 112 : index
          %get3A_2686 = tpu.vector_load %arg7[%get3A_2684, %get3A_2685] {strides = array<i32>} : memref<640x128xf32, #tpu.memory_space<vmem>>, vector<1x16xf32>,
          %get3A_2687 = vector.shape_cast %get3A_2686 : vector<1x16xf32> to vector<16xf32>
          %mul3A_2688 = arith.mulf %get3A_2687, %select_n3A_2683 : vector<16xf32>
          %swap3A_2689 = arith.index_cast %add3A_2541 : i32 to index
          %swap3A_2690 = arith.constant 112 : index
          %swap3A_2691 = tpu.vector_load %arg7[%swap3A_2689, %swap3A_2690] {strides = array<i32>} : memref<640x128xf32, #tpu.memory_space<vmem>>, vector<1x16xf32>,
          %swap3A_2692 = vector.shape_cast %swap3A_2691 : vector<1x16xf32> to vector<16xf32>
          %swap3A_2693 = vector.shape_cast %mul3A_2688 : vector<16xf32> to vector<1x16xf32>
          tpu.vector_store %arg7[%swap3A_2689, %swap3A_2690], %swap3A_2693 {strides = array<i32>} : memref<640x128xf32, #tpu.memory_space<vmem>>, vector<1x16xf32>,
          %slice3A_2694 = vector.extract_strided_slice %get3A_313 {offsets = [15], sizes = [1], strides = [1]} : vector<16xi32> to vector<1xi32>
          %squeeze3A_2695 = vector.extract %slice3A_2694[0] : i32 from vector<1xi32>
          %mul3A_2696 = arith.constant 16 : i32
          %mul3A_2697 = arith.muli %scan3A_306, %mul3A_2696 : i32
          %add3A_2698 = arith.addi %mul3A_282, %mul3A_2697 : i32
          %add3A_2699 = arith.constant 15 : i32
          %add3A_2700 = arith.addi %add3A_2698, %add3A_2699 : i32
          %eq3A_2701 = arith.constant 0 : i32
          %eq3A_2702 = arith.cmpi eq, %squeeze3A_2695, %eq3A_2701 : i32
          %eq3A_2703 = arith.constant 1 : i32
          %eq3A_2704 = arith.cmpi eq, %squeeze3A_2695, %eq3A_2703 : i32
          %eq3A_2705 = arith.constant 2 : i32
          %eq3A_2706 = arith.cmpi eq, %squeeze3A_2695, %eq3A_2705 : i32
          %select_n3A_2707 = arith.select %eq3A_2706, %exp3A_111, %exp3A_159 : vector<16xf32>
          %select_n3A_2708 = arith.select %eq3A_2704, %exp3A_63, %select_n3A_2707 : vector<16xf32>
          %select_n3A_2709 = arith.select %eq3A_2702, %exp3A, %select_n3A_2708 : vector<16xf32>
          %get3A_2710 = arith.index_cast %add3A_2700 : i32 to index
          %get3A_2711 = arith.constant 0 : index
          %get3A_2712 = tpu.vector_load %arg7[%get3A_2710, %get3A_2711] {strides = array<i32>} : memref<640x128xf32, #tpu.memory_space<vmem>>, vector<1x16xf32>,
          %get3A_2713 = vector.shape_cast %get3A_2712 : vector<1x16xf32> to vector<16xf32>
          %mul3A_2714 = arith.mulf %get3A_2713, %select_n3A_2709 : vector<16xf32>
          %swap3A_2715 = arith.index_cast %add3A_2700 : i32 to index
          %swap3A_2716 = arith.constant 0 : index
          %swap3A_2717 = tpu.vector_load %arg7[%swap3A_2715, %swap3A_2716] {strides = array<i32>} : memref<640x128xf32, #tpu.memory_space<vmem>>, vector<1x16xf32>,
          %swap3A_2718 = vector.shape_cast %swap3A_2717 : vector<1x16xf32> to vector<16xf32>
          %swap3A_2719 = vector.shape_cast %mul3A_2714 : vector<16xf32> to vector<1x16xf32>
          tpu.vector_store %arg7[%swap3A_2715, %swap3A_2716], %swap3A_2719 {strides = array<i32>} : memref<640x128xf32, #tpu.memory_space<vmem>>, vector<1x16xf32>,
          %eq3A_2720 = arith.constant 0 : i32
          %eq3A_2721 = arith.cmpi eq, %squeeze3A_2695, %eq3A_2720 : i32
          %eq3A_2722 = arith.constant 1 : i32
          %eq3A_2723 = arith.cmpi eq, %squeeze3A_2695, %eq3A_2722 : i32
          %eq3A_2724 = arith.constant 2 : i32
          %eq3A_2725 = arith.cmpi eq, %squeeze3A_2695, %eq3A_2724 : i32
          %select_n3A_2726 = arith.select %eq3A_2725, %exp3A_117, %exp3A_165 : vector<16xf32>
          %select_n3A_2727 = arith.select %eq3A_2723, %exp3A_69, %select_n3A_2726 : vector<16xf32>
          %select_n3A_2728 = arith.select %eq3A_2721, %exp3A_21, %select_n3A_2727 : vector<16xf32>
          %get3A_2729 = arith.index_cast %add3A_2700 : i32 to index
          %get3A_2730 = arith.constant 16 : index
          %get3A_2731 = tpu.vector_load %arg7[%get3A_2729, %get3A_2730] {strides = array<i32>} : memref<640x128xf32, #tpu.memory_space<vmem>>, vector<1x16xf32>,
          %get3A_2732 = vector.shape_cast %get3A_2731 : vector<1x16xf32> to vector<16xf32>
          %mul3A_2733 = arith.mulf %get3A_2732, %select_n3A_2728 : vector<16xf32>
          %swap3A_2734 = arith.index_cast %add3A_2700 : i32 to index
          %swap3A_2735 = arith.constant 16 : index
          %swap3A_2736 = tpu.vector_load %arg7[%swap3A_2734, %swap3A_2735] {strides = array<i32>} : memref<640x128xf32, #tpu.memory_space<vmem>>, vector<1x16xf32>,
          %swap3A_2737 = vector.shape_cast %swap3A_2736 : vector<1x16xf32> to vector<16xf32>
          %swap3A_2738 = vector.shape_cast %mul3A_2733 : vector<16xf32> to vector<1x16xf32>
          tpu.vector_store %arg7[%swap3A_2734, %swap3A_2735], %swap3A_2738 {strides = array<i32>} : memref<640x128xf32, #tpu.memory_space<vmem>>, vector<1x16xf32>,
          %eq3A_2739 = arith.constant 0 : i32
          %eq3A_2740 = arith.cmpi eq, %squeeze3A_2695, %eq3A_2739 : i32
          %eq3A_2741 = arith.constant 1 : i32
          %eq3A_2742 = arith.cmpi eq, %squeeze3A_2695, %eq3A_2741 : i32
          %eq3A_2743 = arith.constant 2 : i32
          %eq3A_2744 = arith.cmpi eq, %squeeze3A_2695, %eq3A_2743 : i32
          %select_n3A_2745 = arith.select %eq3A_2744, %exp3A_123, %exp3A_171 : vector<16xf32>
          %select_n3A_2746 = arith.select %eq3A_2742, %exp3A_75, %select_n3A_2745 : vector<16xf32>
          %select_n3A_2747 = arith.select %eq3A_2740, %exp3A_27, %select_n3A_2746 : vector<16xf32>
          %get3A_2748 = arith.index_cast %add3A_2700 : i32 to index
          %get3A_2749 = arith.constant 32 : index
          %get3A_2750 = tpu.vector_load %arg7[%get3A_2748, %get3A_2749] {strides = array<i32>} : memref<640x128xf32, #tpu.memory_space<vmem>>, vector<1x16xf32>,
          %get3A_2751 = vector.shape_cast %get3A_2750 : vector<1x16xf32> to vector<16xf32>
          %mul3A_2752 = arith.mulf %get3A_2751, %select_n3A_2747 : vector<16xf32>
          %swap3A_2753 = arith.index_cast %add3A_2700 : i32 to index
          %swap3A_2754 = arith.constant 32 : index
          %swap3A_2755 = tpu.vector_load %arg7[%swap3A_2753, %swap3A_2754] {strides = array<i32>} : memref<640x128xf32, #tpu.memory_space<vmem>>, vector<1x16xf32>,
          %swap3A_2756 = vector.shape_cast %swap3A_2755 : vector<1x16xf32> to vector<16xf32>
          %swap3A_2757 = vector.shape_cast %mul3A_2752 : vector<16xf32> to vector<1x16xf32>
          tpu.vector_store %arg7[%swap3A_2753, %swap3A_2754], %swap3A_2757 {strides = array<i32>} : memref<640x128xf32, #tpu.memory_space<vmem>>, vector<1x16xf32>,
          %eq3A_2758 = arith.constant 0 : i32
          %eq3A_2759 = arith.cmpi eq, %squeeze3A_2695, %eq3A_2758 : i32
          %eq3A_2760 = arith.constant 1 : i32
          %eq3A_2761 = arith.cmpi eq, %squeeze3A_2695, %eq3A_2760 : i32
          %eq3A_2762 = arith.constant 2 : i32
          %eq3A_2763 = arith.cmpi eq, %squeeze3A_2695, %eq3A_2762 : i32
          %select_n3A_2764 = arith.select %eq3A_2763, %exp3A_129, %exp3A_177 : vector<16xf32>
          %select_n3A_2765 = arith.select %eq3A_2761, %exp3A_81, %select_n3A_2764 : vector<16xf32>
          %select_n3A_2766 = arith.select %eq3A_2759, %exp3A_33, %select_n3A_2765 : vector<16xf32>
          %get3A_2767 = arith.index_cast %add3A_2700 : i32 to index
          %get3A_2768 = arith.constant 48 : index
          %get3A_2769 = tpu.vector_load %arg7[%get3A_2767, %get3A_2768] {strides = array<i32>} : memref<640x128xf32, #tpu.memory_space<vmem>>, vector<1x16xf32>,
          %get3A_2770 = vector.shape_cast %get3A_2769 : vector<1x16xf32> to vector<16xf32>
          %mul3A_2771 = arith.mulf %get3A_2770, %select_n3A_2766 : vector<16xf32>
          %swap3A_2772 = arith.index_cast %add3A_2700 : i32 to index
          %swap3A_2773 = arith.constant 48 : index
          %swap3A_2774 = tpu.vector_load %arg7[%swap3A_2772, %swap3A_2773] {strides = array<i32>} : memref<640x128xf32, #tpu.memory_space<vmem>>, vector<1x16xf32>,
          %swap3A_2775 = vector.shape_cast %swap3A_2774 : vector<1x16xf32> to vector<16xf32>
          %swap3A_2776 = vector.shape_cast %mul3A_2771 : vector<16xf32> to vector<1x16xf32>
          tpu.vector_store %arg7[%swap3A_2772, %swap3A_2773], %swap3A_2776 {strides = array<i32>} : memref<640x128xf32, #tpu.memory_space<vmem>>, vector<1x16xf32>,
          %eq3A_2777 = arith.constant 0 : i32
          %eq3A_2778 = arith.cmpi eq, %squeeze3A_2695, %eq3A_2777 : i32
          %eq3A_2779 = arith.constant 1 : i32
          %eq3A_2780 = arith.cmpi eq, %squeeze3A_2695, %eq3A_2779 : i32
          %eq3A_2781 = arith.constant 2 : i32
          %eq3A_2782 = arith.cmpi eq, %squeeze3A_2695, %eq3A_2781 : i32
          %select_n3A_2783 = arith.select %eq3A_2782, %exp3A_135, %exp3A_183 : vector<16xf32>
          %select_n3A_2784 = arith.select %eq3A_2780, %exp3A_87, %select_n3A_2783 : vector<16xf32>
          %select_n3A_2785 = arith.select %eq3A_2778, %exp3A_39, %select_n3A_2784 : vector<16xf32>
          %get3A_2786 = arith.index_cast %add3A_2700 : i32 to index
          %get3A_2787 = arith.constant 64 : index
          %get3A_2788 = tpu.vector_load %arg7[%get3A_2786, %get3A_2787] {strides = array<i32>} : memref<640x128xf32, #tpu.memory_space<vmem>>, vector<1x16xf32>,
          %get3A_2789 = vector.shape_cast %get3A_2788 : vector<1x16xf32> to vector<16xf32>
          %mul3A_2790 = arith.mulf %get3A_2789, %select_n3A_2785 : vector<16xf32>
          %swap3A_2791 = arith.index_cast %add3A_2700 : i32 to index
          %swap3A_2792 = arith.constant 64 : index
          %swap3A_2793 = tpu.vector_load %arg7[%swap3A_2791, %swap3A_2792] {strides = array<i32>} : memref<640x128xf32, #tpu.memory_space<vmem>>, vector<1x16xf32>,
          %swap3A_2794 = vector.shape_cast %swap3A_2793 : vector<1x16xf32> to vector<16xf32>
          %swap3A_2795 = vector.shape_cast %mul3A_2790 : vector<16xf32> to vector<1x16xf32>
          tpu.vector_store %arg7[%swap3A_2791, %swap3A_2792], %swap3A_2795 {strides = array<i32>} : memref<640x128xf32, #tpu.memory_space<vmem>>, vector<1x16xf32>,
          %eq3A_2796 = arith.constant 0 : i32
          %eq3A_2797 = arith.cmpi eq, %squeeze3A_2695, %eq3A_2796 : i32
          %eq3A_2798 = arith.constant 1 : i32
          %eq3A_2799 = arith.cmpi eq, %squeeze3A_2695, %eq3A_2798 : i32
          %eq3A_2800 = arith.constant 2 : i32
          %eq3A_2801 = arith.cmpi eq, %squeeze3A_2695, %eq3A_2800 : i32
          %select_n3A_2802 = arith.select %eq3A_2801, %exp3A_141, %exp3A_189 : vector<16xf32>
          %select_n3A_2803 = arith.select %eq3A_2799, %exp3A_93, %select_n3A_2802 : vector<16xf32>
          %select_n3A_2804 = arith.select %eq3A_2797, %exp3A_45, %select_n3A_2803 : vector<16xf32>
          %get3A_2805 = arith.index_cast %add3A_2700 : i32 to index
          %get3A_2806 = arith.constant 80 : index
          %get3A_2807 = tpu.vector_load %arg7[%get3A_2805, %get3A_2806] {strides = array<i32>} : memref<640x128xf32, #tpu.memory_space<vmem>>, vector<1x16xf32>,
          %get3A_2808 = vector.shape_cast %get3A_2807 : vector<1x16xf32> to vector<16xf32>
          %mul3A_2809 = arith.mulf %get3A_2808, %select_n3A_2804 : vector<16xf32>
          %swap3A_2810 = arith.index_cast %add3A_2700 : i32 to index
          %swap3A_2811 = arith.constant 80 : index
          %swap3A_2812 = tpu.vector_load %arg7[%swap3A_2810, %swap3A_2811] {strides = array<i32>} : memref<640x128xf32, #tpu.memory_space<vmem>>, vector<1x16xf32>,
          %swap3A_2813 = vector.shape_cast %swap3A_2812 : vector<1x16xf32> to vector<16xf32>
          %swap3A_2814 = vector.shape_cast %mul3A_2809 : vector<16xf32> to vector<1x16xf32>
          tpu.vector_store %arg7[%swap3A_2810, %swap3A_2811], %swap3A_2814 {strides = array<i32>} : memref<640x128xf32, #tpu.memory_space<vmem>>, vector<1x16xf32>,
          %eq3A_2815 = arith.constant 0 : i32
          %eq3A_2816 = arith.cmpi eq, %squeeze3A_2695, %eq3A_2815 : i32
          %eq3A_2817 = arith.constant 1 : i32
          %eq3A_2818 = arith.cmpi eq, %squeeze3A_2695, %eq3A_2817 : i32
          %eq3A_2819 = arith.constant 2 : i32
          %eq3A_2820 = arith.cmpi eq, %squeeze3A_2695, %eq3A_2819 : i32
          %select_n3A_2821 = arith.select %eq3A_2820, %exp3A_147, %exp3A_195 : vector<16xf32>
          %select_n3A_2822 = arith.select %eq3A_2818, %exp3A_99, %select_n3A_2821 : vector<16xf32>
          %select_n3A_2823 = arith.select %eq3A_2816, %exp3A_51, %select_n3A_2822 : vector<16xf32>
          %get3A_2824 = arith.index_cast %add3A_2700 : i32 to index
          %get3A_2825 = arith.constant 96 : index
          %get3A_2826 = tpu.vector_load %arg7[%get3A_2824, %get3A_2825] {strides = array<i32>} : memref<640x128xf32, #tpu.memory_space<vmem>>, vector<1x16xf32>,
          %get3A_2827 = vector.shape_cast %get3A_2826 : vector<1x16xf32> to vector<16xf32>
          %mul3A_2828 = arith.mulf %get3A_2827, %select_n3A_2823 : vector<16xf32>
          %swap3A_2829 = arith.index_cast %add3A_2700 : i32 to index
          %swap3A_2830 = arith.constant 96 : index
          %swap3A_2831 = tpu.vector_load %arg7[%swap3A_2829, %swap3A_2830] {strides = array<i32>} : memref<640x128xf32, #tpu.memory_space<vmem>>, vector<1x16xf32>,
          %swap3A_2832 = vector.shape_cast %swap3A_2831 : vector<1x16xf32> to vector<16xf32>
          %swap3A_2833 = vector.shape_cast %mul3A_2828 : vector<16xf32> to vector<1x16xf32>
          tpu.vector_store %arg7[%swap3A_2829, %swap3A_2830], %swap3A_2833 {strides = array<i32>} : memref<640x128xf32, #tpu.memory_space<vmem>>, vector<1x16xf32>,
          %eq3A_2834 = arith.constant 0 : i32
          %eq3A_2835 = arith.cmpi eq, %squeeze3A_2695, %eq3A_2834 : i32
          %eq3A_2836 = arith.constant 1 : i32
          %eq3A_2837 = arith.cmpi eq, %squeeze3A_2695, %eq3A_2836 : i32
          %eq3A_2838 = arith.constant 2 : i32
          %eq3A_2839 = arith.cmpi eq, %squeeze3A_2695, %eq3A_2838 : i32
          %select_n3A_2840 = arith.select %eq3A_2839, %exp3A_153, %exp3A_201 : vector<16xf32>
          %select_n3A_2841 = arith.select %eq3A_2837, %exp3A_105, %select_n3A_2840 : vector<16xf32>
          %select_n3A_2842 = arith.select %eq3A_2835, %exp3A_57, %select_n3A_2841 : vector<16xf32>
          %get3A_2843 = arith.index_cast %add3A_2700 : i32 to index
          %get3A_2844 = arith.constant 112 : index
          %get3A_2845 = tpu.vector_load %arg7[%get3A_2843, %get3A_2844] {strides = array<i32>} : memref<640x128xf32, #tpu.memory_space<vmem>>, vector<1x16xf32>,
          %get3A_2846 = vector.shape_cast %get3A_2845 : vector<1x16xf32> to vector<16xf32>
          %mul3A_2847 = arith.mulf %get3A_2846, %select_n3A_2842 : vector<16xf32>
          %swap3A_2848 = arith.index_cast %add3A_2700 : i32 to index
          %swap3A_2849 = arith.constant 112 : index
          %swap3A_2850 = tpu.vector_load %arg7[%swap3A_2848, %swap3A_2849] {strides = array<i32>} : memref<640x128xf32, #tpu.memory_space<vmem>>, vector<1x16xf32>,
          %swap3A_2851 = vector.shape_cast %swap3A_2850 : vector<1x16xf32> to vector<16xf32>
          %swap3A_2852 = vector.shape_cast %mul3A_2847 : vector<16xf32> to vector<1x16xf32>
          tpu.vector_store %arg7[%swap3A_2848, %swap3A_2849], %swap3A_2852 {strides = array<i32>} : memref<640x128xf32, #tpu.memory_space<vmem>>, vector<1x16xf32>,
          %scan3A_2853 = arith.constant 0 : i32
          scf.yield %scan3A_2853 : i32
        }
        %scan3A_289 = arith.constant 10 : i32
        %mul3A_290 = arith.constant 32 : i32
        %mul3A_291 = arith.muli %scan3A_222, %mul3A_290 : i32
        %add3A_292 = arith.addi %mul3A_291, %add3A : i32
        %mul3A_293 = arith.constant 160 : i32
        %mul3A_294 = arith.muli %add3A_292, %mul3A_293 : i32
        %mul3A_295 = arith.constant 160 : i32
        %mul3A_296 = arith.muli %and3A_224, %mul3A_295 : i32
        %dma_start3A = arith.constant 0 : i32
        %dma_start3A_297 = tpu.memref_slice %arg7[%mul3A_296, %dma_start3A] : memref<640x128xf32, #tpu.memory_space<vmem>> -> memref<160x128xf32, #tpu.memory_space<vmem>>
        %dma_start3A_298 = arith.constant 0 : i32
        %dma_start3A_299 = tpu.memref_slice %arg5[%mul3A_294, %dma_start3A_298] : memref<100000x128xf32, #tpu.memory_space<hbm>> -> memref<160x128xf32, #tpu.memory_space<hbm>>
        %dma_start3A_300 = tpu.memref_slice %arg10[%and3A_224] : memref<4x!tpu.dma_semaphore, #tpu.memory_space<semaphore_mem>> -> memref<1x!tpu.dma_semaphore, #tpu.memory_space<semaphore_mem>>
        %dma_start3A_301 = tpu.memref_squeeze %dma_start3A_300 : memref<1x!tpu.dma_semaphore, #tpu.memory_space<semaphore_mem>> -> memref<!tpu.dma_semaphore, #tpu.memory_space<semaphore_mem>>
        %dma_start3A_302 = arith.constant 0 : i32
        %dma_start3A_303 = tpu.memref_slice %arg5[%mul3A_294, %dma_start3A_302] : memref<100000x128xf32, #tpu.memory_space<hbm>> -> memref<160x128xf32, #tpu.memory_space<hbm>>
        %dma_start3A_304 = arith.constant 0 : i32
        %dma_start3A_305 = tpu.memref_slice %arg7[%mul3A_296, %dma_start3A_304] : memref<640x128xf32, #tpu.memory_space<vmem>> -> memref<160x128xf32, #tpu.memory_space<vmem>>
        tpu.enqueue_dma source(%dma_start3A_305 : memref<160x128xf32, #tpu.memory_space<vmem>>) target(%dma_start3A_303 : memref<160x128xf32, #tpu.memory_space<hbm>>) target_semaphore(%dma_start3A_301 : memref<!tpu.dma_semaphore, #tpu.memory_space<semaphore_mem>>)
      } else {
      }
      %scan3A_258 = arith.constant 0 : i32
      scf.yield %scan3A_258 : i32
    }
    %scan3A_207 = arith.constant 20 : i32
    %add3A_208 = arith.constant 576 : i32
    %add3A_209 = arith.addi %add3A_208, %add3A : i32
    %lt3A_210 = arith.constant 625 : i32
    %lt3A_211 = arith.cmpi slt, %add3A_209, %lt3A_210 : i32
    %convert_element_type3A_212 = arith.extui %lt3A_211 : i1 to i32
    %cond3A_213 = arith.constant 0 : i32
    %cond3A_214 = arith.cmpi ne, %convert_element_type3A_212, %cond3A_213 : i32
    scf.if %cond3A_214 {
      %add3A_222 = arith.constant 576 : i32
      %add3A_223 = arith.addi %add3A_222, %add3A : i32
      %mul3A_224 = arith.constant 160 : i32
      %mul3A_225 = arith.muli %add3A_223, %mul3A_224 : i32
      %dma_wait3A = arith.constant 2 : i32
      %dma_wait3A_226 = arith.constant 320 : i32
      %dma_wait3A_227 = arith.constant 0 : i32
      %dma_wait3A_228 = tpu.memref_slice %arg7[%dma_wait3A_226, %dma_wait3A_227] : memref<640x128xf32, #tpu.memory_space<vmem>> -> memref<160x128xf32, #tpu.memory_space<vmem>>
      %dma_wait3A_229 = arith.constant 0 : i32
      %dma_wait3A_230 = tpu.memref_slice %arg5[%mul3A_225, %dma_wait3A_229] : memref<100000x128xf32, #tpu.memory_space<hbm>> -> memref<160x128xf32, #tpu.memory_space<hbm>>
      %dma_wait3A_231 = tpu.memref_slice %arg10[%dma_wait3A] : memref<4x!tpu.dma_semaphore, #tpu.memory_space<semaphore_mem>> -> memref<1x!tpu.dma_semaphore, #tpu.memory_space<semaphore_mem>>
      %dma_wait3A_232 = tpu.memref_squeeze %dma_wait3A_231 : memref<1x!tpu.dma_semaphore, #tpu.memory_space<semaphore_mem>> -> memref<!tpu.dma_semaphore, #tpu.memory_space<semaphore_mem>>
      %dma_wait3A_233 = arith.constant 0 : i32
      %dma_wait3A_234 = tpu.memref_slice %arg5[%mul3A_225, %dma_wait3A_233] : memref<100000x128xf32, #tpu.memory_space<hbm>> -> memref<160x128xf32, #tpu.memory_space<hbm>>
      %dma_wait3A_235 = arith.constant 320 : i32
      %dma_wait3A_236 = arith.constant 0 : i32
      %dma_wait3A_237 = tpu.memref_slice %arg7[%dma_wait3A_235, %dma_wait3A_236] : memref<640x128xf32, #tpu.memory_space<vmem>> -> memref<160x128xf32, #tpu.memory_space<vmem>>
      tpu.wait_dma2 semaphore(%dma_wait3A_232 : memref<!tpu.dma_semaphore, #tpu.memory_space<semaphore_mem>>) src(%dma_wait3A_237 : memref<160x128xf32, #tpu.memory_space<vmem>>) dst(%dma_wait3A_234 : memref<160x128xf32, #tpu.memory_space<hbm>>)
    } else {
    }
    %add3A_215 = arith.constant 608 : i32
    %add3A_216 = arith.addi %add3A_215, %add3A : i32
    %lt3A_217 = arith.constant 625 : i32
    %lt3A_218 = arith.cmpi slt, %add3A_216, %lt3A_217 : i32
    %convert_element_type3A_219 = arith.extui %lt3A_218 : i1 to i32
    %cond3A_220 = arith.constant 0 : i32
    %cond3A_221 = arith.cmpi ne, %convert_element_type3A_219, %cond3A_220 : i32
    scf.if %cond3A_221 {
      %add3A_222 = arith.constant 608 : i32
      %add3A_223 = arith.addi %add3A_222, %add3A : i32
      %mul3A_224 = arith.constant 160 : i32
      %mul3A_225 = arith.muli %add3A_223, %mul3A_224 : i32
      %dma_wait3A = arith.constant 3 : i32
      %dma_wait3A_226 = arith.constant 480 : i32
      %dma_wait3A_227 = arith.constant 0 : i32
      %dma_wait3A_228 = tpu.memref_slice %arg7[%dma_wait3A_226, %dma_wait3A_227] : memref<640x128xf32, #tpu.memory_space<vmem>> -> memref<160x128xf32, #tpu.memory_space<vmem>>
      %dma_wait3A_229 = arith.constant 0 : i32
      %dma_wait3A_230 = tpu.memref_slice %arg5[%mul3A_225, %dma_wait3A_229] : memref<100000x128xf32, #tpu.memory_space<hbm>> -> memref<160x128xf32, #tpu.memory_space<hbm>>
      %dma_wait3A_231 = tpu.memref_slice %arg10[%dma_wait3A] : memref<4x!tpu.dma_semaphore, #tpu.memory_space<semaphore_mem>> -> memref<1x!tpu.dma_semaphore, #tpu.memory_space<semaphore_mem>>
      %dma_wait3A_232 = tpu.memref_squeeze %dma_wait3A_231 : memref<1x!tpu.dma_semaphore, #tpu.memory_space<semaphore_mem>> -> memref<!tpu.dma_semaphore, #tpu.memory_space<semaphore_mem>>
      %dma_wait3A_233 = arith.constant 0 : i32
      %dma_wait3A_234 = tpu.memref_slice %arg5[%mul3A_225, %dma_wait3A_233] : memref<100000x128xf32, #tpu.memory_space<hbm>> -> memref<160x128xf32, #tpu.memory_space<hbm>>
      %dma_wait3A_235 = arith.constant 480 : i32
      %dma_wait3A_236 = arith.constant 0 : i32
      %dma_wait3A_237 = tpu.memref_slice %arg7[%dma_wait3A_235, %dma_wait3A_236] : memref<640x128xf32, #tpu.memory_space<vmem>> -> memref<160x128xf32, #tpu.memory_space<vmem>>
      tpu.wait_dma2 semaphore(%dma_wait3A_232 : memref<!tpu.dma_semaphore, #tpu.memory_space<semaphore_mem>>) src(%dma_wait3A_237 : memref<160x128xf32, #tpu.memory_space<vmem>>) dst(%dma_wait3A_234 : memref<160x128xf32, #tpu.memory_space<hbm>>)
    } else {
    }
    return
  }
}

</mosaic_0001>

<sc_bundles>
// kernel: kernel.3.cloned.1.call-start
scs
__scs_entry_jumppad:
0x0: {  	(pc) =	sbr.rel $0x88, $3  }
0x1: {  	(tag) =	ssettag $0x0;
	lr =	simm.s32 $0x1  }
0x2: {  	[smem:$0x3F9E] =	sst lr;
	_ =	strace $0xD0000000  }
0x3: {  	_ = 	snop  }
0x4: {  	_ = 	snop  }
0x5: {  	_ = 	snop  }
0x6: {  	_ = 	snop  }
0x7: {  	_ = 	snop  }
__scs_overlays_trampoline_lowered:
0x8: {  	[smem:$0x3FAD] =	sst s0  }
0x9: {  	[smem:$0x3FAE] =	sst s1  }
0xa: {  	[smem:$0x3FAF] =	sst s2  }
0xb: {  	[smem:$0x3FB0] =	sst s3  }
0xc: {  	[smem:$0x3FB1] =	sst s4  }
0xd: {  	[smem:$0x3FB2] =	sst s5  }
0xe: {  	[smem:$0x3FB3] =	sst s6  }
0xf: {  	[smem:$0x3FB4] =	sst s7  }
0x10: {  	[smem:$0x3FB5] =	sst s8  }
0x11: {  	[smem:$0x3FB6] =	sst s9;
	s0 =	simm.s32 @!p0 $0x0  }
0x12: {  	s1 =	sld [smem:$0x3F9C];
	s0 =	simm.s32 @p0 $0x1  }
0x13: {  	[smem:$0x3FB7] =	sst s0;
	s0 =	simm.s32 @!p1 $0x0  }
0x14: {  	s2 =	sld [smem:$0x3F9B];
	s0 =	simm.s32 @p1 $0x1  }
0x15: {  	[smem:$0x3FB8] =	sst s0;
	s0 =	simm.s32 @!p2 $0x0  }
0x16: {  	s3 =	sld [smem:$0x3FDB];
	s0 =	simm.s32 @p2 $0x1  }
0x17: {  	s4 =	simm.s32 $0x1BF5;
	[smem:$0x3FBA] =	sst s0  }
0x18: {  	s0 =	sld [smem:$0x3F9D];
	_ =	swait.ge [sflag:s4], $0x0  }
0x19: {  	s7 =	sld [smem:$0x3F9E]  }
0x1a: {  	s8 =	sadd.s32 $0xFFFFE003, lr  }
0x1b: {  	s9 =	sadd.s32 $0xFFFFFEF7, lr;
	s5 =	simm.s32 $0xFFFFFFFF;
	p2 =	slt.u32 s8, $0xFFFFF086  }
0x1c: {  	p1 =	slt.u32 s9, $0xF7A;
	s5 =	simm.s32 @!p2 $0x0  }
0x1d: {  	s5 =	simm.s32 @p1 $0x1;
	p0 =	seq.s32 s7, s2  }
0x1e: {  	s7 =	smul.u32 @!p0 $0xF7A, s2;
	p2 =	seq.s32 @!p0 s5, $0x0  }
0x1f: {  	s9 =	smul.u32 $0xF7A, s1;
	s8 =	simm.s32 @!p0 $0x1BF5;
	p2 =	por !p2, p0  }
0x20: {  	[sflag:s8] =	ssyncset.s32 @!p0 $0xFFFFF086;
	s6 =	sadd.s32 @!p0 s3, s7;
	s7 =	simm.s32 @!p0 $0x108  }
0x21: {  	s3 =	sadd.s32 s3, s9;
	s6 =	sadd.s32 @!p0 $0x88, s6;
	s7 =	simm.s32 @p2 $0x1082  }
0x22: {  	[simem:s7], [sflag:s8] =	dma.local @!p0 [hbm:s6], $0xF7A  }
0x23: {  	s9 =	sor.u32 $0xD0000000, s2;
	s6 =	simm.s32 $0x108;
	_ =	swait.ge @!p0 [sflag:s8], $0x0  }
0x24: {  	s3 =	sadd.s32 $0x88, s3;
	s6 =	simm.s32 @!p1 $0x1082;
	[sflag:s4] =	ssyncset.s32 $0xFFFFF086  }
0x25: {  	[simem:s6], [sflag:s4] =	dma.local [hbm:s3], $0xF7A  }
0x26: {  	[smem:$0x3F9E] =	sst s1;
	(tag) =	ssettag s2;
	_ =	strace s9  }
0x27: {  	s1 =	sld [smem:$0x3FAE]  }
0x28: {  	s2 =	sld [smem:$0x3FAF]  }
0x29: {  	s4 =	sld [smem:$0x3FB1]  }
0x2a: {  	p0 =	seq.s32 s5, $0x0;
	s5 =	sld [smem:$0x3FB2]  }
0x2b: {  	s6 =	sld [smem:$0x3FB3]  }
0x2c: {  	s7 =	sld [smem:$0x3FB4]  }
0x2d: {  	s3 =	simm.s32 $0x108;
	s8 =	sld [smem:$0x3FB5]  }
0x2e: {  	s3 =	simm.s32 @!p0 $0x1082;
	s9 =	sld [smem:$0x3FB6]  }
0x2f: {  	lr =	sadd.s32 s0, s3;
	s0 =	sld [smem:$0x3FAD]  }
0x30: {  	s3 =	sld [smem:$0x3FB0]  }
0x31: {  	[smem:$0x3FB9] =	sst s10  }
0x32: {  	s10 =	sld [smem:$0x3FB7];
	_ =	sdelay $0x3  }
0x33: {  	p0 =	seq.s32 s10, $0x1;
	s10 =	sld [smem:$0x3FB9];
	_ =	sdelay $0x3  }
0x34: {  	[smem:$0x3FB9] =	sst s10  }
0x35: {  	s10 =	sld [smem:$0x3FB8];
	_ =	sdelay $0x3  }
0x36: {  	p1 =	seq.s32 s10, $0x1;
	s10 =	sld [smem:$0x3FB9];
	_ =	sdelay $0x3  }
0x37: {  	[smem:$0x3FB9] =	sst s10  }
0x38: {  	s10 =	sld [smem:$0x3FBA]  }
0x39: {  	_ = 	snop;
	(pc) =	sbr.ind lr, $3  }
0x3a: {  	_ = 	snop  }
0x3b: {  	_ = 	snop  }
0x3c: {  	p2 =	seq.s32 s10, $0x1;
	s10 =	sld [smem:$0x3FB9]  }
0x3d: {  	_ =	shalt  }
0x3e: {  	_ =	shalt  }
0x3f: {  	_ =	shalt  }
0x40: {  	_ =	shalt  }
0x41: {  	_ =	shalt  }
0x42: {  	_ =	shalt  }
0x43: {  	_ =	shalt  }
0x44: {  	_ =	shalt  }
0x45: {  	_ =	shalt  }
0x46: {  	_ =	shalt  }
0x47: {  	_ =	shalt  }
0x48: {  	_ =	shalt  }
0x49: {  	_ =	shalt  }
0x4a: {  	_ =	shalt  }
0x4b: {  	_ =	shalt  }
0x4c: {  	_ =	shalt  }
0x4d: {  	_ =	shalt  }
0x4e: {  	_ =	shalt  }
0x4f: {  	_ =	shalt  }
0x50: {  	_ =	shalt  }
0x51: {  	_ =	shalt  }
0x52: {  	_ =	shalt  }
0x53: {  	_ =	shalt  }
0x54: {  	_ =	shalt  }
0x55: {  	_ =	shalt  }
0x56: {  	_ =	shalt  }
0x57: {  	_ =	shalt  }
0x58: {  	_ =	shalt  }
0x59: {  	_ =	shalt  }
0x5a: {  	_ =	shalt  }
0x5b: {  	_ =	shalt  }
0x5c: {  	_ =	shalt  }
0x5d: {  	_ =	shalt  }
0x5e: {  	_ =	shalt  }
0x5f: {  	_ =	shalt  }
0x60: {  	_ =	shalt  }
0x61: {  	_ =	shalt  }
0x62: {  	_ =	shalt  }
0x63: {  	_ =	shalt  }
0x64: {  	_ =	shalt  }
0x65: {  	_ =	shalt  }
0x66: {  	_ =	shalt  }
0x67: {  	_ =	shalt  }
0x68: {  	_ =	shalt  }
0x69: {  	_ =	shalt  }
0x6a: {  	_ =	shalt  }
0x6b: {  	_ =	shalt  }
0x6c: {  	_ =	shalt  }
0x6d: {  	_ =	shalt  }
0x6e: {  	_ =	shalt  }
0x6f: {  	_ =	shalt  }
0x70: {  	_ =	shalt  }
0x71: {  	_ =	shalt  }
0x72: {  	_ =	shalt  }
0x73: {  	_ =	shalt  }
0x74: {  	_ =	shalt  }
0x75: {  	_ =	shalt  }
0x76: {  	_ =	shalt  }
0x77: {  	_ =	shalt  }
0x78: {  	_ =	shalt  }
0x79: {  	_ =	shalt  }
0x7a: {  	_ =	shalt  }
0x7b: {  	_ =	shalt  }
0x7c: {  	_ =	shalt  }
0x7d: {  	_ =	shalt  }
0x7e: {  	_ =	shalt  }
0x7f: {  	_ =	shalt  }
0x80: {  	_ =	shalt  }
0x81: {  	_ =	shalt  }
0x82: {  	_ =	shalt  }
0x83: {  	_ =	shalt  }
0x84: {  	_ =	shalt  }
0x85: {  	_ =	shalt  }
0x86: {  	_ =	shalt  }
0x87: {  	_ =	shalt  }
.Lfunc_end0:
.L_simem_size_0:
called_computation_lowered:
.L_overlay_start_0:
0x88: {  	s2 =	sld [smem:$0x3FD9]  }
0x89: {  	s3 =	sld [smem:$0x3FFE];
	_ =	sdelay $0x1  }
0x8a: {  	s1 =	srdreg.scid  }
0x8b: {  	s0 =	sand.u32 $0x1, s1  }
0x8c: {  	s18 =	sshll.u32 s0, $0xA;
	s2 =	sadd.s32 s3, s2  }
0x8d: {  	s2 =	sadd.s32 s2, s18  }
0x8e: {  	[smem:$0x3FC5] =	sst s2  }
0x8f: {  	_ = 	snop  }
0x90: {  	s2 =	sld [smem:$0x3FC9]  }
0x91: {  	s19 =	sld [smem:$0x3FC8]  }
0x92: {  	s4 =	sld [smem:$0x3FC7]  }
0x93: {  	s5 =	sld [smem:$0x3FD0];
	(tm) =	ssettm $0x1  }
0x94: {  	s6 =	sld [smem:$0x3FFB];
	_ =	sdelay $0x3  }
0x95: {  	_ =	strace s6  }
0x96: {  	s6 =	sld [smem:$0x3FFC];
	_ =	sdelay $0x3  }
0x97: {  	_ =	strace s6  }
0x98: {  	s6 =	sld [smem:$0x3FFD];
	_ =	sdelay $0x3  }
0x99: {  	_ =	strace s6  }
0x9a: {  	_ =	strace $0x8FFFFFFF  }
0x9b: {  	s20 =	sld [smem:$0x3FDB];
	_ =	sdelay $0x1  }
0x9c: {  	s7 =	simm.s32 $_scs_section_size  }
0x9d: {  	s8 =	simm.s32 $_size__tile_overlayer_lowered;
	s9 =	simm.s32 $_tile_overlayer_lowered  }
0x9e: {  	s23 =	simm.s32 $0x1BFF;
	s22 =	sshll.u32 s9, $0x1;
	s6 =	sadd.s32 s7, s20  }
0x9f: {  	s10 =	simm.s32 $0x0;
	s21 =	sshll.u32 s8, $0x1;
	s8 =	sadd.s32 s22, s6  }
0xa0: {  	[timem:s10], [sflag:s23] =	dma.local [hbm:s8], s21  }
0xa1: {  	_ =	swait.ge [sflag:s23], s21  }
0xa2: {  	s7 =	ssub.s32 $0x0, s21;
	[sflag:s23] =	ssyncset.done $0x0  }
0xa3: {  	[sflag:s23] =	ssyncadd.s32 s7;
	_ =	sdelay $0x1  }
0xa4: {  	s24 =	simm.s32 $0x1B8B  }
0xa5: {  	_ =	swait.ge [sflag:s24], $0x1  }
0xa6: {  	[sflag:s24] =	ssyncset.done $0x0  }
0xa7: {  	s25 =	simm.s32 $0x1B8E;
	[sflag:s24] =	ssyncadd.s32 $0xFFFFFFFF  }
0xa8: {  	s26 =	simm.s32 $execute0_lowered;
	[smem:$0x3FD2] =	sst s25  }
0xa9: {  	s7 =	sshll.u32 s26, $0x1;
	_ =	strace $0x80000046;
	[dreg:$0x1] =	wrdreg $0xFFFFFFFF  }
0xaa: {  	s28 =	simm.s32 $_size_execute0_lowered;
	s6 =	sadd.s32 s6, s7;
	[dreg:$0x0] =	wrdreg $0x0  }
0xab: {  	s7 =	sshll.u32 s28, $0x1;
	[dreg:$0x2] =	wrdreg s6  }
0xac: {  	[dreg:$0x3] =	wrdreg s7  }
0xad: {  	[dreg:$0x4] =	wrdreg $0xC0  }
0xae: {  	_ =	task [dreg:s10], $0x5FFFF  }
0xaf: {  	[dreg:$0x1] =	wrdreg $0xFFFFFFFF  }
0xb0: {  	[dreg:$0x0] =	wrdreg $0x60  }
0xb1: {  	[dreg:$0x2] =	wrdreg s2  }
0xb2: {  	[dreg:$0x3] =	wrdreg s19  }
0xb3: {  	[dreg:$0x4] =	wrdreg s4  }
0xb4: {  	[dreg:$0x5] =	wrdreg s5  }
0xb5: {  	[dreg:$0x6] =	wrdreg $0x9  }
0xb6: {  	_ =	task.clear_ibuf [dreg:s10], $0x7FFFF;
	_ =	strace $0x90000046  }
0xb7: {  	s29 =	simm.s32 $0x9;
	_ =	strace $0x80000048  }
0xb8: {  	_ =	swait.ge [sflag:s29], $0x1  }
0xb9: {  	[sflag:s29] =	ssyncadd.s32 $0xFFFFFFFF  }
0xba: {  	_ =	strace $0x90000048  }
0xbb: {  	_ =	sfence  }
0xbc: {  	s30 =	sld [smem:$0x0];
	_ =	sdelay $0x2  }
0xbd: {  	s31 =	sshll.u32 s1, $0xD;
	s1 =	sshrl.u32 s1, $0x2  }
0xbe: {  	s3 =	sand.u32 $0x4000, s31;
	s1 =	sadd.s32 s1, s30  }
0xbf: {  	s0 =	sor.u32 s3, s0;
	s1 =	sshll.u32 s1, $0x11  }
0xc0: {  	s0 =	sor.u32 s1, s0  }
0xc1: {  	s0 =	sadd.s32 $0x8F2B, s0  }
0xc2: {  	[sflag:s0] =	ssyncadd.remote.s32 $0x1  }
0xc3: {  	_ =	sfence.sel $0xFFFF  }
0xc4: {  	[dreg:$0x0] =	wrdreg $0xFFFFFFFF;
	(pc) =	sbr.abs _section_cstart, $3  }
0xc5: {  	[dreg:$0x1] =	wrdreg $0xFFFFFFFF  }
0xc6: {  	_ =	task.clear_ibuf [dreg:s10], $0x2FFFF;
	_ =	strace $0x9FFFFFFF  }
0xc7: {  	(tm) =	ssettm $0x7FFFFFFF  }
tec
execute0_lowered:
.L_overlay_start_1:
0x0: {  	(tag) =	ssettag $0x1  }
0x1: {  	s1 =	rddreg [dreg:$0x0]  }
0x2: {  	s2 =	rddreg [dreg:$0x1]  }
0x3: {  	s3 =	srdreg.scid;
	s4 =	rddreg [dreg:$0x2]  }
0x4: {  	s0 =	stileid.u32;
	s5 =	rddreg [dreg:$0x3];
	s7 =	simm.s32 $0x0  }
0x5: {  	s14 =	simm.s32 $0x14200;
	s8 =	sand.u32 $0x1, s3;
	s31 =	sshll.u32 s0, $0x1  }
0x6: {  	s15 =	simm.s32 $0x5200;
	s16 =	simm.s32 $0x142A0;
	s6 =	sor.u32 s8, s31  }
0x7: {  	s17 =	simm.s32 $0x9;
	s18 =	simm.s32 $0x7;
	s9 =	smul.u32 $0xA00, s6  }
0x8: {  	s19 =	simm.s32 $0x0;
	s3 =	rddreg [dreg:$0x4];
	s10 =	smul.u32 $0x14, s6  }
.Ltmp0:
0x9: {  	s8 =	ssub.s32 $0x2, s8;
	s11 =	sor.u32 $0x20, s6;
	(pc) =	sbr.rel .LBB2_1-.Ltmp0, $4  }
0xa: {  	[smem:$0x7FF] =	sst s7;
	s12 =	sshrl.u32 s8, $0x1;
	s13 =	smul.u32 $0xA00, s11  }
0xb: {  	_ =	strace $0x80000047;
	s12 =	ssub.s32 s8, s12;
	s11 =	smul.u32 $0x14, s11  }
0xc: {  	s8 =	sadd.s32 s1, s9;
	s9 =	sadd.s32 s2, s10;
	s12 =	smax.u32 s12, $0x1  }
0xd: {  	s10 =	sadd.s32 s1, s13;
	s11 =	sadd.s32 s2, s11;
	s13 =	simm.s32 $0x200  }
.LBB2_7:
0xe: {  	s19 =	sadd.s32 $0x1, s19  }
0xf: {  	_ =	swait.ge [sflag:s18], $0x5000;
	p1 =	sne.s32 s19, s12  }
.Ltmp1:
0x10: {  	p0 =	sgt.u32 s6, $0x10;
	[sflag:s18] =	ssyncset.done $0x0;
	(pc) =	sbr.rel @!p1 .LBB2_8-.Ltmp1, $4  }
0x11: {  	s20 =	simm.s32 @!p0 $0x8;
	[sflag:s18] =	ssyncadd.s32 $0xFFFFB000  }
0x12: {  	_ =	swait.ge @!p0 [sflag:s20], $0x5000  }
0x13: {  	[sflag:s20] =	ssyncset.done @!p0 $0x0  }
0x14: {  	[sflag:s20] =	ssyncadd.s32 @!p0 $0xFFFFB000  }
.LBB2_1:
0x15: {  	[tilespmem:s13], [sflag:$0x1] =	stream.linear.gather [hbm4b:s8+s7], $0x5000, $0x38;
	[tilespmem:$0x14480] =	vst v63  }
0x16: {  	_ = 	snop  }
0x17: {  	[tilespmem:s14], [sflag:$0x1] =	stream.linear.gather [hbm4b:s9+s7], $0xA0, $0x38;
	[tilespmem:$0x14480] =	vst v63  }
0x18: {  	_ = 	snop  }
0x19: {  	[tilespmem:s15], [sflag:$0x2] =	stream.linear.gather [hbm4b:s10+s7], $0x5000, $0x38;
	[tilespmem:$0x14480] =	vst v63  }
0x1a: {  	_ = 	snop  }
0x1b: {  	[tilespmem:s16], [sflag:$0x2] =	stream.linear.gather [hbm4b:s11+s7], $0xA0, $0x38;
	[tilespmem:$0x14480] =	vst v63  }
0x1c: {  	_ = 	snop  }
0x1d: {  	[tilespmem:s7], [sflag:$0x9] =	stream.linear.gather [hbm4b:s4+s7], $0x200, $0x38;
	[tilespmem:$0x14480] =	vst v63  }
0x1e: {  	_ =	swait.ge [sflag:s17], $0x200  }
0x1f: {  	[sflag:s17] =	ssyncset.done $0x0  }
0x20: {  	[sflag:s17] =	ssyncadd.s32 $0xFFFFFE00  }
0x21: {  	v0 =	vld [tilespmem:$0x0]  }
0x22: {  	v1 =	vld [tilespmem:$0x10]  }
0x23: {  	v2 =	vld [tilespmem:$0x20]  }
0x24: {  	v3 =	vld [tilespmem:$0x30]  }
0x25: {  	v4 =	vld [tilespmem:$0x40]  }
0x26: {  	v5 =	vld [tilespmem:$0x50];
	v0 =	vmul.f32 $1.442695020e+00, v0  }
0x27: {  	v6 =	vld [tilespmem:$0x60];
	v1 =	vmul.f32 $1.442695020e+00, v1  }
0x28: {  	(erf) = vpow2.f32 v0;
	v0 =	vmul.f32 $1.442695020e+00, v2;
	v2 =	vld [tilespmem:$0x70]  }
0x29: {  	(erf) = vpow2.f32 v1;
	v1 =	vmul.f32 $1.442695020e+00, v3;
	v3 =	vld [tilespmem:$0x80]  }
0x2a: {  	(erf) = vpow2.f32 v0;
	v0 =	vmul.f32 $1.442695020e+00, v4;
	v4 =	vld [tilespmem:$0x90]  }
0x2b: {  	v7 =	vld [tilespmem:$0xF0];
	(erf) = vpow2.f32 v1;
	v1 =	vmul.f32 $1.442695020e+00, v5  }
0x2c: {  	v5 =	vld [tilespmem:$0xA0];
	(erf) = vpow2.f32 v0;
	v0 =	vmul.f32 $1.442695020e+00, v6  }
0x2d: {  	v6 =	vld [tilespmem:$0xB0];
	(erf) = vpow2.f32 v1;
	v1 =	vmul.f32 $1.442695020e+00, v2  }
0x2e: {  	v2 =	vld [tilespmem:$0xC0];
	(erf) = vpow2.f32 v0;
	v0 =	vmul.f32 $1.442695020e+00, v3  }
0x2f: {  	v3 =	vld [tilespmem:$0xD0];
	(erf) = vpow2.f32 v1;
	v1 =	vmul.f32 $1.442695020e+00, v4  }
0x30: {  	v7 =	vmul.f32 $1.442695020e+00, v7;
	v4 =	vld [tilespmem:$0xE0]  }
0x31: {  	v8 =	vld [tilespmem:$0x100];
	(erf) = vpow2.f32 v0;
	v5 =	vmul.f32 $1.442695020e+00, v5  }
0x32: {  	v9 =	vld [tilespmem:$0x110];
	v46 =	vpop (erf);
	(erf) = vpow2.f32 v1;
	v6 =	vmul.f32 $1.442695020e+00, v6  }
0x33: {  	v10 =	vld [tilespmem:$0x120];
	v1 =	vpop (erf);
	(erf) = vpow2.f32 v5;
	v5 =	vmul.f32 $1.442695020e+00, v2  }
0x34: {  	v12 =	vld [tilespmem:$0x130];
	v2 =	vpop (erf);
	(erf) = vpow2.f32 v6;
	v6 =	vmul.f32 $1.442695020e+00, v3  }
0x35: {  	v13 =	vld [tilespmem:$0x140];
	v11 =	vmul.f32 $1.442695020e+00, v4;
	v3 =	vpop (erf);
	(erf) = vpow2.f32 v5  }
0x36: {  	v14 =	vld [tilespmem:$0x160];
	v8 =	vmul.f32 $1.442695020e+00, v8;
	v4 =	vpop (erf);
	(erf) = vpow2.f32 v6  }
0x37: {  	v9 =	vmul.f32 $1.442695020e+00, v9;
	v5 =	vpop (erf);
	(erf) = vpow2.f32 v11;
	v11 =	vld [tilespmem:$0x150]  }
0x38: {  	v15 =	vld [tilespmem:$0x170];
	v10 =	vmul.f32 $1.442695020e+00, v10;
	v6 =	vpop (erf);
	(erf) = vpow2.f32 v7  }
0x39: {  	v16 =	vld [tilespmem:$0x180];
	v12 =	vmul.f32 $1.442695020e+00, v12;
	v7 =	vpop (erf);
	(erf) = vpow2.f32 v8  }
0x3a: {  	v17 =	vld [tilespmem:$0x190];
	v13 =	vmul.f32 $1.442695020e+00, v13;
	v8 =	vpop (erf);
	(erf) = vpow2.f32 v9  }
0x3b: {  	v19 =	vld [tilespmem:$0x1A0];
	v14 =	vmul.f32 $1.442695020e+00, v14;
	v9 =	vpop (erf);
	(erf) = vpow2.f32 v10  }
0x3c: {  	v20 =	vld [tilespmem:$0x1B0];
	v10 =	vpop (erf);
	(erf) = vpow2.f32 v12;
	v18 =	vmul.f32 $1.442695020e+00, v11  }
0x3d: {  	v21 =	vld [tilespmem:$0x1D0];
	v15 =	vmul.f32 $1.442695020e+00, v15;
	v11 =	vpop (erf);
	(erf) = vpow2.f32 v13  }
0x3e: {  	v16 =	vmul.f32 $1.442695020e+00, v16;
	v12 =	vpop (erf);
	(erf) = vpow2.f32 v18;
	v18 =	vld [tilespmem:$0x1C0]  }
0x3f: {  	v22 =	vld [tilespmem:$0x1E0];
	v17 =	vmul.f32 $1.442695020e+00, v17;
	v13 =	vpop (erf);
	(erf) = vpow2.f32 v14  }
0x40: {  	v23 =	vld [tilespmem:$0x1F0];
	v19 =	vmul.f32 $1.442695020e+00, v19;
	v14 =	vpop (erf);
	(erf) = vpow2.f32 v15  }
0x41: {  	v20 =	vmul.f32 $1.442695020e+00, v20;
	v15 =	vpop (erf);
	(erf) = vpow2.f32 v16  }
0x42: {  	v21 =	vmul.f32 $1.442695020e+00, v21;
	v16 =	vpop (erf);
	(erf) = vpow2.f32 v17  }
0x43: {  	v17 =	vpop (erf);
	(erf) = vpow2.f32 v19;
	v24 =	vmul.f32 $1.442695020e+00, v18  }
0x44: {  	v22 =	vmul.f32 $1.442695020e+00, v22;
	v18 =	vpop (erf);
	(erf) = vpow2.f32 v20  }
0x45: {  	v23 =	vmul.f32 $1.442695020e+00, v23;
	v19 =	vpop (erf);
	(erf) = vpow2.f32 v24  }
0x46: {  	v20 =	vpop (erf);
	(erf) = vpow2.f32 v21  }
0x47: {  	v21 =	vpop (erf);
	(erf) = vpow2.f32 v22  }
0x48: {  	v22 =	vpop (erf);
	(erf) = vpow2.f32 v23  }
0x49: {  	v23 =	vpop (erf)  }
0x4a: {  	v24 =	vpop (erf)  }
0x4b: {  	v25 =	vpop (erf)  }
0x4c: {  	v26 =	vpop (erf)  }
.Ltmp2:
0x4d: {  	v27 =	vpop (erf);
	(pc) =	sbr.rel .LBB2_2-.Ltmp2, $4  }
0x4e: {  	v28 =	vpop (erf)  }
0x4f: {  	v29 =	vpop (erf)  }
0x50: {  	v30 =	vpop (erf)  }
0x51: {  	s20 =	simm.s32 $0x0;
	v31 =	vpop (erf)  }
.LBB2_6:
0x52: {  	s20 =	sadd.s32 $0x1, s20  }
0x53: {  	p0 =	sne.s32 s20, $0x14  }
.Ltmp3:
0x54: {  	_ = 	snop;
	(pc) =	sbr.rel @!p0 .LBB2_7-.Ltmp3, $1  }
0x55: {  	_ =	sdelay $0x3  }
.LBB2_2:
0x56: {  	s21 =	sadd.s32 $0x2, s20  }
0x57: {  	s22 =	sshll.u32 s21, $0x5  }
0x58: {  	p1 =	slt.u32 s20, $0x2;
	s21 =	sand.u32 $0x3, s21;
	s22 =	sor.u32 s6, s22  }
0x59: {  	s23 =	sadd.s32 @!p1 $0x5, s21;
	p0 =	sgt.u32 s22, $0x270  }
0x5a: {  	_ =	swait.ge @!p1 [sflag:s23], $0x5000;
	s24 =	smul.u32 @!p0 $0x14000, s21  }
0x5b: {  	[sflag:s23] =	ssyncset.done @!p1 $0x0;
	s25 =	smul.u32 @!p0 $0xA00, s22  }
0x5c: {  	[sflag:s23] =	ssyncadd.s32 @!p1 $0xFFFFB000;
	s23 =	sadd.s32 @!p0 $0x1, s21;
	s21 =	smul.u32 @!p0 $0x280, s21  }
0x5d: {  	s26 =	simm.s32 @!p0 $0x0;
	s22 =	smul.u32 @!p0 $0x14, s22;
	s24 =	sshrl.u32 @!p0 s24, $0x2  }
0x5e: {  	s25 =	sadd.s32 @!p0 s1, s25;
	s24 =	sor.u32 @!p0 $0x200, s24;
	s21 =	sshrl.u32 @!p0 s21, $0x2  }
0x5f: {  	[tilespmem:s24], [sflag:s23] =	stream.linear.gather @!p0 [hbm4b:s25+s26], $0x5000, $0x38;
	[tilespmem:$0x14480] =	vst v63  }
0x60: {  	s31 =	sshll.u32 s20, $0x5;
	s22 =	sadd.s32 @!p0 s2, s22;
	s21 =	sor.u32 @!p0 $0x14200, s21  }
0x61: {  	[tilespmem:s21], [sflag:s23] =	stream.linear.gather @!p0 [hbm4b:s22+s26], $0xA0, $0x38;
	[tilespmem:$0x14480] =	vst v63  }
0x62: {  	s21 =	sor.u32 s6, s31  }
0x63: {  	p0 =	sgt.u32 s21, $0x270  }
.Ltmp4:
0x64: {  	_ = 	snop;
	(pc) =	sbr.rel @p0 .LBB2_6-.Ltmp4, $1  }
0x65: {  	_ =	sdelay $0x3  }
0x66: {  	s22 =	sand.u32 $0x3, s20  }
0x67: {  	s24 =	sadd.s32 $0x1, s22  }
0x68: {  	_ =	swait.ge [sflag:s24], $0x5000  }
0x69: {  	[sflag:s24] =	ssyncset.done $0x0  }
0x6a: {  	s23 =	smul.u32 $0xA0, s22;
	[sflag:s24] =	ssyncadd.s32 $0xFFFFB000  }
0x6b: {  	_ =	swait.ge [sflag:s24], $0xA0  }
0x6c: {  	v0 =	vmov s23;
	[sflag:s24] =	ssyncset.done $0x0  }
0x6d: {  	[tilespmem:$0x1FFF0] =	vst v0;
	[sflag:s24] =	ssyncadd.s32 $0xFFFFFF60;
	s24 =	simm.s32 $0x0  }
.LBB2_4:
0x6e: {  	v0 =	vld [tilespmem:$0x1FFF0];
	_ =	sdelay $0x6  }
0x6f: {  	s25 =	sshll.u32 s24, $0x4  }
0x70: {  	v33 =	vld.idx.msk [tilespmem:v0+s25+$0x14200 ss:$0x1], $0xffff;
	_ =	sdelay $0x4  }
0x71: {  	(v2sf) =	vpush v33, $0x0;
	_ =	sdelay $0x1  }
0x72: {  	(v2sf) =	vpush v33, $0x1;
	_ =	sdelay $0xb  }
0x73: {  	s25 =	sadd.s32 s23, s25  }
0x74: {  	s25 =	sshll.u32 s25, $0x7;
	s26 =	spop (v2sf)  }
0x75: {  	s25 =	sand.u32 $0x3FFFFF80, s25;
	(v2sf) =	vpush v33, $0x2;
	p2 =	seq.s32 s26, $0x2  }
0x76: {  	v32 =	vld [tilespmem:s25+$0x200];
	s29 =	spop (v2sf);
	(v2sf) =	vpush v33, $0x3;
	v34 =	vpsel p2, v16, v24  }
0x77: {  	v37 =	vpsel p2, v17, v25;
	v49 =	vpsel p2, v18, v26;
	v50 =	vpsel p2, v19, v27  }
0x78: {  	v38 =	vld [tilespmem:s25+$0x230];
	p0 =	seq.s32 s26, $0x1;
	v54 =	vpsel p2, v20, v28;
	v56 =	vpsel p2, v21, v29;
	v57 =	vpsel p2, v22, v30  }
0x79: {  	v35 =	vld [tilespmem:s25+$0x210];
	p1 =	seq.s32 s26, $0x0;
	v45 =	vpsel p2, v23, v31;
	v34 =	vpsel p0, v8, v34;
	v48 =	vpsel p0, v9, v37  }
0x7a: {  	v39 =	vld [tilespmem:s25+$0x240];
	v52 =	vpsel p0, v11, v50;
	v55 =	vpsel p0, v12, v54;
	v34 =	vpsel p1, v46, v34  }
0x7b: {  	v36 =	vld [tilespmem:s25+$0x220];
	v59 =	vpsel p0, v13, v56;
	v61 =	vmul.f32 v34, v32;
	v34 =	vpsel p0, v10, v49  }
0x7c: {  	v53 =	vld [tilespmem:s25+$0x250];
	p4 =	seq.s32 s29, $0x2;
	v60 =	vpsel p0, v14, v57;
	v51 =	vpsel p1, v2, v34;
	v34 =	vpsel p1, v3, v52  }
0x7d: {  	v50 =	vpsel p4, v17, v25;
	v32 =	vpsel p1, v1, v48;
	v0 =	vmul.f32 v38, v34  }
0x7e: {  	v40 =	vld [tilespmem:s25+$0x260];
	p5 =	seq.s32 s29, $0x1;
	v49 =	vpsel p4, v16, v24;
	v62 =	vmul.f32 v32, v35;
	v32 =	vpsel p1, v4, v55  }
0x7f: {  	v48 =	vpsel p0, v15, v45;
	v52 =	vpsel p5, v8, v49;
	[tilespmem:$0x1FEE0] =	vst v0;
	v0 =	vmul.f32 v39, v32  }
0x80: {  	v58 =	vld [tilespmem:s25+$0x270];
	v55 =	vpsel p4, v18, v26;
	v44 =	vmul.f32 v51, v36;
	v32 =	vpsel p1, v5, v59  }
0x81: {  	v63 =	vld [tilespmem:s25+$0x280];
	v57 =	vpsel p5, v10, v55;
	v55 =	vpsel p4, v23, v31;
	[tilespmem:$0x1FEF0] =	vst v0;
	v0 =	vmul.f32 v53, v32  }
0x82: {  	v47 =	vld [tilespmem:s25+$0x290];
	v34 =	vpsel p1, v6, v60;
	v35 =	vpsel p5, v15, v55;
	v59 =	vpsel p4, v20, v28  }
0x83: {  	p6 =	seq.s32 s29, $0x0;
	v51 =	vld [tilespmem:s25+$0x2A0];
	v36 =	vpsel p5, v12, v59;
	v53 =	vpsel p5, v9, v50;
	[tilespmem:$0x1FF00] =	vst v0;
	v0 =	vmul.f32 v40, v34  }
0x84: {  	v59 =	vpsel p6, v7, v35;
	v32 =	vpsel p1, v7, v48;
	v34 =	vpsel p6, v1, v53  }
0x85: {  	v54 =	vld [tilespmem:s25+$0x2B0];
	v53 =	vpsel p4, v21, v29;
	[tilespmem:$0x1FF10] =	vst v0;
	v0 =	vmul.f32 v58, v32;
	v32 =	vpsel p6, v46, v52  }
0x86: {  	v56 =	vld [tilespmem:s25+$0x2C0];
	v58 =	vpsel p4, v19, v27;
	v52 =	vpsel p6, v4, v36;
	s30 =	spop (v2sf);
	(v2sf) =	vpush v33, $0x4  }
0x87: {  	v60 =	vld [tilespmem:s25+$0x2D0];
	v63 =	vmul.f32 v63, v32;
	v32 =	vpsel p6, v2, v57;
	[tilespmem:$0x1FF20] =	vst v0;
	v0 =	vmul.f32 v47, v34  }
0x88: {  	p2 =	seq.s32 s30, $0x2;
	v34 =	vpsel p5, v11, v58;
	v49 =	vmul.f32 v51, v32;
	v32 =	vpsel p5, v13, v53  }
0x89: {  	v36 =	vld [tilespmem:s25+$0x2F0];
	v41 =	vpsel p2, v16, v24;
	v42 =	vpsel p2, v17, v25;
	v43 =	vpsel p2, v18, v26  }
0x8a: {  	v39 =	vld [tilespmem:s25+$0x2E0];
	v55 =	vpsel p2, v19, v27;
	v51 =	vpsel p6, v3, v34;
	v32 =	vpsel p6, v5, v32  }
0x8b: {  	v57 =	vld [tilespmem:s25+$0x310];
	p3 =	seq.s32 s30, $0x1;
	[tilespmem:$0x1FF30] =	vst v0;
	v47 =	vmul.f32 v54, v51;
	v0 =	vmul.f32 v56, v52;
	v54 =	vpsel p4, v22, v30  }
0x8c: {  	v56 =	vld [tilespmem:s25+$0x300];
	v50 =	vmul.f32 v60, v32;
	p4 =	seq.s32 s30, $0x0;
	v32 =	vpsel p3, v8, v41;
	v34 =	vpsel p5, v14, v54  }
0x8d: {  	v60 =	vld [tilespmem:s25+$0x320];
	v41 =	vpsel p2, v22, v30;
	v32 =	vpsel p4, v46, v32;
	v58 =	vpsel p6, v6, v34  }
0x8e: {  	[tilespmem:$0x1FF40] =	vst v0;
	v0 =	vmul.f32 v36, v59;
	v34 =	vpsel p3, v9, v42;
	v36 =	vpsel p3, v10, v43  }
0x8f: {  	v54 =	vld [tilespmem:s25+$0x340];
	v59 =	vpsel p2, v21, v29;
	v43 =	vpsel p3, v14, v41;
	v51 =	vmul.f32 v39, v58  }
0x90: {  	v45 =	vld [tilespmem:s25+$0x330];
	v48 =	vpsel p4, v1, v34;
	v53 =	vpsel p4, v2, v36;
	v58 =	vpsel p2, v20, v28  }
0x91: {  	v48 =	vmul.f32 v57, v48;
	v35 =	vpsel p3, v12, v58;
	v52 =	vmul.f32 v56, v32;
	v56 =	vld [tilespmem:s25+$0x350]  }
0x92: {  	[tilespmem:$0x1FF50] =	vst v0;
	v58 =	vpsel p3, v13, v59;
	v59 =	vld [tilespmem:s25+$0x370];
	v0 =	vmul.f32 v60, v53;
	v32 =	vpsel p3, v11, v55  }
0x93: {  	v60 =	vld [tilespmem:s25+$0x360];
	v57 =	vpsel p4, v4, v35;
	v40 =	vpsel p4, v5, v58;
	v55 =	vpsel p2, v23, v31  }
0x94: {  	s31 =	spop (v2sf);
	v42 =	vld [tilespmem:s25+$0x380];
	v32 =	vpsel p4, v3, v32;
	v53 =	vmul.f32 v54, v57;
	v34 =	vpsel p3, v15, v55  }
0x95: {  	v38 =	vld [tilespmem:s25+$0x390];
	p5 =	seq.s32 s31, $0x2;
	v45 =	vmul.f32 v45, v32;
	v32 =	vpsel p4, v6, v43;
	v57 =	vpsel p4, v7, v34  }
0x96: {  	p6 =	seq.s32 s31, $0x1;
	v43 =	vpsel p5, v19, v27;
	v54 =	vmul.f32 v56, v40;
	v56 =	vpsel p5, v16, v24  }
0x97: {  	p3 =	seq.s32 s31, $0x0;
	v55 =	vmul.f32 v59, v57;
	v40 =	vpsel p5, v17, v25;
	v58 =	vpsel p6, v8, v56  }
0x98: {  	v37 =	vld [tilespmem:s25+$0x3B0];
	v60 =	vmul.f32 v60, v32;
	v41 =	vpsel p6, v9, v40;
	v59 =	vpsel p3, v46, v58  }
0x99: {  	v35 =	vld [tilespmem:s25+$0x3A0];
	v56 =	vpsel p6, v11, v43;
	v32 =	vpsel p3, v1, v41;
	v58 =	vmul.f32 v42, v59  }
0x9a: {  	v39 =	vld [tilespmem:s25+$0x3C0];
	v42 =	vpsel p5, v18, v26;
	v57 =	vmul.f32 v38, v32;
	v59 =	vpsel p5, v20, v28  }
0x9b: {  	v36 =	vld [tilespmem:s25+$0x3D0];
	v38 =	vpsel p5, v23, v31;
	v34 =	vpsel p6, v10, v42;
	v43 =	vpsel p6, v12, v59  }
0x9c: {  	v40 =	vld [tilespmem:s25+$0x3E0];
	s28 =	spop (v2sf);
	v59 =	vpsel p5, v22, v30;
	v32 =	vpsel p3, v2, v34;
	v34 =	vpsel p3, v3, v56  }
0x9d: {  	[tilespmem:$0x1FF60] =	vst v0;
	p4 =	seq.s32 s28, $0x2;
	v56 =	vpsel p5, v21, v29;
	v42 =	vpsel p6, v14, v59;
	v0 =	vmul.f32 v37, v34;
	v37 =	vld [tilespmem:s25+$0x3F0]  }
0x9e: {  	v59 =	vpsel p4, v16, v24;
	v41 =	vmul.f32 v35, v32;
	v32 =	vpsel p3, v4, v43  }
0x9f: {  	p5 =	seq.s32 s28, $0x1;
	v35 =	vld [tilespmem:s25+$0x400];
	v34 =	vpsel p3, v6, v42;
	[tilespmem:$0x1FF70] =	vst v0;
	v0 =	vmul.f32 v39, v32;
	v39 =	vpsel p6, v13, v56  }
0xa0: {  	v42 =	vld [tilespmem:s25+$0x410];
	v43 =	vpsel p6, v15, v38;
	v59 =	vpsel p5, v8, v59;
	v32 =	vpsel p3, v5, v39  }
0xa1: {  	v38 =	vld [tilespmem:s25+$0x420];
	v56 =	vmul.f32 v36, v32;
	v32 =	vpsel p3, v7, v43;
	v36 =	vpsel p4, v17, v25  }
0xa2: {  	p6 =	seq.s32 s28, $0x0;
	[tilespmem:$0x1FF80] =	vst v0;
	v0 =	vmul.f32 v40, v34;
	v43 =	vmul.f32 v37, v32;
	v40 =	vpsel p5, v9, v36;
	v36 =	vld [tilespmem:s25+$0x430]  }
0xa3: {  	v32 =	vpsel p6, v46, v59;
	v59 =	vpsel p4, v18, v26;
	v34 =	vpsel p6, v1, v40;
	v40 =	vld [tilespmem:s25+$0x440]  }
0xa4: {  	v37 =	vpsel p4, v19, v27;
	v39 =	vmul.f32 v35, v32;
	v32 =	vpsel p5, v10, v59  }
0xa5: {  	v59 =	vpsel p4, v20, v28;
	v42 =	vmul.f32 v42, v34;
	v32 =	vpsel p6, v2, v32  }
0xa6: {  	v34 =	vpsel p5, v11, v37;
	v35 =	vpsel p5, v12, v59;
	v32 =	vmul.f32 v38, v32  }
0xa7: {  	v37 =	vpsel p6, v3, v34;
	v38 =	vpsel p6, v4, v35  }
0xa8: {  	[tilespmem:$0x1FFA0] =	vst v32;
	v32 =	vmul.f32 v36, v37;
	v37 =	vmul.f32 v40, v38;
	v40 =	vpsel p4, v23, v31  }
0xa9: {  	[tilespmem:s25+$0x220] =	vst v44;
	v44 =	vpsel p5, v15, v40;
	v40 =	vld [tilespmem:$0x1FEE0];
	_ =	sdelay $0x1  }
0xaa: {  	[tilespmem:$0x1FF90] =	vst v0;
	v0 =	vld [tilespmem:s25+$0x450]  }
0xab: {  	(v2sf) =	vpush v33, $0x5;
	v59 =	vld [tilespmem:s25+$0x460]  }
0xac: {  	(v2sf) =	vpush v33, $0x6;
	v35 =	vld [tilespmem:s25+$0x470];
	v38 =	vpsel p4, v21, v29;
	[tilespmem:$0x1FFB0] =	vst v32  }
0xad: {  	v32 =	vpsel p5, v13, v38;
	[tilespmem:s25+$0x230] =	vst v40;
	v40 =	vld [tilespmem:$0x1FEF0]  }
0xae: {  	v32 =	vpsel p6, v5, v32  }
0xaf: {  	v34 =	vpsel p4, v22, v30;
	v0 =	vmul.f32 v0, v32  }
0xb0: {  	v34 =	vpsel p5, v14, v34  }
0xb1: {  	v38 =	vpsel p6, v7, v44;
	[tilespmem:$0x1FFD0] =	vst v0;
	v0 =	vpsel p6, v6, v34  }
0xb2: {  	[tilespmem:s25+$0x240] =	vst v40;
	v40 =	vmul.f32 v59, v0;
	v0 =	vmul.f32 v35, v38;
	_ =	sdelay $0x1  }
0xb3: {  	[tilespmem:$0x1FFE0] =	vst v0;
	v0 =	vld [tilespmem:$0x1FF00];
	_ =	sdelay $0x2  }
0xb4: {  	[tilespmem:s25+$0x200] =	vst v61;
	v61 =	vld [tilespmem:s25+$0x480]  }
0xb5: {  	[tilespmem:s25+$0x210] =	vst v62;
	v62 =	vld [tilespmem:s25+$0x490]  }
0xb6: {  	[tilespmem:s25+$0x250] =	vst v0;
	v0 =	vld [tilespmem:$0x1FF10]  }
0xb7: {  	s29 =	spop (v2sf);
	(v2sf) =	vpush v33, $0x7;
	v44 =	vld [tilespmem:s25+$0x4A0]  }
0xb8: {  	[tilespmem:s25+$0x280] =	vst v63;
	p1 =	seq.s32 s29, $0x2;
	s30 =	spop (v2sf);
	(v2sf) =	vpush v33, $0x8;
	v38 =	vld [tilespmem:$0x1FF20]  }
0xb9: {  	[tilespmem:s25+$0x2A0] =	vst v49;
	v63 =	vld [tilespmem:$0x1FF30];
	p2 =	seq.s32 s29, $0x1;
	v59 =	vpsel p1, v16, v24  }
0xba: {  	v49 =	vld [tilespmem:$0x1FF40];
	v36 =	vpsel p1, v17, v25;
	p4 =	seq.s32 s29, $0x0;
	[tilespmem:$0x1FFC0] =	vst v37;
	v37 =	vpsel p1, v18, v26;
	v32 =	vpsel p2, v8, v59  }
0xbb: {  	v34 =	vpsel p2, v9, v36;
	v59 =	vpsel p2, v10, v37;
	v32 =	vpsel p4, v46, v32;
	[tilespmem:s25+$0x260] =	vst v0;
	v0 =	vld [tilespmem:s25+$0x4B0]  }
0xbc: {  	v34 =	vpsel p4, v1, v34;
	v59 =	vpsel p4, v2, v59;
	v35 =	vmul.f32 v61, v32;
	v61 =	vld [tilespmem:s25+$0x4C0]  }
0xbd: {  	v37 =	vmul.f32 v62, v34;
	v62 =	vpsel p1, v19, v27;
	[tilespmem:s25+$0x270] =	vst v38;
	v38 =	vmul.f32 v44, v59;
	v59 =	vld [tilespmem:s25+$0x4D0]  }
0xbe: {  	v36 =	vpsel p1, v20, v28;
	v44 =	vpsel p2, v11, v62  }
0xbf: {  	[tilespmem:s25+$0x290] =	vst v63;
	v63 =	vld [tilespmem:s25+$0x4E0];
	v34 =	vpsel p1, v21, v29;
	v32 =	vpsel p2, v12, v36;
	v44 =	vpsel p4, v3, v44  }
0xc0: {  	[tilespmem:s25+$0x2B0] =	vst v47;
	v36 =	vpsel p2, v13, v34;
	v47 =	vmul.f32 v0, v44;
	v0 =	vpsel p4, v4, v32  }
0xc1: {  	[tilespmem:s25+$0x2C0] =	vst v49;
	v62 =	vld [tilespmem:s25+$0x4F0];
	v32 =	vpsel p1, v22, v30;
	v49 =	vmul.f32 v61, v0;
	v0 =	vpsel p4, v5, v36  }
0xc2: {  	[tilespmem:s25+$0x2D0] =	vst v50;
	v61 =	vld [tilespmem:s25+$0x500];
	v50 =	vmul.f32 v59, v0;
	v0 =	vpsel p2, v14, v32  }
0xc3: {  	v34 =	vpsel p1, v23, v31;
	v36 =	vld [tilespmem:$0x1FF50];
	v0 =	vpsel p4, v6, v0  }
0xc4: {  	p5 =	seq.s32 s30, $0x2;
	v44 =	vpsel p2, v15, v34;
	v34 =	vmul.f32 v63, v0;
	v0 =	vld [tilespmem:$0x1FF60]  }
0xc5: {  	[tilespmem:s25+$0x2E0] =	vst v51;
	p6 =	seq.s32 s30, $0x1;
	v59 =	vpsel p5, v16, v24  }
0xc6: {  	v51 =	vld [tilespmem:s25+$0x510];
	[tilespmem:s25+$0x310] =	vst v48;
	p3 =	seq.s32 s30, $0x0;
	s31 =	spop (v2sf);
	(v2sf) =	vpush v33, $0x9;
	v59 =	vpsel p6, v8, v59  }
0xc7: {  	[tilespmem:s25+$0x300] =	vst v52;
	s28 =	spop (v2sf);
	(v2sf) =	vpush v33, $0xA;
	v44 =	vpsel p4, v7, v44;
	v63 =	vld [tilespmem:s25+$0x520];
	v32 =	vpsel p3, v46, v59  }
0xc8: {  	v52 =	vmul.f32 v62, v44;
	v62 =	vld [tilespmem:s25+$0x530];
	[tilespmem:s25+$0x2F0] =	vst v36;
	v36 =	vpsel p5, v17, v25;
	v48 =	vmul.f32 v61, v32  }
0xc9: {  	v32 =	vpsel p5, v18, v26;
	v61 =	vpsel p6, v9, v36;
	v36 =	vpsel p5, v19, v27;
	[tilespmem:s25+$0x320] =	vst v0;
	v0 =	vld [tilespmem:s25+$0x540]  }
0xca: {  	v59 =	vpsel p6, v10, v32;
	v44 =	vpsel p3, v1, v61;
	v32 =	vpsel p6, v11, v36  }
0xcb: {  	[tilespmem:s25+$0x330] =	vst v45;
	v36 =	vpsel p5, v20, v28;
	v45 =	vmul.f32 v51, v44;
	v44 =	vpsel p3, v2, v59;
	v59 =	vld [tilespmem:s25+$0x550]  }
0xcc: {  	[tilespmem:s25+$0x350] =	vst v54;
	v51 =	vpsel p3, v3, v32;
	v54 =	vmul.f32 v63, v44;
	v63 =	vpsel p6, v12, v36  }
0xcd: {  	[tilespmem:s25+$0x340] =	vst v53;
	v53 =	vld [tilespmem:s25+$0x560];
	v32 =	vpsel p5, v21, v29;
	v44 =	vmul.f32 v62, v51;
	v51 =	vpsel p3, v4, v63  }
0xce: {  	[tilespmem:s25+$0x370] =	vst v55;
	v36 =	vpsel p5, v22, v30;
	v55 =	vmul.f32 v0, v51;
	v0 =	vpsel p6, v13, v32  }
0xcf: {  	v61 =	vld [tilespmem:s25+$0x580];
	v32 =	vpsel p6, v14, v36;
	v36 =	vpsel p5, v23, v31;
	v0 =	vpsel p3, v5, v0  }
0xd0: {  	[tilespmem:s25+$0x360] =	vst v60;
	p4 =	seq.s32 s31, $0x2;
	v63 =	vpsel p6, v15, v36;
	v60 =	vmul.f32 v59, v0;
	v0 =	vld [tilespmem:$0x1FF70]  }
0xd1: {  	[tilespmem:s25+$0x3A0] =	vst v41;
	v62 =	vld [tilespmem:s25+$0x570];
	p5 =	seq.s32 s31, $0x1;
	v51 =	vpsel p3, v6, v32;
	v41 =	vpsel p3, v7, v63;
	v63 =	vpsel p4, v17, v25  }
0xd2: {  	v32 =	vmul.f32 v53, v51;
	v53 =	vpsel p5, v9, v63;
	v63 =	vld [tilespmem:$0x1FF90]  }
0xd3: {  	v36 =	vpsel p4, v16, v24;
	v59 =	vld [tilespmem:s25+$0x5A0]  }
0xd4: {  	[tilespmem:s25+$0x380] =	vst v58;
	v58 =	vld [tilespmem:s25+$0x590];
	p6 =	seq.s32 s31, $0x0;
	v51 =	vpsel p5, v8, v36  }
0xd5: {  	v36 =	vpsel p4, v18, v26;
	v51 =	vpsel p6, v46, v51;
	[tilespmem:s25+$0x3B0] =	vst v0;
	v0 =	vld [tilespmem:$0x1FF80]  }
0xd6: {  	[tilespmem:s25+$0x390] =	vst v57;
	v57 =	vmul.f32 v61, v51;
	v51 =	vpsel p5, v10, v36;
	v36 =	vpsel p4, v19, v27  }
0xd7: {  	v41 =	vmul.f32 v62, v41;
	v62 =	vld [tilespmem:s25+$0x5B0];
	v36 =	vpsel p5, v11, v36;
	[tilespmem:s25+$0x3E0] =	vst v63;
	v63 =	vpsel p6, v2, v51  }
0xd8: {  	[tilespmem:s25+$0x3F0] =	vst v43;
	v53 =	vpsel p6, v1, v53;
	v43 =	vmul.f32 v59, v63;
	v63 =	vpsel p6, v3, v36;
	v36 =	vld [tilespmem:$0x1FFC0]  }
0xd9: {  	[tilespmem:s25+$0x3D0] =	vst v56;
	v56 =	vmul.f32 v58, v53;
	v58 =	vpsel p4, v20, v28  }
0xda: {  	v53 =	vpsel p5, v12, v58;
	[tilespmem:s25+$0x3C0] =	vst v0;
	v0 =	vld [tilespmem:s25+$0x5C0]  }
0xdb: {  	v59 =	vpsel p6, v4, v53;
	v53 =	vld [tilespmem:s25+$0x5F0]  }
0xdc: {  	[tilespmem:s25+$0x410] =	vst v42;
	s29 =	spop (v2sf);
	(v2sf) =	vpush v33, $0xB;
	v42 =	vmul.f32 v62, v63;
	v62 =	vld [tilespmem:$0x1FFA0]  }
0xdd: {  	s30 =	spop (v2sf);
	(v2sf) =	vpush v33, $0xC;
	[tilespmem:s25+$0x440] =	vst v36;
	v36 =	vld [tilespmem:$0x1FFD0]  }
0xde: {  	v61 =	vld [tilespmem:s25+$0x5D0]  }
0xdf: {  	[tilespmem:s25+$0x400] =	vst v39;
	v63 =	vld [tilespmem:$0x1FFB0];
	v39 =	vmul.f32 v0, v59;
	v59 =	vpsel p4, v23, v31  }
0xe0: {  	v58 =	vld [tilespmem:s25+$0x5E0];
	v59 =	vpsel p5, v15, v59  }
0xe1: {  	p1 =	seq.s32 s28, $0x2;
	v51 =	vpsel p4, v22, v30;
	[tilespmem:s25+$0x420] =	vst v62;
	v59 =	vpsel p6, v7, v59  }
0xe2: {  	p2 =	seq.s32 s28, $0x1;
	v62 =	vld [tilespmem:s25+$0x600];
	v0 =	vpsel p4, v21, v29;
	[tilespmem:s25+$0x450] =	vst v36;
	v36 =	vmul.f32 v53, v59;
	v59 =	vpsel p1, v16, v24  }
0xe3: {  	[tilespmem:s25+$0x460] =	vst v40;
	v51 =	vpsel p5, v14, v51;
	v0 =	vpsel p5, v13, v0;
	v40 =	vpsel p2, v8, v59;
	v59 =	vld [tilespmem:$0x1FFE0]  }
0xe4: {  	v51 =	vpsel p6, v6, v51;
	[tilespmem:s25+$0x430] =	vst v63;
	v63 =	vld [tilespmem:s25+$0x610];
	v0 =	vpsel p6, v5, v0  }
0xe5: {  	v51 =	vmul.f32 v58, v51;
	v58 =	vpsel p1, v18, v26;
	p4 =	seq.s32 s28, $0x0;
	v0 =	vmul.f32 v61, v0;
	v61 =	vld [tilespmem:s25+$0x620]  }
0xe6: {  	[tilespmem:s25+$0x490] =	vst v37;
	v58 =	vpsel p2, v10, v58;
	v53 =	vpsel p1, v17, v25;
	v40 =	vpsel p4, v46, v40  }
0xe7: {  	[tilespmem:s25+$0x480] =	vst v35;
	v53 =	vpsel p2, v9, v53;
	v35 =	vmul.f32 v62, v40;
	v62 =	vpsel p4, v2, v58;
	v58 =	vld [tilespmem:s25+$0x640]  }
0xe8: {  	v40 =	vpsel p4, v1, v53;
	[tilespmem:s25+$0x470] =	vst v59;
	v59 =	vld [tilespmem:s25+$0x630]  }
0xe9: {  	[tilespmem:s25+$0x4A0] =	vst v38;
	v53 =	vpsel p1, v19, v27;
	v37 =	vmul.f32 v63, v40;
	v63 =	vpsel p1, v20, v28  }
0xea: {  	[tilespmem:s25+$0x4B0] =	vst v47;
	v40 =	vmul.f32 v61, v62;
	v61 =	vld [tilespmem:s25+$0x650];
	v62 =	vpsel p2, v11, v53;
	v47 =	vpsel p2, v12, v63  }
0xeb: {  	[tilespmem:s25+$0x4C0] =	vst v49;
	s31 =	spop (v2sf);
	(v2sf) =	vpush v33, $0xD;
	v38 =	vpsel p4, v3, v62;
	v62 =	vld [tilespmem:s25+$0x660];
	v47 =	vpsel p4, v4, v47  }
0xec: {  	[tilespmem:s25+$0x4D0] =	vst v50;
	s28 =	spop (v2sf);
	(v2sf) =	vpush v33, $0xE;
	v53 =	vpsel p1, v21, v29;
	v47 =	vmul.f32 v58, v47;
	v58 =	vld [tilespmem:s25+$0x680]  }
0xed: {  	[tilespmem:s25+$0x4F0] =	vst v52;
	p5 =	seq.s32 s29, $0x2;
	v63 =	vpsel p1, v22, v30;
	v38 =	vmul.f32 v59, v38;
	v59 =	vpsel p2, v13, v53;
	v53 =	vld [tilespmem:s25+$0x670]  }
0xee: {  	[tilespmem:s25+$0x4E0] =	vst v34;
	v49 =	vpsel p4, v5, v59;
	v59 =	vpsel p2, v14, v63;
	v63 =	vpsel p5, v16, v24  }
0xef: {  	[tilespmem:s25+$0x500] =	vst v48;
	p6 =	seq.s32 s29, $0x1;
	v34 =	vmul.f32 v61, v49;
	v61 =	vpsel p1, v23, v31;
	v49 =	vpsel p4, v6, v59  }
0xf0: {  	[tilespmem:s25+$0x510] =	vst v45;
	p3 =	seq.s32 s29, $0x0;
	v59 =	vld [tilespmem:s25+$0x690];
	v50 =	vpsel p2, v15, v61;
	v48 =	vmul.f32 v62, v49;
	v62 =	vpsel p6, v8, v63  }
0xf1: {  	v52 =	vld [tilespmem:s25+$0x6A0];
	[tilespmem:s25+$0x520] =	vst v54;
	v61 =	vpsel p4, v7, v50;
	v63 =	vpsel p3, v46, v62;
	v62 =	vpsel p5, v18, v26  }
0xf2: {  	[tilespmem:s25+$0x530] =	vst v44;
	v45 =	vmul.f32 v53, v61;
	v61 =	vpsel p5, v17, v25;
	v49 =	vmul.f32 v58, v63  }
0xf3: {  	[tilespmem:s25+$0x540] =	vst v55;
	v53 =	vld [tilespmem:s25+$0x6B0];
	v50 =	vpsel p6, v9, v61;
	v61 =	vpsel p6, v10, v62;
	v62 =	vpsel p5, v19, v27  }
0xf4: {  	v55 =	vld [tilespmem:s25+$0x6D0];
	[tilespmem:s25+$0x550] =	vst v60;
	v63 =	vpsel p3, v1, v50;
	v50 =	vpsel p3, v2, v61;
	v54 =	vpsel p6, v11, v62  }
0xf5: {  	[tilespmem:s25+$0x560] =	vst v32;
	v58 =	vld [tilespmem:s25+$0x6C0];
	v61 =	vpsel p5, v21, v29;
	v62 =	vpsel p5, v22, v30;
	v44 =	vmul.f32 v59, v63  }
0xf6: {  	[tilespmem:s25+$0x570] =	vst v41;
	p4 =	seq.s32 s30, $0x2;
	v54 =	vpsel p3, v3, v54;
	v59 =	vpsel p5, v20, v28;
	v32 =	vmul.f32 v52, v50  }
0xf7: {  	v60 =	vld [tilespmem:s25+$0x6E0];
	[tilespmem:s25+$0x580] =	vst v57;
	v52 =	vpsel p6, v13, v61;
	v61 =	vpsel p4, v16, v24;
	v63 =	vpsel p6, v12, v59  }
0xf8: {  	[tilespmem:s25+$0x590] =	vst v56;
	v52 =	vpsel p3, v5, v52;
	v50 =	vmul.f32 v53, v54;
	v59 =	vpsel p3, v4, v63  }
0xf9: {  	v57 =	vld [tilespmem:s25+$0x700];
	[tilespmem:s25+$0x5A0] =	vst v43;
	v53 =	vpsel p6, v14, v62;
	v63 =	vpsel p5, v23, v31;
	v43 =	vmul.f32 v55, v52  }
0xfa: {  	v56 =	vld [tilespmem:s25+$0x720];
	[tilespmem:s25+$0x5B0] =	vst v42;
	p5 =	seq.s32 s30, $0x1;
	v62 =	vpsel p4, v17, v25;
	v41 =	vmul.f32 v58, v59;
	v53 =	vpsel p3, v6, v53  }
0xfb: {  	[tilespmem:s25+$0x5E0] =	vst v51;
	v54 =	vld [tilespmem:s25+$0x6F0];
	v59 =	vpsel p6, v15, v63;
	v63 =	vpsel p5, v8, v61;
	v61 =	vpsel p4, v18, v26  }
0xfc: {  	[tilespmem:s25+$0x5C0] =	vst v39;
	v58 =	vld [tilespmem:s25+$0x710];
	p6 =	seq.s32 s30, $0x0;
	v52 =	vmul.f32 v60, v53;
	v60 =	vpsel p3, v7, v59;
	v59 =	vpsel p5, v9, v62  }
0xfd: {  	[tilespmem:s25+$0x5D0] =	vst v0;
	v0 =	vpsel p6, v46, v63;
	v62 =	vpsel p5, v10, v61;
	v63 =	vpsel p4, v19, v27  }
0xfe: {  	s29 =	spop (v2sf);
	(v2sf) =	vpush v33, $0xF;
	[tilespmem:s25+$0x5F0] =	vst v36;
	v61 =	vpsel p6, v2, v62;
	v36 =	vpsel p5, v11, v63  }
0xff: {  	[tilespmem:s25+$0x600] =	vst v35;
	v55 =	vld [tilespmem:s25+$0x740];
	v0 =	vmul.f32 v57, v0;
	v35 =	vmul.f32 v56, v61;
	v36 =	vpsel p6, v3, v36  }
0x100: {  	[tilespmem:s25+$0x610] =	vst v37;
	v57 =	vld [tilespmem:s25+$0x750];
	v56 =	vpsel p4, v21, v29;
	v39 =	vmul.f32 v54, v60;
	v60 =	vpsel p6, v1, v59  }
0x101: {  	p0 =	seq.s32 s31, $0x2;
	v51 =	vld [tilespmem:s25+$0x770];
	[tilespmem:s25+$0x620] =	vst v40;
	v59 =	vpsel p4, v22, v30;
	v42 =	vmul.f32 v58, v60;
	v60 =	vpsel p4, v20, v28  }
0x102: {  	[tilespmem:s25+$0x640] =	vst v47;
	v54 =	vld [tilespmem:s25+$0x730];
	v58 =	vpsel p5, v13, v56;
	v40 =	vpsel p5, v14, v59;
	v56 =	vpsel p0, v16, v24  }
0x103: {  	[tilespmem:s25+$0x630] =	vst v38;
	v53 =	vld [tilespmem:s25+$0x760];
	v59 =	vpsel p0, v18, v26;
	v62 =	vpsel p5, v12, v60;
	v60 =	vpsel p4, v23, v31  }
0x104: {  	[tilespmem:s25+$0x650] =	vst v34;
	v38 =	vpsel p6, v5, v58;
	v58 =	vpsel p0, v17, v25;
	v63 =	vpsel p6, v4, v62  }
0x105: {  	p1 =	seq.s32 s31, $0x1;
	[tilespmem:s25+$0x660] =	vst v48;
	v61 =	vpsel p5, v15, v60;
	v34 =	vmul.f32 v57, v38;
	v37 =	vmul.f32 v55, v63;
	v55 =	vld [tilespmem:s25+$0x780]  }
0x106: {  	v47 =	vld [tilespmem:s25+$0x7A0];
	[tilespmem:s25+$0x670] =	vst v45;
	v62 =	vpsel p6, v6, v40;
	v57 =	vpsel p1, v8, v56;
	v48 =	vpsel p1, v9, v58  }
0x107: {  	[tilespmem:s25+$0x680] =	vst v49;
	p3 =	seq.s32 s31, $0x0;
	v60 =	vpsel p1, v10, v59;
	v63 =	vpsel p6, v7, v61;
	v36 =	vmul.f32 v54, v36;
	v54 =	vld [tilespmem:s25+$0x790]  }
0x108: {  	[tilespmem:s25+$0x690] =	vst v44;
	v38 =	vmul.f32 v53, v62;
	v45 =	vpsel p3, v46, v57;
	v40 =	vmul.f32 v51, v63;
	v63 =	vld [tilespmem:s25+$0x7C0]  }
0x109: {  	[tilespmem:s25+$0x6A0] =	vst v32;
	v61 =	vpsel p3, v1, v48;
	v62 =	vpsel p3, v2, v60;
	v57 =	vpsel p0, v20, v28  }
0x10a: {  	[tilespmem:s25+$0x6B0] =	vst v50;
	v60 =	vpsel p0, v21, v29;
	v51 =	vld [tilespmem:s25+$0x7B0];
	v59 =	vpsel p1, v12, v57;
	v44 =	vmul.f32 v55, v45  }
0x10b: {  	[tilespmem:s25+$0x6D0] =	vst v43;
	v56 =	vld [tilespmem:s25+$0x7D0];
	v45 =	vmul.f32 v47, v62;
	v55 =	vpsel p0, v19, v27;
	v62 =	vpsel p1, v13, v60  }
0x10c: {  	[tilespmem:s25+$0x6C0] =	vst v41;
	v32 =	vmul.f32 v54, v61;
	v47 =	vpsel p1, v11, v55;
	v61 =	vpsel p3, v4, v59  }
0x10d: {  	v50 =	vld [tilespmem:s25+$0x7F0];
	[tilespmem:s25+$0x6E0] =	vst v52;
	v55 =	vpsel p0, v23, v31;
	v58 =	vpsel p3, v3, v47;
	v43 =	vmul.f32 v63, v61  }
0x10e: {  	[tilespmem:s25+$0x700] =	vst v0;
	p4 =	seq.s32 s28, $0x2;
	v53 =	vld [tilespmem:s25+$0x7E0];
	v47 =	vpsel p3, v5, v62;
	v63 =	vpsel p0, v22, v30;
	v57 =	vpsel p1, v15, v55  }
0x10f: {  	v52 =	vld [tilespmem:s25+$0x820];
	[tilespmem:s25+$0x720] =	vst v35;
	v61 =	vpsel p4, v17, v25;
	v55 =	vpsel p4, v18, v26;
	v41 =	vmul.f32 v51, v58  }
0x110: {  	[tilespmem:s25+$0x6F0] =	vst v39;
	p5 =	seq.s32 s28, $0x1;
	p0 =	seq.s32 s29, $0x2;
	v51 =	vld [tilespmem:s25+$0x800];
	v39 =	vmul.f32 v56, v47;
	v54 =	vpsel p1, v14, v63;
	v58 =	vpsel p4, v16, v24  }
0x111: {  	[tilespmem:s25+$0x710] =	vst v42;
	v56 =	vld [tilespmem:s25+$0x810];
	v59 =	vpsel p3, v7, v57;
	v63 =	vpsel p5, v9, v61;
	v48 =	vpsel p0, v21, v29  }
0x112: {  	p6 =	seq.s32 s28, $0x0;
	[tilespmem:s25+$0x730] =	vst v36;
	v0 =	vpsel p3, v6, v54;
	v60 =	vpsel p5, v8, v58;
	v36 =	vmul.f32 v50, v59  }
0x113: {  	[tilespmem:s25+$0x750] =	vst v34;
	v54 =	vpsel p6, v1, v63;
	v58 =	vpsel p5, v10, v55;
	v0 =	vmul.f32 v53, v0  }
0x114: {  	[tilespmem:s25+$0x740] =	vst v37;
	v62 =	vpsel p6, v46, v60;
	v53 =	vld [tilespmem:s25+$0x830];
	v34 =	vpsel p6, v2, v58;
	v58 =	vpsel p4, v23, v31  }
0x115: {  	[tilespmem:s25+$0x760] =	vst v38;
	v57 =	vld [tilespmem:s25+$0x840];
	v34 =	vmul.f32 v52, v34;
	v52 =	vpsel p4, v21, v29;
	v35 =	vmul.f32 v51, v62  }
0x116: {  	[tilespmem:s25+$0x770] =	vst v40;
	v60 =	vld [tilespmem:s25+$0x850];
	v37 =	vmul.f32 v56, v54;
	v56 =	vpsel p4, v19, v27;
	v62 =	vpsel p4, v20, v28  }
0x117: {  	[tilespmem:s25+$0x780] =	vst v44;
	v55 =	vpsel p5, v13, v52;
	v59 =	vpsel p5, v11, v56;
	v51 =	vpsel p5, v12, v62  }
0x118: {  	p2 =	seq.s32 s29, $0x1;
	[tilespmem:s25+$0x7A0] =	vst v45;
	v62 =	vpsel p0, v17, v25;
	v61 =	vpsel p6, v3, v59;
	v40 =	vpsel p6, v4, v51  }
0x119: {  	[tilespmem:s25+$0x790] =	vst v32;
	v63 =	vld [tilespmem:s25+$0x860];
	v51 =	vpsel p2, v9, v62;
	v38 =	vmul.f32 v53, v61;
	v53 =	vpsel p4, v22, v30  }
0x11a: {  	[tilespmem:s25+$0x7C0] =	vst v43;
	v54 =	vld [tilespmem:s25+$0x870];
	v32 =	vmul.f32 v57, v40;
	v40 =	vpsel p6, v5, v55;
	v61 =	vpsel p0, v16, v24  }
0x11b: {  	[tilespmem:s25+$0x7B0] =	vst v41;
	v59 =	vld [tilespmem:s25+$0x890];
	p4 =	seq.s32 s29, $0x0;
	v56 =	vpsel p5, v14, v53;
	v40 =	vmul.f32 v60, v40;
	v60 =	vpsel p5, v15, v58  }
0x11c: {  	[tilespmem:s25+$0x7D0] =	vst v39;
	v50 =	vpsel p2, v8, v61;
	v52 =	vpsel p4, v1, v51;
	v53 =	vpsel p0, v18, v26  }
0x11d: {  	[tilespmem:s25+$0x7F0] =	vst v36;
	v57 =	vld [tilespmem:s25+$0x880];
	v58 =	vpsel p0, v19, v27;
	v61 =	vpsel p0, v20, v28;
	v42 =	vpsel p6, v6, v56  }
0x11e: {  	[tilespmem:s25+$0x7E0] =	vst v0;
	v0 =	vpsel p4, v46, v50;
	v41 =	vmul.f32 v63, v42;
	v42 =	vpsel p6, v7, v60;
	v63 =	vld [tilespmem:s25+$0x8A0]  }
0x11f: {  	s30 =	spop (v2sf);
	[tilespmem:s25+$0x820] =	vst v34;
	v55 =	vpsel p2, v10, v53;
	v50 =	vpsel p2, v13, v48;
	v39 =	vmul.f32 v54, v42;
	v54 =	vld [tilespmem:s25+$0x8B0]  }
0x120: {  	[tilespmem:s25+$0x800] =	vst v35;
	p5 =	seq.s32 s30, $0x2;
	v53 =	vpsel p0, v22, v30;
	v60 =	vpsel p2, v11, v58;
	v36 =	vmul.f32 v59, v52;
	v59 =	vld [tilespmem:s25+$0x8D0]  }
0x121: {  	[tilespmem:s25+$0x810] =	vst v37;
	v56 =	vld [tilespmem:s25+$0x8C0];
	v45 =	vpsel p5, v18, v26;
	p6 =	seq.s32 s30, $0x1;
	v62 =	vpsel p4, v3, v60;
	v52 =	vpsel p4, v5, v50  }
0x122: {  	[tilespmem:s25+$0x830] =	vst v38;
	v48 =	vpsel p6, v10, v45;
	v0 =	vmul.f32 v57, v0;
	v57 =	vpsel p4, v2, v55  }
0x123: {  	v49 =	vld [tilespmem:s25+$0x8E0];
	[tilespmem:s25+$0x840] =	vst v32;
	v55 =	vpsel p2, v14, v53;
	v35 =	vmul.f32 v63, v57;
	v63 =	vpsel p2, v12, v61  }
0x124: {  	[tilespmem:s25+$0x850] =	vst v40;
	v57 =	vpsel p5, v16, v24;
	v34 =	vmul.f32 v54, v62;
	v37 =	vpsel p4, v4, v63  }
0x125: {  	v58 =	vld [tilespmem:s25+$0x910];
	[tilespmem:s25+$0x860] =	vst v41;
	v33 =	vmul.f32 v59, v52;
	v59 =	vpsel p6, v8, v57;
	v62 =	vpsel p5, v17, v25  }
0x126: {  	p3 =	seq.s32 s30, $0x0;
	v51 =	vld [tilespmem:s25+$0x8F0];
	[tilespmem:s25+$0x870] =	vst v39;
	v32 =	vmul.f32 v56, v37;
	v56 =	vpsel p0, v23, v31;
	v37 =	vpsel p4, v6, v55  }
0x127: {  	[tilespmem:s25+$0x890] =	vst v36;
	v61 =	vpsel p3, v46, v59;
	v44 =	vpsel p6, v9, v62;
	v62 =	vpsel p5, v22, v30  }
0x128: {  	v60 =	vld [tilespmem:s25+$0x920];
	[tilespmem:s25+$0x880] =	vst v0;
	v38 =	vpsel p2, v15, v56;
	v37 =	vmul.f32 v49, v37;
	v47 =	vpsel p3, v1, v44  }
0x129: {  	v54 =	vld [tilespmem:s25+$0x900];
	[tilespmem:s25+$0x8A0] =	vst v35;
	v49 =	vpsel p5, v19, v27;
	v56 =	vpsel p5, v20, v28;
	v45 =	vpsel p6, v14, v62  }
0x12a: {  	v63 =	vld [tilespmem:s25+$0x930];
	[tilespmem:s25+$0x8B0] =	vst v34;
	v38 =	vpsel p4, v7, v38;
	v34 =	vmul.f32 v58, v47;
	v52 =	vpsel p6, v11, v49  }
0x12b: {  	s31 =	spop (v2sf);
	v57 =	vld [tilespmem:s25+$0x960];
	[tilespmem:s25+$0x8D0] =	vst v33;
	v59 =	vpsel p6, v12, v56;
	v49 =	vpsel p5, v23, v31;
	v0 =	vmul.f32 v51, v38  }
0x12c: {  	v50 =	vld [tilespmem:s25+$0x940];
	[tilespmem:s25+$0x8C0] =	vst v32;
	p4 =	seq.s32 s31, $0x2;
	v51 =	vpsel p3, v2, v48;
	v55 =	vpsel p3, v3, v52;
	v35 =	vpsel p3, v4, v59  }
0x12d: {  	v53 =	vld [tilespmem:s25+$0x950];
	[tilespmem:s25+$0x8E0] =	vst v37;
	v48 =	vpsel p3, v6, v45;
	v52 =	vpsel p6, v15, v49;
	v56 =	vpsel p4, v17, v25  }
0x12e: {  	v47 =	vld [tilespmem:s25+$0x980];
	v62 =	vpsel p4, v18, v26;
	v42 =	vpsel p4, v19, v27;
	v36 =	vmul.f32 v54, v61;
	[tilespmem:s25+$0x910] =	vst v34  }
0x12f: {  	v54 =	vmul.f32 v60, v51;
	v58 =	vmul.f32 v63, v55;
	v60 =	vpsel p5, v21, v29;
	v63 =	vld [tilespmem:s25+$0x970];
	[tilespmem:s25+$0x8F0] =	vst v0  }
0x130: {  	v45 =	vpsel p4, v20, v28;
	v51 =	vmul.f32 v57, v48;
	p5 =	seq.s32 s31, $0x1;
	v57 =	vld [tilespmem:s25+$0x9A0];
	v61 =	vpsel p6, v13, v60;
	[tilespmem:s25+$0x900] =	vst v36  }
0x131: {  	v0 =	vmul.f32 v50, v35;
	v59 =	vpsel p5, v9, v56;
	v44 =	vpsel p3, v5, v61;
	[tilespmem:s25+$0x920] =	vst v54  }
0x132: {  	v50 =	vld [tilespmem:s25+$0x990];
	p6 =	seq.s32 s31, $0x0;
	v41 =	vpsel p5, v10, v62;
	[tilespmem:s25+$0x930] =	vst v58;
	v35 =	vmul.f32 v53, v44;
	v53 =	vpsel p4, v16, v24  }
0x133: {  	v60 =	vld [tilespmem:s25+$0x9B0];
	v54 =	vpsel p3, v7, v52;
	v61 =	vpsel p6, v1, v59;
	[tilespmem:s25+$0x960] =	vst v51;
	v55 =	vpsel p5, v8, v53  }
0x134: {  	v43 =	vpsel p6, v2, v41;
	v51 =	vld [tilespmem:s25+$0x9E0];
	[tilespmem:s25+$0x940] =	vst v0;
	v32 =	vmul.f32 v63, v54;
	v58 =	vpsel p6, v46, v55  }
0x135: {  	v44 =	vpsel p5, v11, v42;
	[tilespmem:s25+$0x950] =	vst v35;
	v48 =	vmul.f32 v57, v43;
	v0 =	vmul.f32 v47, v58;
	v47 =	vld [tilespmem:s25+$0x9D0]  }
0x136: {  	v49 =	vpsel p6, v3, v44;
	v53 =	vpsel p4, v21, v29;
	v63 =	vld [tilespmem:s25+$0x9C0];
	v57 =	vpsel p4, v22, v30;
	[tilespmem:s25+$0x970] =	vst v32  }
0x137: {  	v54 =	vld [tilespmem:s25+$0x9F0];
	v56 =	vpsel p5, v13, v53;
	v33 =	vmul.f32 v50, v61;
	v59 =	vpsel p5, v14, v57;
	[tilespmem:s25+$0x9A0] =	vst v48  }
0x138: {  	v50 =	vpsel p5, v12, v45;
	v61 =	vpsel p6, v6, v59;
	[tilespmem:s25+$0x980] =	vst v0;
	v0 =	vmul.f32 v60, v49  }
0x139: {  	p0 =	sne.s32 s24, $0x9;
	v58 =	vpsel p6, v5, v56;
	[tilespmem:s25+$0x990] =	vst v33;
	v60 =	vpsel p4, v23, v31;
	v32 =	vmul.f32 v51, v61  }
.Ltmp5:
0x13a: {  	v52 =	vpsel p6, v4, v50;
	v62 =	vpsel p5, v15, v60;
	[tilespmem:s25+$0x9B0] =	vst v0;
	v0 =	vmul.f32 v47, v58;
	(pc) =	sbr.rel @p0 .LBB2_4-.Ltmp5, $4  }
0x13b: {  	v55 =	vmul.f32 v63, v52;
	v63 =	vpsel p6, v7, v62;
	[tilespmem:s25+$0x9E0] =	vst v32  }
0x13c: {  	[tilespmem:s25+$0x9D0] =	vst v0;
	v0 =	vmul.f32 v54, v63  }
0x13d: {  	[tilespmem:s25+$0x9C0] =	vst v55  }
0x13e: {  	s24 =	sadd.s32 $0x1, s24;
	[tilespmem:s25+$0x9F0] =	vst v0  }
0x13f: {  	s23 =	smul.u32 $0x14000, s22  }
.Ltmp6:
0x140: {  	_ = 	snop;
	(pc) =	sbr.rel .LBB2_6-.Ltmp6, $4  }
0x141: {  	s21 =	smul.u32 $0xA00, s21  }
0x142: {  	s23 =	sshrl.u32 s23, $0x2  }
0x143: {  	s31 =	sadd.s32 $0x5, s22;
	s21 =	sadd.s32 s5, s21;
	s23 =	sor.u32 $0x200, s23  }
0x144: {  	[hbm4b:s21+s7] =	stream.linear.scatter [tilespmem:s23], [sflag:s31], $0x5000, $0x38;
	[tilespmem:$0x14480] =	vst v63  }
.LBB2_8:
0x145: {  	_ =	sfence.sel $0x180000  }
0x146: {  	[bflag:$0x0] =	sbarrier.arrive $0xFFFF  }
0x147: {  	p0 =	sne.s32 s0, $0x0;
	_ =	strace $0x90000047  }
0x148: {  	s0 =	sadd.s32 @!p0 $0x100000, s3;
	[bflag:$0x2] =	sbarrier.arrive $0xFFFF  }
0x149: {  	[sflag:s0] =	ssyncadd.tile.s32 @!p0 $0x1;
	_ =	shalt  }
.Lfunc_end2:
_tile_overlayer_lowered:
.L_overlay_start_2:
0x14a: {  	(tag) =	ssettag $0x2  }
0x14b: {  	s0 =	rddreg [dreg:$0x0];
	s2 =	stileid.u32  }
0x14c: {  	s1 =	rddreg [dreg:$0x1];
	p0 =	sne.s32 s2, $0x0  }
0x14d: {  	s3 =	rddreg [dreg:$0x2];
	[bflag:$0x3] =	sbarrier.arrive $0xFFFF;
	s2 =	simm.s32 @!p0 $0x1C09  }
0x14e: {  	[timem:s3], [sflag:s2] =	dma.local @!p0 [hbm:s0], s1  }
0x14f: {  	s0 =	simm.s32 @!p0 $0x9  }
0x150: {  	_ =	swait.ge @!p0 [sflag:s0], s1  }
0x151: {  	s1 =	ssub.s32 @!p0 $0x0, s1;
	[sflag:s0] =	ssyncset.done @!p0 $0x0  }
0x152: {  	[sflag:s0] =	ssyncadd.s32 @!p0 s1  }
0x153: {  	[bflag:$0x3] =	sbarrier.arrive $0xFFFF  }
0x154: {  	_ =	shalt  }

</sc_bundles>
